<compile_context>
chip_gen: v7x
topology: tpu7x:2x2x1
jax: 0.10.2.dev20260603
libtpu: 0.0.44.dev20260713+nightly
codegen_flags: <defaults>
</compile_context>

<pallas_src>
import functools

import jax
import jax.numpy as jnp
from jax import lax
from jax.experimental import pallas as pl
from jax.experimental.pallas import tpu as pltpu
from jax.experimental.pallas import tpu_sc as plsc

N = 10000
N_PAD = 10240
E = 160000
E_PAD = 163840
PAD_ROW = N_PAD - 8
NT = 16
ROWS_PER_TILE = N_PAD // NT

CHUNK = 128
CHT = (E_PAD // NT) // CHUNK
DEG_CHT = (E_PAD // 32) // CHUNK
IDXG = 40
DEG_W = 128
ZROWS = 128


def _sc_mesh():
    return plsc.VectorSubcoreMesh(core_axis_name="c", subcore_axis_name="s")


def _degree_counts(dst3, ones_rows, zero_rows):

    @functools.partial(
        pl.kernel,
        out_type=(jax.ShapeDtypeStruct((N_PAD, DEG_W), jnp.float32),
                  jax.ShapeDtypeStruct((N_PAD, DEG_W), jnp.float32)),
        mesh=_sc_mesh(),
        scratch_types=[
            pltpu.VMEM((DEG_CHT, CHUNK), jnp.int32),
            pltpu.VMEM((CHUNK, DEG_W), jnp.float32),
            pltpu.VMEM_SHARED((N_PAD, DEG_W), jnp.float32),
            pltpu.SemaphoreType.DMA,
        ],
    )
    def k(dst_h, ones_h, zeros_h, cnt0_h, cnt1_h, dstv, ones_v, cnt_sh, sem):
        c = lax.axis_index("c")
        t = lax.axis_index("s")
        w = c * NT + t
        pltpu.sync_copy(dst_h.at[w], dstv)
        pltpu.sync_copy(ones_h, ones_v)
        for j in range(ROWS_PER_TILE // ZROWS):
            pltpu.sync_copy(zeros_h,
                            cnt_sh.at[pl.ds(t * ROWS_PER_TILE + j * ZROWS, ZROWS)])
        plsc.subcore_barrier()

        @pl.loop(0, DEG_CHT)
        def _(kk):
            pltpu.async_copy(ones_v, cnt_sh.at[dstv.at[kk]], sem, add=True)

        @pl.loop(0, DEG_CHT)
        def _(kk):
            pltpu.make_async_copy(ones_v, cnt_sh.at[dstv.at[0]], sem).wait()

        plsc.subcore_barrier()
        rs = pl.ds(t * ROWS_PER_TILE, ROWS_PER_TILE)

        @pl.when(c == 0)
        def _():
            pltpu.sync_copy(cnt_sh.at[rs], cnt0_h.at[rs])

        @pl.when(c == 1)
        def _():
            pltpu.sync_copy(cnt_sh.at[rs], cnt1_h.at[rs])

    return k(dst3, ones_rows, zero_rows)


def _propagate(h_left, h_right, src2, dst2, dh):

    @functools.partial(
        pl.kernel,
        out_type=(jax.ShapeDtypeStruct((N_PAD, dh), jnp.float32),
                  jax.ShapeDtypeStruct((N_PAD, dh), jnp.float32)),
        mesh=_sc_mesh(),
        scratch_types=[
            pltpu.VMEM((IDXG, CHUNK), jnp.int32),
            pltpu.VMEM((IDXG, CHUNK), jnp.int32),
            pltpu.VMEM((CHUNK, dh), jnp.float32),
            pltpu.VMEM((CHUNK, dh), jnp.float32),
            pltpu.VMEM_SHARED((N_PAD, dh), jnp.float32),
            pltpu.SemaphoreType.DMA,
            pltpu.SemaphoreType.DMA,
        ],
    )
    def k(hl_h, hr_h, src_h, dst_h, outl_h, outr_h,
          srcb, dstb, rows_a, rows_b, acc_sh, sem_a, sem_b):
        c = lax.axis_index("c")
        t = lax.axis_index("s")
        rs = pl.ds(t * ROWS_PER_TILE, ROWS_PER_TILE)

        def work(h_h, out_h):
            pltpu.sync_copy(h_h.at[rs], acc_sh.at[rs])
            plsc.subcore_barrier()

            @pl.loop(0, CHT // IDXG)
            def _(g):
                base = t * CHT + g * IDXG
                pltpu.sync_copy(src_h.at[pl.ds(base, IDXG)], srcb)
                pltpu.sync_copy(dst_h.at[pl.ds(base, IDXG)], dstb)
                pltpu.async_copy(h_h.at[srcb.at[0]], rows_a, sem_a)

                @pl.loop(0, IDXG, step=2)
                def _(j):
                    pltpu.make_async_copy(h_h.at[srcb.at[j]], rows_a,
                                          sem_a).wait()
                    pltpu.async_copy(h_h.at[srcb.at[j + 1]], rows_b, sem_b)
                    pltpu.sync_copy(rows_a, acc_sh.at[dstb.at[j]], add=True)
                    pltpu.make_async_copy(h_h.at[srcb.at[j + 1]], rows_b,
                                          sem_b).wait()

                    @pl.when(j + 2 < IDXG)
                    def _():
                        pltpu.async_copy(h_h.at[srcb.at[j + 2]], rows_a, sem_a)

                    pltpu.sync_copy(rows_b, acc_sh.at[dstb.at[j + 1]],
                                    add=True)

            plsc.subcore_barrier()
            pltpu.sync_copy(acc_sh.at[rs], out_h.at[rs])

        @pl.when(c == 0)
        def _():
            work(hl_h, outl_h)

        @pl.when(c == 1)
        def _():
            work(hr_h, outr_h)

    return k(h_left, h_right, src2, dst2)


def _propagate_last(ha, hb, src2, dst2):

    @functools.partial(
        pl.kernel,
        out_type=(jax.ShapeDtypeStruct((N_PAD, 128), jnp.float32),
                  jax.ShapeDtypeStruct((N_PAD, 128), jnp.float32)),
        mesh=_sc_mesh(),
        scratch_types=[
            pltpu.VMEM((DEG_CHT, CHUNK), jnp.int32),
            pltpu.VMEM((DEG_CHT, CHUNK), jnp.int32),
            pltpu.VMEM((CHUNK, 128), jnp.float32),
            pltpu.VMEM((CHUNK, 128), jnp.float32),
            pltpu.VMEM_SHARED((N_PAD, 128), jnp.float32),
            pltpu.SemaphoreType.DMA,
            pltpu.SemaphoreType.DMA,
        ],
    )
    def k(ha_h, hb_h, src_h, dst_h, out0_h, out1_h,
          srcb, dstb, rows_a, rows_b, acc_sh, sem_a, sem_b):
        c = lax.axis_index("c")
        t = lax.axis_index("s")
        w = c * NT + t
        rs = pl.ds(t * ROWS_PER_TILE, ROWS_PER_TILE)

        def work(h_h, out_h):
            pltpu.sync_copy(h_h.at[rs], acc_sh.at[rs])
            plsc.subcore_barrier()

            base = w * DEG_CHT
            pltpu.sync_copy(src_h.at[pl.ds(base, DEG_CHT)], srcb)
            pltpu.sync_copy(dst_h.at[pl.ds(base, DEG_CHT)], dstb)
            pltpu.async_copy(h_h.at[srcb.at[0]], rows_a, sem_a)

            @pl.loop(0, DEG_CHT, step=2)
            def _(j):
                pltpu.make_async_copy(h_h.at[srcb.at[j]], rows_a,
                                      sem_a).wait()
                pltpu.async_copy(h_h.at[srcb.at[j + 1]], rows_b, sem_b)
                pltpu.sync_copy(rows_a, acc_sh.at[dstb.at[j]], add=True)
                pltpu.make_async_copy(h_h.at[srcb.at[j + 1]], rows_b,
                                      sem_b).wait()

                @pl.when(j + 2 < DEG_CHT)
                def _():
                    pltpu.async_copy(h_h.at[srcb.at[j + 2]], rows_a,
                                     sem_a)

                pltpu.sync_copy(rows_b, acc_sh.at[dstb.at[j + 1]],
                                add=True)

            plsc.subcore_barrier()
            pltpu.sync_copy(acc_sh.at[rs], out_h.at[rs])

        @pl.when(c == 0)
        def _():
            work(ha_h, out0_h)

        @pl.when(c == 1)
        def _():
            work(hb_h, out1_h)

    return k(ha, hb, src2, dst2)


BLK = 1024


def _dinv_block(c0_ref, c1_ref):
    deg = c0_ref[:, 0:1] + c1_ref[:, 0:1] + 1.0
    return lax.rsqrt(deg)


def _mm_xw(x, w):
    d_out = w.shape[1]
    dh = d_out // 2

    def body(x_ref, w_ref, ol_ref, or_ref):
        h = jnp.dot(x_ref[...], w_ref[...],
                    preferred_element_type=jnp.float32)
        ol_ref[...] = h[:, :dh]
        or_ref[...] = h[:, dh:]

    return pl.pallas_call(
        body,
        grid=(N_PAD // BLK,),
        in_specs=[
            pl.BlockSpec((BLK, x.shape[1]), lambda i: (i, 0)),
            pl.BlockSpec(w.shape, lambda i: (0, 0)),
        ],
        out_specs=[
            pl.BlockSpec((BLK, dh), lambda i: (i, 0)),
            pl.BlockSpec((BLK, dh), lambda i: (i, 0)),
        ],
        out_shape=[
            jax.ShapeDtypeStruct((N_PAD, dh), jnp.float32),
            jax.ShapeDtypeStruct((N_PAD, dh), jnp.float32),
        ],
    )(x, w)


def _scale_halves(xwl, xwr, cnt0, cnt1):
    dh = xwl.shape[1]

    def body(xl_ref, xr_ref, c0_ref, c1_ref, ol_ref, or_ref):
        dinv = _dinv_block(c0_ref, c1_ref)
        ol_ref[...] = xl_ref[...] * dinv
        or_ref[...] = xr_ref[...] * dinv

    return pl.pallas_call(
        body,
        grid=(N_PAD // BLK,),
        in_specs=[
            pl.BlockSpec((BLK, dh), lambda i: (i, 0)),
            pl.BlockSpec((BLK, dh), lambda i: (i, 0)),
            pl.BlockSpec((BLK, DEG_W), lambda i: (i, 0)),
            pl.BlockSpec((BLK, DEG_W), lambda i: (i, 0)),
        ],
        out_specs=[
            pl.BlockSpec((BLK, dh), lambda i: (i, 0)),
            pl.BlockSpec((BLK, dh), lambda i: (i, 0)),
        ],
        out_shape=[
            jax.ShapeDtypeStruct((N_PAD, dh), jnp.float32),
            jax.ShapeDtypeStruct((N_PAD, dh), jnp.float32),
        ],
    )(xwl, xwr, cnt0, cnt1)


def _mm_mid(accl, accr, cnt0, cnt1, b_row, w):
    d_in = accl.shape[1] + accr.shape[1]
    dh_in = accl.shape[1]
    d_out = w.shape[1]
    dh = d_out // 2

    def body(al_ref, ar_ref, c0_ref, c1_ref, b_ref, w_ref, ol_ref, or_ref):
        dinv = _dinv_block(c0_ref, c1_ref)
        a = jnp.concatenate([al_ref[...], ar_ref[...]], axis=1)
        xr = jnp.maximum(a * dinv + b_ref[...], 0.0)
        h = jnp.dot(xr, w_ref[...], preferred_element_type=jnp.float32) * dinv
        ol_ref[...] = h[:, :dh]
        or_ref[...] = h[:, dh:]

    return pl.pallas_call(
        body,
        grid=(N_PAD // BLK,),
        in_specs=[
            pl.BlockSpec((BLK, dh_in), lambda i: (i, 0)),
            pl.BlockSpec((BLK, dh_in), lambda i: (i, 0)),
            pl.BlockSpec((BLK, DEG_W), lambda i: (i, 0)),
            pl.BlockSpec((BLK, DEG_W), lambda i: (i, 0)),
            pl.BlockSpec((1, d_in), lambda i: (0, 0)),
            pl.BlockSpec(w.shape, lambda i: (0, 0)),
        ],
        out_specs=[
            pl.BlockSpec((BLK, dh), lambda i: (i, 0)),
            pl.BlockSpec((BLK, dh), lambda i: (i, 0)),
        ],
        out_shape=[
            jax.ShapeDtypeStruct((N_PAD, dh), jnp.float32),
            jax.ShapeDtypeStruct((N_PAD, dh), jnp.float32),
        ],
    )(accl, accr, cnt0, cnt1, b_row, w)


def _mm_last(accl, accr, cnt0, cnt1, b_row, w_pad):
    d_in = accl.shape[1] + accr.shape[1]
    dh_in = accl.shape[1]
    d_out = w_pad.shape[1]

    def body(al_ref, ar_ref, c0_ref, c1_ref, b_ref, w_ref, oa_ref, ob_ref):
        dinv = _dinv_block(c0_ref, c1_ref)
        a = jnp.concatenate([al_ref[...], ar_ref[...]], axis=1)
        xr = jnp.maximum(a * dinv + b_ref[...], 0.0)
        h = jnp.dot(xr, w_ref[...],
                    preferred_element_type=jnp.float32) * dinv
        oa_ref[...] = h
        ob_ref[...] = h

    return pl.pallas_call(
        body,
        grid=(N_PAD // BLK,),
        in_specs=[
            pl.BlockSpec((BLK, dh_in), lambda i: (i, 0)),
            pl.BlockSpec((BLK, dh_in), lambda i: (i, 0)),
            pl.BlockSpec((BLK, DEG_W), lambda i: (i, 0)),
            pl.BlockSpec((BLK, DEG_W), lambda i: (i, 0)),
            pl.BlockSpec((1, d_in), lambda i: (0, 0)),
            pl.BlockSpec(w_pad.shape, lambda i: (0, 0)),
        ],
        out_specs=[
            pl.BlockSpec((BLK, d_out), lambda i: (i, 0)),
            pl.BlockSpec((BLK, d_out), lambda i: (i, 0)),
        ],
        out_shape=[
            jax.ShapeDtypeStruct((N_PAD, d_out), jnp.float32),
            jax.ShapeDtypeStruct((N_PAD, d_out), jnp.float32),
        ],
    )(accl, accr, cnt0, cnt1, b_row, w_pad)


def _final(p0, p1, h3, cnt0, cnt1, b_row, n_cls):

    def body(p0_ref, p1_ref, h3_ref, c0_ref, c1_ref, b_ref, o_ref):
        dinv = _dinv_block(c0_ref, c1_ref)
        acc = p0_ref[:, :n_cls] + p1_ref[:, :n_cls] - h3_ref[:, :n_cls]
        logits = acc * dinv + b_ref[...]
        m = jnp.max(logits, axis=1, keepdims=True)
        e = jnp.exp(logits - m)
        lse = jnp.log(jnp.sum(e, axis=1, keepdims=True)) + m
        o_ref[...] = logits - lse

    return pl.pallas_call(
        body,
        grid=(N_PAD // BLK,),
        in_specs=[
            pl.BlockSpec((BLK, 128), lambda i: (i, 0)),
            pl.BlockSpec((BLK, 128), lambda i: (i, 0)),
            pl.BlockSpec((BLK, 128), lambda i: (i, 0)),
            pl.BlockSpec((BLK, DEG_W), lambda i: (i, 0)),
            pl.BlockSpec((BLK, DEG_W), lambda i: (i, 0)),
            pl.BlockSpec((1, n_cls), lambda i: (0, 0)),
        ],
        out_specs=pl.BlockSpec((BLK, n_cls), lambda i: (i, 0)),
        out_shape=jax.ShapeDtypeStruct((N_PAD, n_cls), jnp.float32),
    )(p0, p1, h3, cnt0, cnt1, b_row)



def kernel(x, edge_index, W1, b1, W2, b2, W3, b3):
    src = jnp.pad(edge_index[0], (0, E_PAD - E), constant_values=PAD_ROW)
    dst = jnp.pad(edge_index[1], (0, E_PAD - E), constant_values=PAD_ROW)
    src3 = src.reshape(NT * CHT, CHUNK)
    dst3 = dst.reshape(NT * CHT, CHUNK)
    dst3_deg = dst.reshape(32, DEG_CHT, CHUNK)
    x_pad = jnp.pad(x, ((0, N_PAD - N), (0, 0)))
    ones_rows = jnp.ones((CHUNK, DEG_W), jnp.float32)
    zero_rows = jnp.zeros((ZROWS, DEG_W), jnp.float32)

    xwl, xwr = _mm_xw(x_pad, W1)
    cnt0, cnt1 = _degree_counts(dst3_deg, ones_rows, zero_rows)

    hl1, hr1 = _scale_halves(xwl, xwr, cnt0, cnt1)
    acc1l, acc1r = _propagate(hl1, hr1, src3, dst3, 128)

    hl2, hr2 = _mm_mid(acc1l, acc1r, cnt0, cnt1, b1.reshape(1, -1), W2)
    acc2l, acc2r = _propagate(hl2, hr2, src3, dst3, 128)

    n_cls = W3.shape[1]
    w3_pad = jnp.pad(W3, ((0, 0), (0, 128 - n_cls)))
    h3a, h3b = _mm_last(acc2l, acc2r, cnt0, cnt1, b2.reshape(1, -1), w3_pad)
    p0, p1 = _propagate_last(h3a, h3b, src3, dst3)

    out = _final(p0, p1, h3a, cnt0, cnt1, b3.reshape(1, -1), n_cls)
    return out[:N]

# --- scband reference (transcript-rebuilt; emitter-appended) ---
"""Pipeline reference for scband-gcn-90211493085259 (READ-ONLY COPY).

The authoritative reference and input builder live on the scoring server;
editing this copy changes nothing except your own understanding.
"""

import jax, jax.numpy as jnp
import numpy as np

N_NODES = 10000
N_EDGES = 160000
D_IN = 256
D_HID = 256
N_CLASSES = 16


def setup_inputs(seed: int = 0) -> dict:
    key = jax.random.key(seed)
    ks = jax.random.split(key, 9)
    x = jax.random.normal(ks[0], (N_NODES, D_IN), dtype=jnp.float32)
    edge_index = jax.random.randint(ks[1], (2, N_EDGES), 0, N_NODES, dtype=jnp.int32)
    W1 = jax.random.normal(ks[2], (D_IN, D_HID), dtype=jnp.float32) * (1.0 / np.sqrt(D_IN))
    b1 = jnp.zeros((D_HID,), dtype=jnp.float32)
    W2 = jax.random.normal(ks[3], (D_HID, D_HID), dtype=jnp.float32) * (1.0 / np.sqrt(D_HID))
    b2 = jnp.zeros((D_HID,), dtype=jnp.float32)
    W3 = jax.random.normal(ks[4], (D_HID, N_CLASSES), dtype=jnp.float32) * (1.0 / np.sqrt(D_HID))
    b3 = jnp.zeros((N_CLASSES,), dtype=jnp.float32)
    return {"x": x, "edge_index": edge_index, "W1": W1, "b1": b1, "W2": W2, "b2": b2, "W3": W3, "b3": b3}


def gcn_conv(x, edge_index, W, b):
    # GCNConv with self-loops and symmetric normalization (PyG default)
    n = x.shape[0]
    loop = jnp.arange(n, dtype=edge_index.dtype)
    src = jnp.concatenate([edge_index[0], loop])
    dst = jnp.concatenate([edge_index[1], loop])
    deg = jnp.zeros((n,), dtype=x.dtype).at[dst].add(1.0)
    dinv = jax.lax.rsqrt(jnp.maximum(deg, 1.0))
    norm = dinv[src] * dinv[dst]
    h = x @ W
    msg = h[src] * norm[:, None]
    out = jnp.zeros((n, W.shape[1]), dtype=x.dtype).at[dst].add(msg)
    return out + b


def reference(x, edge_index, W1, b1, W2, b2, W3, b3):
    h = gcn_conv(x, edge_index, W1, b1)
    h = jax.nn.relu(h)
    # dropout is identity in eval mode (training=False)
    h = gcn_conv(h, edge_index, W2, b2)
    h = jax.nn.relu(h)
    h = gcn_conv(h, edge_index, W3, b3)
    return jax.nn.log_softmax(h, axis=1)

if __name__ == "__main__":
    import jax
    _d = setup_inputs()
    print(jax.jit(kernel)(*tuple(_d.values())))

</pallas_src>

<mosaic_0001>
#map = affine_map<(d0, d1) -> (0, 0, 0)>
#map1 = affine_map<(d0, d1) -> (0, 0)>
module attributes {stable_mosaic.version = 14 : i64} {
  func.func @k(%arg0: i32, %arg1: i32, %arg2: memref<32x40x128xi32, #tpu.memory_space<hbm>>, %arg3: memref<128x128xf32, #tpu.memory_space<hbm>>, %arg4: memref<128x128xf32, #tpu.memory_space<hbm>>, %arg5: memref<10240x128xf32, #tpu.memory_space<hbm>>, %arg6: memref<10240x128xf32, #tpu.memory_space<hbm>>, %arg7: memref<40x128xi32, #tpu.memory_space<vmem>>, %arg8: memref<128x128xf32, #tpu.memory_space<vmem>>, %arg9: memref<10240x128xf32, #tpu.memory_space<vmem_shared>>, %arg10: memref<!tpu.dma_semaphore, #tpu.memory_space<semaphore_mem>>) attributes {dimension_semantics = [#tpu.dimension_semantics<core_parallel>, #tpu.dimension_semantics<subcore_parallel>], iteration_bounds = array<i64: 2, 16>, scalar_prefetch = 0 : i64, scratch_operands = 4 : i64, tpu.core_type = #tpu.core_type<sc_vector_subcore>, window_params = [{transform_indices = #map}, {transform_indices = #map1}, {transform_indices = #map1}, {transform_indices = #map1}, {transform_indices = #map1}]} {
    %mul3A = arith.constant 16 : i32
    %mul3A_0 = arith.muli %arg0, %mul3A : i32
    %add3A = arith.addi %mul3A_0, %arg1 : i32
    "tpu.region"() ({
      %run_scoped3A = tpu.sem_alloc : memref<!tpu.dma_semaphore, #tpu.memory_space<semaphore_mem>>
      %dma_start3A = arith.constant 0 : i32
      %dma_start3A_40 = arith.constant 0 : i32
      %dma_start3A_41 = tpu.memref_slice %arg2[%add3A, %dma_start3A, %dma_start3A_40] : memref<32x40x128xi32, #tpu.memory_space<hbm>> -> memref<1x40x128xi32, #tpu.memory_space<hbm>>
      %dma_start3A_42 = tpu.memref_squeeze %dma_start3A_41 : memref<1x40x128xi32, #tpu.memory_space<hbm>> -> memref<40x128xi32, #tpu.memory_space<hbm>>
      %dma_start3A_43 = arith.constant 0 : i32
      %dma_start3A_44 = arith.constant 0 : i32
      %dma_start3A_45 = tpu.memref_slice %arg2[%add3A, %dma_start3A_43, %dma_start3A_44] : memref<32x40x128xi32, #tpu.memory_space<hbm>> -> memref<1x40x128xi32, #tpu.memory_space<hbm>>
      %dma_start3A_46 = tpu.memref_squeeze %dma_start3A_45 : memref<1x40x128xi32, #tpu.memory_space<hbm>> -> memref<40x128xi32, #tpu.memory_space<hbm>>
      tpu.enqueue_dma source(%dma_start3A_46 : memref<40x128xi32, #tpu.memory_space<hbm>>) target(%arg7 : memref<40x128xi32, #tpu.memory_space<vmem>>) target_semaphore(%run_scoped3A : memref<!tpu.dma_semaphore, #tpu.memory_space<semaphore_mem>>)
      %dma_wait3A = arith.constant 0 : i32
      %dma_wait3A_47 = arith.constant 0 : i32
      %dma_wait3A_48 = tpu.memref_slice %arg2[%add3A, %dma_wait3A, %dma_wait3A_47] : memref<32x40x128xi32, #tpu.memory_space<hbm>> -> memref<1x40x128xi32, #tpu.memory_space<hbm>>
      %dma_wait3A_49 = tpu.memref_squeeze %dma_wait3A_48 : memref<1x40x128xi32, #tpu.memory_space<hbm>> -> memref<40x128xi32, #tpu.memory_space<hbm>>
      %dma_wait3A_50 = arith.constant 0 : i32
      %dma_wait3A_51 = arith.constant 0 : i32
      %dma_wait3A_52 = tpu.memref_slice %arg2[%add3A, %dma_wait3A_50, %dma_wait3A_51] : memref<32x40x128xi32, #tpu.memory_space<hbm>> -> memref<1x40x128xi32, #tpu.memory_space<hbm>>
      %dma_wait3A_53 = tpu.memref_squeeze %dma_wait3A_52 : memref<1x40x128xi32, #tpu.memory_space<hbm>> -> memref<40x128xi32, #tpu.memory_space<hbm>>
      tpu.wait_dma2 semaphore(%run_scoped3A : memref<!tpu.dma_semaphore, #tpu.memory_space<semaphore_mem>>) src(%dma_wait3A_53 : memref<40x128xi32, #tpu.memory_space<hbm>>) dst(%arg7 : memref<40x128xi32, #tpu.memory_space<vmem>>)
      tpu.yield
    }) : () -> ()
    "tpu.region"() ({
      %run_scoped3A = tpu.sem_alloc : memref<!tpu.dma_semaphore, #tpu.memory_space<semaphore_mem>>
      tpu.enqueue_dma source(%arg3 : memref<128x128xf32, #tpu.memory_space<hbm>>) target(%arg8 : memref<128x128xf32, #tpu.memory_space<vmem>>) target_semaphore(%run_scoped3A : memref<!tpu.dma_semaphore, #tpu.memory_space<semaphore_mem>>)
      tpu.wait_dma2 semaphore(%run_scoped3A : memref<!tpu.dma_semaphore, #tpu.memory_space<semaphore_mem>>) src(%arg3 : memref<128x128xf32, #tpu.memory_space<hbm>>) dst(%arg8 : memref<128x128xf32, #tpu.memory_space<vmem>>)
      tpu.yield
    }) : () -> ()
    %mul3A_1 = arith.constant 640 : i32
    %mul3A_2 = arith.muli %arg1, %mul3A_1 : i32
    %add3A_3 = arith.constant 0 : i32
    %add3A_4 = arith.addi %mul3A_2, %add3A_3 : i32
    "tpu.region"() ({
      %run_scoped3A = tpu.sem_alloc : memref<!tpu.dma_semaphore, #tpu.memory_space<semaphore_mem>>
      %dma_start3A = arith.constant 0 : i32
      %dma_start3A_40 = tpu.memref_slice %arg9[%add3A_4, %dma_start3A] : memref<10240x128xf32, #tpu.memory_space<vmem_shared>> -> memref<128x128xf32, #tpu.memory_space<vmem_shared>>
      tpu.enqueue_dma source(%arg4 : memref<128x128xf32, #tpu.memory_space<hbm>>) target(%dma_start3A_40 : memref<128x128xf32, #tpu.memory_space<vmem_shared>>) target_semaphore(%run_scoped3A : memref<!tpu.dma_semaphore, #tpu.memory_space<semaphore_mem>>)
      %dma_wait3A = arith.constant 0 : i32
      %dma_wait3A_41 = tpu.memref_slice %arg9[%add3A_4, %dma_wait3A] : memref<10240x128xf32, #tpu.memory_space<vmem_shared>> -> memref<128x128xf32, #tpu.memory_space<vmem_shared>>
      tpu.wait_dma2 semaphore(%run_scoped3A : memref<!tpu.dma_semaphore, #tpu.memory_space<semaphore_mem>>) src(%arg4 : memref<128x128xf32, #tpu.memory_space<hbm>>) dst(%dma_wait3A_41 : memref<128x128xf32, #tpu.memory_space<vmem_shared>>)
      tpu.yield
    }) : () -> ()
    %mul3A_5 = arith.constant 640 : i32
    %mul3A_6 = arith.muli %arg1, %mul3A_5 : i32
    %add3A_7 = arith.constant 128 : i32
    %add3A_8 = arith.addi %mul3A_6, %add3A_7 : i32
    "tpu.region"() ({
      %run_scoped3A = tpu.sem_alloc : memref<!tpu.dma_semaphore, #tpu.memory_space<semaphore_mem>>
      %dma_start3A = arith.constant 0 : i32
      %dma_start3A_40 = tpu.memref_slice %arg9[%add3A_8, %dma_start3A] : memref<10240x128xf32, #tpu.memory_space<vmem_shared>> -> memref<128x128xf32, #tpu.memory_space<vmem_shared>>
      tpu.enqueue_dma source(%arg4 : memref<128x128xf32, #tpu.memory_space<hbm>>) target(%dma_start3A_40 : memref<128x128xf32, #tpu.memory_space<vmem_shared>>) target_semaphore(%run_scoped3A : memref<!tpu.dma_semaphore, #tpu.memory_space<semaphore_mem>>)
      %dma_wait3A = arith.constant 0 : i32
      %dma_wait3A_41 = tpu.memref_slice %arg9[%add3A_8, %dma_wait3A] : memref<10240x128xf32, #tpu.memory_space<vmem_shared>> -> memref<128x128xf32, #tpu.memory_space<vmem_shared>>
      tpu.wait_dma2 semaphore(%run_scoped3A : memref<!tpu.dma_semaphore, #tpu.memory_space<semaphore_mem>>) src(%arg4 : memref<128x128xf32, #tpu.memory_space<hbm>>) dst(%dma_wait3A_41 : memref<128x128xf32, #tpu.memory_space<vmem_shared>>)
      tpu.yield
    }) : () -> ()
    %mul3A_9 = arith.constant 640 : i32
    %mul3A_10 = arith.muli %arg1, %mul3A_9 : i32
    %add3A_11 = arith.constant 256 : i32
    %add3A_12 = arith.addi %mul3A_10, %add3A_11 : i32
    "tpu.region"() ({
      %run_scoped3A = tpu.sem_alloc : memref<!tpu.dma_semaphore, #tpu.memory_space<semaphore_mem>>
      %dma_start3A = arith.constant 0 : i32
      %dma_start3A_40 = tpu.memref_slice %arg9[%add3A_12, %dma_start3A] : memref<10240x128xf32, #tpu.memory_space<vmem_shared>> -> memref<128x128xf32, #tpu.memory_space<vmem_shared>>
      tpu.enqueue_dma source(%arg4 : memref<128x128xf32, #tpu.memory_space<hbm>>) target(%dma_start3A_40 : memref<128x128xf32, #tpu.memory_space<vmem_shared>>) target_semaphore(%run_scoped3A : memref<!tpu.dma_semaphore, #tpu.memory_space<semaphore_mem>>)
      %dma_wait3A = arith.constant 0 : i32
      %dma_wait3A_41 = tpu.memref_slice %arg9[%add3A_12, %dma_wait3A] : memref<10240x128xf32, #tpu.memory_space<vmem_shared>> -> memref<128x128xf32, #tpu.memory_space<vmem_shared>>
      tpu.wait_dma2 semaphore(%run_scoped3A : memref<!tpu.dma_semaphore, #tpu.memory_space<semaphore_mem>>) src(%arg4 : memref<128x128xf32, #tpu.memory_space<hbm>>) dst(%dma_wait3A_41 : memref<128x128xf32, #tpu.memory_space<vmem_shared>>)
      tpu.yield
    }) : () -> ()
    %mul3A_13 = arith.constant 640 : i32
    %mul3A_14 = arith.muli %arg1, %mul3A_13 : i32
    %add3A_15 = arith.constant 384 : i32
    %add3A_16 = arith.addi %mul3A_14, %add3A_15 : i32
    "tpu.region"() ({
      %run_scoped3A = tpu.sem_alloc : memref<!tpu.dma_semaphore, #tpu.memory_space<semaphore_mem>>
      %dma_start3A = arith.constant 0 : i32
      %dma_start3A_40 = tpu.memref_slice %arg9[%add3A_16, %dma_start3A] : memref<10240x128xf32, #tpu.memory_space<vmem_shared>> -> memref<128x128xf32, #tpu.memory_space<vmem_shared>>
      tpu.enqueue_dma source(%arg4 : memref<128x128xf32, #tpu.memory_space<hbm>>) target(%dma_start3A_40 : memref<128x128xf32, #tpu.memory_space<vmem_shared>>) target_semaphore(%run_scoped3A : memref<!tpu.dma_semaphore, #tpu.memory_space<semaphore_mem>>)
      %dma_wait3A = arith.constant 0 : i32
      %dma_wait3A_41 = tpu.memref_slice %arg9[%add3A_16, %dma_wait3A] : memref<10240x128xf32, #tpu.memory_space<vmem_shared>> -> memref<128x128xf32, #tpu.memory_space<vmem_shared>>
      tpu.wait_dma2 semaphore(%run_scoped3A : memref<!tpu.dma_semaphore, #tpu.memory_space<semaphore_mem>>) src(%arg4 : memref<128x128xf32, #tpu.memory_space<hbm>>) dst(%dma_wait3A_41 : memref<128x128xf32, #tpu.memory_space<vmem_shared>>)
      tpu.yield
    }) : () -> ()
    %mul3A_17 = arith.constant 640 : i32
    %mul3A_18 = arith.muli %arg1, %mul3A_17 : i32
    %add3A_19 = arith.constant 512 : i32
    %add3A_20 = arith.addi %mul3A_18, %add3A_19 : i32
    "tpu.region"() ({
      %run_scoped3A = tpu.sem_alloc : memref<!tpu.dma_semaphore, #tpu.memory_space<semaphore_mem>>
      %dma_start3A = arith.constant 0 : i32
      %dma_start3A_40 = tpu.memref_slice %arg9[%add3A_20, %dma_start3A] : memref<10240x128xf32, #tpu.memory_space<vmem_shared>> -> memref<128x128xf32, #tpu.memory_space<vmem_shared>>
      tpu.enqueue_dma source(%arg4 : memref<128x128xf32, #tpu.memory_space<hbm>>) target(%dma_start3A_40 : memref<128x128xf32, #tpu.memory_space<vmem_shared>>) target_semaphore(%run_scoped3A : memref<!tpu.dma_semaphore, #tpu.memory_space<semaphore_mem>>)
      %dma_wait3A = arith.constant 0 : i32
      %dma_wait3A_41 = tpu.memref_slice %arg9[%add3A_20, %dma_wait3A] : memref<10240x128xf32, #tpu.memory_space<vmem_shared>> -> memref<128x128xf32, #tpu.memory_space<vmem_shared>>
      tpu.wait_dma2 semaphore(%run_scoped3A : memref<!tpu.dma_semaphore, #tpu.memory_space<semaphore_mem>>) src(%arg4 : memref<128x128xf32, #tpu.memory_space<hbm>>) dst(%dma_wait3A_41 : memref<128x128xf32, #tpu.memory_space<vmem_shared>>)
      tpu.yield
    }) : () -> ()
    %barrier3A = arith.constant 0 : index
    tpu.barrier barrier_id(%barrier3A)
    %scan3A = arith.constant 0 : i32
    %scan3A_21 = arith.constant 40 : i32
    %scan3A_22 = arith.addi %scan3A, %scan3A_21 : i32
    %scan3A_23 = arith.constant 1 : i32
    scf.for %scan3A_40 = %scan3A to %scan3A_22 step %scan3A_23  : i32 {
      %mul3A_41 = arith.constant 1 : i32
      %mul3A_42 = arith.muli %scan3A_40, %mul3A_41 : i32
      %add3A_43 = arith.constant 0 : i32
      %add3A_44 = arith.addi %add3A_43, %mul3A_42 : i32
      %dma_start3A = arith.constant 0 : i32
      %dma_start3A_45 = tpu.memref_slice %arg7[%add3A_44, %dma_start3A] : memref<40x128xi32, #tpu.memory_space<vmem>> -> memref<1x128xi32, #tpu.memory_space<vmem>>
      %dma_start3A_46 = tpu.memref_squeeze %dma_start3A_45 : memref<1x128xi32, #tpu.memory_space<vmem>> -> memref<128xi32, #tpu.memory_space<vmem>>
      %dma_start3A_47 = arith.constant 0 : i32
      %dma_start3A_48 = arith.constant 0 : i32
      %dma_start3A_49 = tpu.memref_slice %arg9[%dma_start3A_47, %dma_start3A_48] : memref<10240x128xf32, #tpu.memory_space<vmem_shared>> -> memref<10240x128xf32, #tpu.memory_space<vmem_shared>>
      tpu.enqueue_indirect_dma source(%arg8 : memref<128x128xf32, #tpu.memory_space<vmem>>) target(%dma_start3A_49 : memref<10240x128xf32, #tpu.memory_space<vmem_shared>>) offsets(%dma_start3A_46 : memref<128xi32, #tpu.memory_space<vmem>>) semaphore(%arg10 : memref<!tpu.dma_semaphore, #tpu.memory_space<semaphore_mem>>) {add = true}
    }
    %scan3A_24 = arith.constant 40 : i32
    %scan3A_25 = arith.constant 0 : i32
    %scan3A_26 = arith.constant 40 : i32
    %scan3A_27 = arith.addi %scan3A_25, %scan3A_26 : i32
    %scan3A_28 = arith.constant 1 : i32
    scf.for %scan3A_40 = %scan3A_25 to %scan3A_27 step %scan3A_28  : i32 {
      %mul3A_41 = arith.constant 1 : i32
      %mul3A_42 = arith.muli %scan3A_40, %mul3A_41 : i32
      %add3A_43 = arith.constant 0 : i32
      %add3A_44 = arith.addi %add3A_43, %mul3A_42 : i32
      %dma_wait3A = arith.constant 0 : i32
      %dma_wait3A_45 = arith.constant 0 : i32
      %dma_wait3A_46 = tpu.memref_slice %arg7[%dma_wait3A, %dma_wait3A_45] : memref<40x128xi32, #tpu.memory_space<vmem>> -> memref<1x128xi32, #tpu.memory_space<vmem>>
      %dma_wait3A_47 = tpu.memref_squeeze %dma_wait3A_46 : memref<1x128xi32, #tpu.memory_space<vmem>> -> memref<128xi32, #tpu.memory_space<vmem>>
      %dma_wait3A_48 = arith.constant 0 : i32
      %dma_wait3A_49 = arith.constant 0 : i32
      %dma_wait3A_50 = tpu.memref_slice %arg9[%dma_wait3A_48, %dma_wait3A_49] : memref<10240x128xf32, #tpu.memory_space<vmem_shared>> -> memref<10240x128xf32, #tpu.memory_space<vmem_shared>>
      tpu.wait_indirect_dma semaphore(%arg10 : memref<!tpu.dma_semaphore, #tpu.memory_space<semaphore_mem>>) src(%arg8 : memref<128x128xf32, #tpu.memory_space<vmem>>) dst(%dma_wait3A_50 : memref<10240x128xf32, #tpu.memory_space<vmem_shared>>)
    }
    %scan3A_29 = arith.constant 40 : i32
    %barrier3A_30 = arith.constant 0 : index
    tpu.barrier barrier_id(%barrier3A_30)
    %mul3A_31 = arith.constant 640 : i32
    %mul3A_32 = arith.muli %arg1, %mul3A_31 : i32
    %eq3A = arith.constant 0 : i32
    %eq3A_33 = arith.cmpi eq, %arg0, %eq3A : i32
    %convert_element_type3A = arith.extui %eq3A_33 : i1 to i32
    %cond3A = arith.constant 0 : i32
    %cond3A_34 = arith.cmpi ne, %convert_element_type3A, %cond3A : i32
    scf.if %cond3A_34 {
      "tpu.region"() ({
        %run_scoped3A = tpu.sem_alloc : memref<!tpu.dma_semaphore, #tpu.memory_space<semaphore_mem>>
        %dma_start3A = arith.constant 0 : i32
        %dma_start3A_40 = tpu.memref_slice %arg5[%mul3A_32, %dma_start3A] : memref<10240x128xf32, #tpu.memory_space<hbm>> -> memref<640x128xf32, #tpu.memory_space<hbm>>
        %dma_start3A_41 = arith.constant 0 : i32
        %dma_start3A_42 = tpu.memref_slice %arg9[%mul3A_32, %dma_start3A_41] : memref<10240x128xf32, #tpu.memory_space<vmem_shared>> -> memref<640x128xf32, #tpu.memory_space<vmem_shared>>
        tpu.enqueue_dma source(%dma_start3A_42 : memref<640x128xf32, #tpu.memory_space<vmem_shared>>) target(%dma_start3A_40 : memref<640x128xf32, #tpu.memory_space<hbm>>) target_semaphore(%run_scoped3A : memref<!tpu.dma_semaphore, #tpu.memory_space<semaphore_mem>>)
        %dma_wait3A = arith.constant 0 : i32
        %dma_wait3A_43 = tpu.memref_slice %arg5[%mul3A_32, %dma_wait3A] : memref<10240x128xf32, #tpu.memory_space<hbm>> -> memref<640x128xf32, #tpu.memory_space<hbm>>
        %dma_wait3A_44 = arith.constant 0 : i32
        %dma_wait3A_45 = tpu.memref_slice %arg9[%mul3A_32, %dma_wait3A_44] : memref<10240x128xf32, #tpu.memory_space<vmem_shared>> -> memref<640x128xf32, #tpu.memory_space<vmem_shared>>
        tpu.wait_dma2 semaphore(%run_scoped3A : memref<!tpu.dma_semaphore, #tpu.memory_space<semaphore_mem>>) src(%dma_wait3A_45 : memref<640x128xf32, #tpu.memory_space<vmem_shared>>) dst(%dma_wait3A_43 : memref<640x128xf32, #tpu.memory_space<hbm>>)
        tpu.yield
      }) : () -> ()
    } else {
    }
    %eq3A_35 = arith.constant 1 : i32
    %eq3A_36 = arith.cmpi eq, %arg0, %eq3A_35 : i32
    %convert_element_type3A_37 = arith.extui %eq3A_36 : i1 to i32
    %cond3A_38 = arith.constant 0 : i32
    %cond3A_39 = arith.cmpi ne, %convert_element_type3A_37, %cond3A_38 : i32
    scf.if %cond3A_39 {
      "tpu.region"() ({
        %run_scoped3A = tpu.sem_alloc : memref<!tpu.dma_semaphore, #tpu.memory_space<semaphore_mem>>
        %dma_start3A = arith.constant 0 : i32
        %dma_start3A_40 = tpu.memref_slice %arg6[%mul3A_32, %dma_start3A] : memref<10240x128xf32, #tpu.memory_space<hbm>> -> memref<640x128xf32, #tpu.memory_space<hbm>>
        %dma_start3A_41 = arith.constant 0 : i32
        %dma_start3A_42 = tpu.memref_slice %arg9[%mul3A_32, %dma_start3A_41] : memref<10240x128xf32, #tpu.memory_space<vmem_shared>> -> memref<640x128xf32, #tpu.memory_space<vmem_shared>>
        tpu.enqueue_dma source(%dma_start3A_42 : memref<640x128xf32, #tpu.memory_space<vmem_shared>>) target(%dma_start3A_40 : memref<640x128xf32, #tpu.memory_space<hbm>>) target_semaphore(%run_scoped3A : memref<!tpu.dma_semaphore, #tpu.memory_space<semaphore_mem>>)
        %dma_wait3A = arith.constant 0 : i32
        %dma_wait3A_43 = tpu.memref_slice %arg6[%mul3A_32, %dma_wait3A] : memref<10240x128xf32, #tpu.memory_space<hbm>> -> memref<640x128xf32, #tpu.memory_space<hbm>>
        %dma_wait3A_44 = arith.constant 0 : i32
        %dma_wait3A_45 = tpu.memref_slice %arg9[%mul3A_32, %dma_wait3A_44] : memref<10240x128xf32, #tpu.memory_space<vmem_shared>> -> memref<640x128xf32, #tpu.memory_space<vmem_shared>>
        tpu.wait_dma2 semaphore(%run_scoped3A : memref<!tpu.dma_semaphore, #tpu.memory_space<semaphore_mem>>) src(%dma_wait3A_45 : memref<640x128xf32, #tpu.memory_space<vmem_shared>>) dst(%dma_wait3A_43 : memref<640x128xf32, #tpu.memory_space<hbm>>)
        tpu.yield
      }) : () -> ()
    } else {
    }
    return
  }
}

#map = affine_map<(d0, d1) -> (0, 0)>
module attributes {stable_mosaic.version = 14 : i64} {
  func.func @k(%arg0: i32, %arg1: i32, %arg2: memref<10240x128xf32, #tpu.memory_space<hbm>>, %arg3: memref<10240x128xf32, #tpu.memory_space<hbm>>, %arg4: memref<1280x128xi32, #tpu.memory_space<hbm>>, %arg5: memref<1280x128xi32, #tpu.memory_space<hbm>>, %arg6: memref<10240x128xf32, #tpu.memory_space<hbm>>, %arg7: memref<10240x128xf32, #tpu.memory_space<hbm>>, %arg8: memref<40x128xi32, #tpu.memory_space<vmem>>, %arg9: memref<40x128xi32, #tpu.memory_space<vmem>>, %arg10: memref<128x128xf32, #tpu.memory_space<vmem>>, %arg11: memref<128x128xf32, #tpu.memory_space<vmem>>, %arg12: memref<10240x128xf32, #tpu.memory_space<vmem_shared>>, %arg13: memref<!tpu.dma_semaphore, #tpu.memory_space<semaphore_mem>>, %arg14: memref<!tpu.dma_semaphore, #tpu.memory_space<semaphore_mem>>) attributes {dimension_semantics = [#tpu.dimension_semantics<core_parallel>, #tpu.dimension_semantics<subcore_parallel>], iteration_bounds = array<i64: 2, 16>, scalar_prefetch = 0 : i64, scratch_operands = 7 : i64, tpu.core_type = #tpu.core_type<sc_vector_subcore>, window_params = [{transform_indices = #map}, {transform_indices = #map}, {transform_indices = #map}, {transform_indices = #map}, {transform_indices = #map}, {transform_indices = #map}]} {
    %mul3A = arith.constant 16 : i32
    %mul3A_0 = arith.muli %arg0, %mul3A : i32
    %add3A = arith.addi %mul3A_0, %arg1 : i32
    %mul3A_1 = arith.constant 640 : i32
    %mul3A_2 = arith.muli %arg1, %mul3A_1 : i32
    %eq3A = arith.constant 0 : i32
    %eq3A_3 = arith.cmpi eq, %arg0, %eq3A : i32
    %convert_element_type3A = arith.extui %eq3A_3 : i1 to i32
    %cond3A = arith.constant 0 : i32
    %cond3A_4 = arith.cmpi ne, %convert_element_type3A, %cond3A : i32
    scf.if %cond3A_4 {
      "tpu.region"() ({
        %run_scoped3A = tpu.sem_alloc : memref<!tpu.dma_semaphore, #tpu.memory_space<semaphore_mem>>
        %dma_start3A_23 = arith.constant 0 : i32
        %dma_start3A_24 = tpu.memref_slice %arg12[%mul3A_2, %dma_start3A_23] : memref<10240x128xf32, #tpu.memory_space<vmem_shared>> -> memref<640x128xf32, #tpu.memory_space<vmem_shared>>
        %dma_start3A_25 = arith.constant 0 : i32
        %dma_start3A_26 = tpu.memref_slice %arg2[%mul3A_2, %dma_start3A_25] : memref<10240x128xf32, #tpu.memory_space<hbm>> -> memref<640x128xf32, #tpu.memory_space<hbm>>
        tpu.enqueue_dma source(%dma_start3A_26 : memref<640x128xf32, #tpu.memory_space<hbm>>) target(%dma_start3A_24 : memref<640x128xf32, #tpu.memory_space<vmem_shared>>) target_semaphore(%run_scoped3A : memref<!tpu.dma_semaphore, #tpu.memory_space<semaphore_mem>>)
        %dma_wait3A = arith.constant 0 : i32
        %dma_wait3A_27 = tpu.memref_slice %arg12[%mul3A_2, %dma_wait3A] : memref<10240x128xf32, #tpu.memory_space<vmem_shared>> -> memref<640x128xf32, #tpu.memory_space<vmem_shared>>
        %dma_wait3A_28 = arith.constant 0 : i32
        %dma_wait3A_29 = tpu.memref_slice %arg2[%mul3A_2, %dma_wait3A_28] : memref<10240x128xf32, #tpu.memory_space<hbm>> -> memref<640x128xf32, #tpu.memory_space<hbm>>
        tpu.wait_dma2 semaphore(%run_scoped3A : memref<!tpu.dma_semaphore, #tpu.memory_space<semaphore_mem>>) src(%dma_wait3A_29 : memref<640x128xf32, #tpu.memory_space<hbm>>) dst(%dma_wait3A_27 : memref<640x128xf32, #tpu.memory_space<vmem_shared>>)
        tpu.yield
      }) : () -> ()
      %barrier3A = arith.constant 0 : index
      tpu.barrier barrier_id(%barrier3A)
      %mul3A_10 = arith.constant 40 : i32
      %mul3A_11 = arith.muli %add3A, %mul3A_10 : i32
      "tpu.region"() ({
        %run_scoped3A = tpu.sem_alloc : memref<!tpu.dma_semaphore, #tpu.memory_space<semaphore_mem>>
        %dma_start3A_23 = arith.constant 0 : i32
        %dma_start3A_24 = tpu.memref_slice %arg4[%mul3A_11, %dma_start3A_23] : memref<1280x128xi32, #tpu.memory_space<hbm>> -> memref<40x128xi32, #tpu.memory_space<hbm>>
        %dma_start3A_25 = arith.constant 0 : i32
        %dma_start3A_26 = tpu.memref_slice %arg4[%mul3A_11, %dma_start3A_25] : memref<1280x128xi32, #tpu.memory_space<hbm>> -> memref<40x128xi32, #tpu.memory_space<hbm>>
        tpu.enqueue_dma source(%dma_start3A_26 : memref<40x128xi32, #tpu.memory_space<hbm>>) target(%arg8 : memref<40x128xi32, #tpu.memory_space<vmem>>) target_semaphore(%run_scoped3A : memref<!tpu.dma_semaphore, #tpu.memory_space<semaphore_mem>>)
        %dma_wait3A = arith.constant 0 : i32
        %dma_wait3A_27 = tpu.memref_slice %arg4[%mul3A_11, %dma_wait3A] : memref<1280x128xi32, #tpu.memory_space<hbm>> -> memref<40x128xi32, #tpu.memory_space<hbm>>
        %dma_wait3A_28 = arith.constant 0 : i32
        %dma_wait3A_29 = tpu.memref_slice %arg4[%mul3A_11, %dma_wait3A_28] : memref<1280x128xi32, #tpu.memory_space<hbm>> -> memref<40x128xi32, #tpu.memory_space<hbm>>
        tpu.wait_dma2 semaphore(%run_scoped3A : memref<!tpu.dma_semaphore, #tpu.memory_space<semaphore_mem>>) src(%dma_wait3A_29 : memref<40x128xi32, #tpu.memory_space<hbm>>) dst(%arg8 : memref<40x128xi32, #tpu.memory_space<vmem>>)
        tpu.yield
      }) : () -> ()
      "tpu.region"() ({
        %run_scoped3A = tpu.sem_alloc : memref<!tpu.dma_semaphore, #tpu.memory_space<semaphore_mem>>
        %dma_start3A_23 = arith.constant 0 : i32
        %dma_start3A_24 = tpu.memref_slice %arg5[%mul3A_11, %dma_start3A_23] : memref<1280x128xi32, #tpu.memory_space<hbm>> -> memref<40x128xi32, #tpu.memory_space<hbm>>
        %dma_start3A_25 = arith.constant 0 : i32
        %dma_start3A_26 = tpu.memref_slice %arg5[%mul3A_11, %dma_start3A_25] : memref<1280x128xi32, #tpu.memory_space<hbm>> -> memref<40x128xi32, #tpu.memory_space<hbm>>
        tpu.enqueue_dma source(%dma_start3A_26 : memref<40x128xi32, #tpu.memory_space<hbm>>) target(%arg9 : memref<40x128xi32, #tpu.memory_space<vmem>>) target_semaphore(%run_scoped3A : memref<!tpu.dma_semaphore, #tpu.memory_space<semaphore_mem>>)
        %dma_wait3A = arith.constant 0 : i32
        %dma_wait3A_27 = tpu.memref_slice %arg5[%mul3A_11, %dma_wait3A] : memref<1280x128xi32, #tpu.memory_space<hbm>> -> memref<40x128xi32, #tpu.memory_space<hbm>>
        %dma_wait3A_28 = arith.constant 0 : i32
        %dma_wait3A_29 = tpu.memref_slice %arg5[%mul3A_11, %dma_wait3A_28] : memref<1280x128xi32, #tpu.memory_space<hbm>> -> memref<40x128xi32, #tpu.memory_space<hbm>>
        tpu.wait_dma2 semaphore(%run_scoped3A : memref<!tpu.dma_semaphore, #tpu.memory_space<semaphore_mem>>) src(%dma_wait3A_29 : memref<40x128xi32, #tpu.memory_space<hbm>>) dst(%arg9 : memref<40x128xi32, #tpu.memory_space<vmem>>)
        tpu.yield
      }) : () -> ()
      %dma_start3A = arith.constant 0 : i32
      %dma_start3A_12 = arith.constant 0 : i32
      %dma_start3A_13 = tpu.memref_slice %arg8[%dma_start3A, %dma_start3A_12] : memref<40x128xi32, #tpu.memory_space<vmem>> -> memref<1x128xi32, #tpu.memory_space<vmem>>
      %dma_start3A_14 = tpu.memref_squeeze %dma_start3A_13 : memref<1x128xi32, #tpu.memory_space<vmem>> -> memref<128xi32, #tpu.memory_space<vmem>>
      %dma_start3A_15 = arith.constant 0 : i32
      %dma_start3A_16 = arith.constant 0 : i32
      %dma_start3A_17 = tpu.memref_slice %arg2[%dma_start3A_15, %dma_start3A_16] : memref<10240x128xf32, #tpu.memory_space<hbm>> -> memref<10240x128xf32, #tpu.memory_space<hbm>>
      tpu.enqueue_indirect_dma source(%dma_start3A_17 : memref<10240x128xf32, #tpu.memory_space<hbm>>) target(%arg10 : memref<128x128xf32, #tpu.memory_space<vmem>>) offsets(%dma_start3A_14 : memref<128xi32, #tpu.memory_space<vmem>>) semaphore(%arg13 : memref<!tpu.dma_semaphore, #tpu.memory_space<semaphore_mem>>)
      %scan3A = arith.constant 0 : i32
      %scan3A_18 = arith.constant 20 : i32
      %scan3A_19 = arith.addi %scan3A, %scan3A_18 : i32
      %scan3A_20 = arith.constant 1 : i32
      scf.for %scan3A_23 = %scan3A to %scan3A_19 step %scan3A_20  : i32 {
        %mul3A_24 = arith.constant 2 : i32
        %mul3A_25 = arith.muli %scan3A_23, %mul3A_24 : i32
        %add3A_26 = arith.constant 0 : i32
        %add3A_27 = arith.addi %add3A_26, %mul3A_25 : i32
        %dma_wait3A = arith.constant 0 : i32
        %dma_wait3A_28 = tpu.memref_slice %arg8[%add3A_27, %dma_wait3A] : memref<40x128xi32, #tpu.memory_space<vmem>> -> memref<1x128xi32, #tpu.memory_space<vmem>>
        %dma_wait3A_29 = tpu.memref_squeeze %dma_wait3A_28 : memref<1x128xi32, #tpu.memory_space<vmem>> -> memref<128xi32, #tpu.memory_space<vmem>>
        %dma_wait3A_30 = arith.constant 0 : i32
        %dma_wait3A_31 = arith.constant 0 : i32
        %dma_wait3A_32 = tpu.memref_slice %arg2[%dma_wait3A_30, %dma_wait3A_31] : memref<10240x128xf32, #tpu.memory_space<hbm>> -> memref<10240x128xf32, #tpu.memory_space<hbm>>
        tpu.wait_indirect_dma semaphore(%arg13 : memref<!tpu.dma_semaphore, #tpu.memory_space<semaphore_mem>>) src(%dma_wait3A_32 : memref<10240x128xf32, #tpu.memory_space<hbm>>) dst(%arg10 : memref<128x128xf32, #tpu.memory_space<vmem>>)
        %add3A_33 = arith.constant 1 : i32
        %add3A_34 = arith.addi %add3A_27, %add3A_33 : i32
        %dma_start3A_35 = arith.constant 0 : i32
        %dma_start3A_36 = tpu.memref_slice %arg8[%add3A_34, %dma_start3A_35] : memref<40x128xi32, #tpu.memory_space<vmem>> -> memref<1x128xi32, #tpu.memory_space<vmem>>
        %dma_start3A_37 = tpu.memref_squeeze %dma_start3A_36 : memref<1x128xi32, #tpu.memory_space<vmem>> -> memref<128xi32, #tpu.memory_space<vmem>>
        %dma_start3A_38 = arith.constant 0 : i32
        %dma_start3A_39 = arith.constant 0 : i32
        %dma_start3A_40 = tpu.memref_slice %arg2[%dma_start3A_38, %dma_start3A_39] : memref<10240x128xf32, #tpu.memory_space<hbm>> -> memref<10240x128xf32, #tpu.memory_space<hbm>>
        tpu.enqueue_indirect_dma source(%dma_start3A_40 : memref<10240x128xf32, #tpu.memory_space<hbm>>) target(%arg11 : memref<128x128xf32, #tpu.memory_space<vmem>>) offsets(%dma_start3A_37 : memref<128xi32, #tpu.memory_space<vmem>>) semaphore(%arg14 : memref<!tpu.dma_semaphore, #tpu.memory_space<semaphore_mem>>)
        "tpu.region"() ({
          %run_scoped3A = tpu.sem_alloc : memref<!tpu.dma_semaphore, #tpu.memory_space<semaphore_mem>>
          %dma_start3A_57 = arith.constant 0 : i32
          %dma_start3A_58 = tpu.memref_slice %arg9[%add3A_27, %dma_start3A_57] : memref<40x128xi32, #tpu.memory_space<vmem>> -> memref<1x128xi32, #tpu.memory_space<vmem>>
          %dma_start3A_59 = tpu.memref_squeeze %dma_start3A_58 : memref<1x128xi32, #tpu.memory_space<vmem>> -> memref<128xi32, #tpu.memory_space<vmem>>
          %dma_start3A_60 = arith.constant 0 : i32
          %dma_start3A_61 = arith.constant 0 : i32
          %dma_start3A_62 = tpu.memref_slice %arg12[%dma_start3A_60, %dma_start3A_61] : memref<10240x128xf32, #tpu.memory_space<vmem_shared>> -> memref<10240x128xf32, #tpu.memory_space<vmem_shared>>
          tpu.enqueue_indirect_dma source(%arg10 : memref<128x128xf32, #tpu.memory_space<vmem>>) target(%dma_start3A_62 : memref<10240x128xf32, #tpu.memory_space<vmem_shared>>) offsets(%dma_start3A_59 : memref<128xi32, #tpu.memory_space<vmem>>) semaphore(%run_scoped3A : memref<!tpu.dma_semaphore, #tpu.memory_space<semaphore_mem>>) {add = true}
          %dma_wait3A_63 = arith.constant 0 : i32
          %dma_wait3A_64 = tpu.memref_slice %arg9[%add3A_27, %dma_wait3A_63] : memref<40x128xi32, #tpu.memory_space<vmem>> -> memref<1x128xi32, #tpu.memory_space<vmem>>
          %dma_wait3A_65 = tpu.memref_squeeze %dma_wait3A_64 : memref<1x128xi32, #tpu.memory_space<vmem>> -> memref<128xi32, #tpu.memory_space<vmem>>
          %dma_wait3A_66 = arith.constant 0 : i32
          %dma_wait3A_67 = arith.constant 0 : i32
          %dma_wait3A_68 = tpu.memref_slice %arg12[%dma_wait3A_66, %dma_wait3A_67] : memref<10240x128xf32, #tpu.memory_space<vmem_shared>> -> memref<10240x128xf32, #tpu.memory_space<vmem_shared>>
          tpu.wait_indirect_dma semaphore(%run_scoped3A : memref<!tpu.dma_semaphore, #tpu.memory_space<semaphore_mem>>) src(%arg10 : memref<128x128xf32, #tpu.memory_space<vmem>>) dst(%dma_wait3A_68 : memref<10240x128xf32, #tpu.memory_space<vmem_shared>>)
          tpu.yield
        }) : () -> ()
        %add3A_41 = arith.constant 1 : i32
        %add3A_42 = arith.addi %add3A_27, %add3A_41 : i32
        %dma_wait3A_43 = arith.constant 0 : i32
        %dma_wait3A_44 = tpu.memref_slice %arg8[%add3A_42, %dma_wait3A_43] : memref<40x128xi32, #tpu.memory_space<vmem>> -> memref<1x128xi32, #tpu.memory_space<vmem>>
        %dma_wait3A_45 = tpu.memref_squeeze %dma_wait3A_44 : memref<1x128xi32, #tpu.memory_space<vmem>> -> memref<128xi32, #tpu.memory_space<vmem>>
        %dma_wait3A_46 = arith.constant 0 : i32
        %dma_wait3A_47 = arith.constant 0 : i32
        %dma_wait3A_48 = tpu.memref_slice %arg2[%dma_wait3A_46, %dma_wait3A_47] : memref<10240x128xf32, #tpu.memory_space<hbm>> -> memref<10240x128xf32, #tpu.memory_space<hbm>>
        tpu.wait_indirect_dma semaphore(%arg14 : memref<!tpu.dma_semaphore, #tpu.memory_space<semaphore_mem>>) src(%dma_wait3A_48 : memref<10240x128xf32, #tpu.memory_space<hbm>>) dst(%arg11 : memref<128x128xf32, #tpu.memory_space<vmem>>)
        %add3A_49 = arith.constant 2 : i32
        %add3A_50 = arith.addi %add3A_27, %add3A_49 : i32
        %lt3A = arith.constant 40 : i32
        %lt3A_51 = arith.cmpi slt, %add3A_50, %lt3A : i32
        %convert_element_type3A_52 = arith.extui %lt3A_51 : i1 to i32
        %cond3A_53 = arith.constant 0 : i32
        %cond3A_54 = arith.cmpi ne, %convert_element_type3A_52, %cond3A_53 : i32
        scf.if %cond3A_54 {
          %add3A_57 = arith.constant 2 : i32
          %add3A_58 = arith.addi %add3A_27, %add3A_57 : i32
          %dma_start3A_59 = arith.constant 0 : i32
          %dma_start3A_60 = tpu.memref_slice %arg8[%add3A_58, %dma_start3A_59] : memref<40x128xi32, #tpu.memory_space<vmem>> -> memref<1x128xi32, #tpu.memory_space<vmem>>
          %dma_start3A_61 = tpu.memref_squeeze %dma_start3A_60 : memref<1x128xi32, #tpu.memory_space<vmem>> -> memref<128xi32, #tpu.memory_space<vmem>>
          %dma_start3A_62 = arith.constant 0 : i32
          %dma_start3A_63 = arith.constant 0 : i32
          %dma_start3A_64 = tpu.memref_slice %arg2[%dma_start3A_62, %dma_start3A_63] : memref<10240x128xf32, #tpu.memory_space<hbm>> -> memref<10240x128xf32, #tpu.memory_space<hbm>>
          tpu.enqueue_indirect_dma source(%dma_start3A_64 : memref<10240x128xf32, #tpu.memory_space<hbm>>) target(%arg10 : memref<128x128xf32, #tpu.memory_space<vmem>>) offsets(%dma_start3A_61 : memref<128xi32, #tpu.memory_space<vmem>>) semaphore(%arg13 : memref<!tpu.dma_semaphore, #tpu.memory_space<semaphore_mem>>)
        } else {
        }
        %add3A_55 = arith.constant 1 : i32
        %add3A_56 = arith.addi %add3A_27, %add3A_55 : i32
        "tpu.region"() ({
          %run_scoped3A = tpu.sem_alloc : memref<!tpu.dma_semaphore, #tpu.memory_space<semaphore_mem>>
          %dma_start3A_57 = arith.constant 0 : i32
          %dma_start3A_58 = tpu.memref_slice %arg9[%add3A_56, %dma_start3A_57] : memref<40x128xi32, #tpu.memory_space<vmem>> -> memref<1x128xi32, #tpu.memory_space<vmem>>
          %dma_start3A_59 = tpu.memref_squeeze %dma_start3A_58 : memref<1x128xi32, #tpu.memory_space<vmem>> -> memref<128xi32, #tpu.memory_space<vmem>>
          %dma_start3A_60 = arith.constant 0 : i32
          %dma_start3A_61 = arith.constant 0 : i32
          %dma_start3A_62 = tpu.memref_slice %arg12[%dma_start3A_60, %dma_start3A_61] : memref<10240x128xf32, #tpu.memory_space<vmem_shared>> -> memref<10240x128xf32, #tpu.memory_space<vmem_shared>>
          tpu.enqueue_indirect_dma source(%arg11 : memref<128x128xf32, #tpu.memory_space<vmem>>) target(%dma_start3A_62 : memref<10240x128xf32, #tpu.memory_space<vmem_shared>>) offsets(%dma_start3A_59 : memref<128xi32, #tpu.memory_space<vmem>>) semaphore(%run_scoped3A : memref<!tpu.dma_semaphore, #tpu.memory_space<semaphore_mem>>) {add = true}
          %dma_wait3A_63 = arith.constant 0 : i32
          %dma_wait3A_64 = tpu.memref_slice %arg9[%add3A_56, %dma_wait3A_63] : memref<40x128xi32, #tpu.memory_space<vmem>> -> memref<1x128xi32, #tpu.memory_space<vmem>>
          %dma_wait3A_65 = tpu.memref_squeeze %dma_wait3A_64 : memref<1x128xi32, #tpu.memory_space<vmem>> -> memref<128xi32, #tpu.memory_space<vmem>>
          %dma_wait3A_66 = arith.constant 0 : i32
          %dma_wait3A_67 = arith.constant 0 : i32
          %dma_wait3A_68 = tpu.memref_slice %arg12[%dma_wait3A_66, %dma_wait3A_67] : memref<10240x128xf32, #tpu.memory_space<vmem_shared>> -> memref<10240x128xf32, #tpu.memory_space<vmem_shared>>
          tpu.wait_indirect_dma semaphore(%run_scoped3A : memref<!tpu.dma_semaphore, #tpu.memory_space<semaphore_mem>>) src(%arg11 : memref<128x128xf32, #tpu.memory_space<vmem>>) dst(%dma_wait3A_68 : memref<10240x128xf32, #tpu.memory_space<vmem_shared>>)
          tpu.yield
        }) : () -> ()
      }
      %scan3A_21 = arith.constant 20 : i32
      %barrier3A_22 = arith.constant 0 : index
      tpu.barrier barrier_id(%barrier3A_22)
      "tpu.region"() ({
        %run_scoped3A = tpu.sem_alloc : memref<!tpu.dma_semaphore, #tpu.memory_space<semaphore_mem>>
        %dma_start3A_23 = arith.constant 0 : i32
        %dma_start3A_24 = tpu.memref_slice %arg6[%mul3A_2, %dma_start3A_23] : memref<10240x128xf32, #tpu.memory_space<hbm>> -> memref<640x128xf32, #tpu.memory_space<hbm>>
        %dma_start3A_25 = arith.constant 0 : i32
        %dma_start3A_26 = tpu.memref_slice %arg12[%mul3A_2, %dma_start3A_25] : memref<10240x128xf32, #tpu.memory_space<vmem_shared>> -> memref<640x128xf32, #tpu.memory_space<vmem_shared>>
        tpu.enqueue_dma source(%dma_start3A_26 : memref<640x128xf32, #tpu.memory_space<vmem_shared>>) target(%dma_start3A_24 : memref<640x128xf32, #tpu.memory_space<hbm>>) target_semaphore(%run_scoped3A : memref<!tpu.dma_semaphore, #tpu.memory_space<semaphore_mem>>)
        %dma_wait3A = arith.constant 0 : i32
        %dma_wait3A_27 = tpu.memref_slice %arg6[%mul3A_2, %dma_wait3A] : memref<10240x128xf32, #tpu.memory_space<hbm>> -> memref<640x128xf32, #tpu.memory_space<hbm>>
        %dma_wait3A_28 = arith.constant 0 : i32
        %dma_wait3A_29 = tpu.memref_slice %arg12[%mul3A_2, %dma_wait3A_28] : memref<10240x128xf32, #tpu.memory_space<vmem_shared>> -> memref<640x128xf32, #tpu.memory_space<vmem_shared>>
        tpu.wait_dma2 semaphore(%run_scoped3A : memref<!tpu.dma_semaphore, #tpu.memory_space<semaphore_mem>>) src(%dma_wait3A_29 : memref<640x128xf32, #tpu.memory_space<vmem_shared>>) dst(%dma_wait3A_27 : memref<640x128xf32, #tpu.memory_space<hbm>>)
        tpu.yield
      }) : () -> ()
    } else {
    }
    %eq3A_5 = arith.constant 1 : i32
    %eq3A_6 = arith.cmpi eq, %arg0, %eq3A_5 : i32
    %convert_element_type3A_7 = arith.extui %eq3A_6 : i1 to i32
    %cond3A_8 = arith.constant 0 : i32
    %cond3A_9 = arith.cmpi ne, %convert_element_type3A_7, %cond3A_8 : i32
    scf.if %cond3A_9 {
      "tpu.region"() ({
        %run_scoped3A = tpu.sem_alloc : memref<!tpu.dma_semaphore, #tpu.memory_space<semaphore_mem>>
        %dma_start3A_23 = arith.constant 0 : i32
        %dma_start3A_24 = tpu.memref_slice %arg12[%mul3A_2, %dma_start3A_23] : memref<10240x128xf32, #tpu.memory_space<vmem_shared>> -> memref<640x128xf32, #tpu.memory_space<vmem_shared>>
        %dma_start3A_25 = arith.constant 0 : i32
        %dma_start3A_26 = tpu.memref_slice %arg3[%mul3A_2, %dma_start3A_25] : memref<10240x128xf32, #tpu.memory_space<hbm>> -> memref<640x128xf32, #tpu.memory_space<hbm>>
        tpu.enqueue_dma source(%dma_start3A_26 : memref<640x128xf32, #tpu.memory_space<hbm>>) target(%dma_start3A_24 : memref<640x128xf32, #tpu.memory_space<vmem_shared>>) target_semaphore(%run_scoped3A : memref<!tpu.dma_semaphore, #tpu.memory_space<semaphore_mem>>)
        %dma_wait3A = arith.constant 0 : i32
        %dma_wait3A_27 = tpu.memref_slice %arg12[%mul3A_2, %dma_wait3A] : memref<10240x128xf32, #tpu.memory_space<vmem_shared>> -> memref<640x128xf32, #tpu.memory_space<vmem_shared>>
        %dma_wait3A_28 = arith.constant 0 : i32
        %dma_wait3A_29 = tpu.memref_slice %arg3[%mul3A_2, %dma_wait3A_28] : memref<10240x128xf32, #tpu.memory_space<hbm>> -> memref<640x128xf32, #tpu.memory_space<hbm>>
        tpu.wait_dma2 semaphore(%run_scoped3A : memref<!tpu.dma_semaphore, #tpu.memory_space<semaphore_mem>>) src(%dma_wait3A_29 : memref<640x128xf32, #tpu.memory_space<hbm>>) dst(%dma_wait3A_27 : memref<640x128xf32, #tpu.memory_space<vmem_shared>>)
        tpu.yield
      }) : () -> ()
      %barrier3A = arith.constant 0 : index
      tpu.barrier barrier_id(%barrier3A)
      %mul3A_10 = arith.constant 40 : i32
      %mul3A_11 = arith.muli %add3A, %mul3A_10 : i32
      "tpu.region"() ({
        %run_scoped3A = tpu.sem_alloc : memref<!tpu.dma_semaphore, #tpu.memory_space<semaphore_mem>>
        %dma_start3A_23 = arith.constant 0 : i32
        %dma_start3A_24 = tpu.memref_slice %arg4[%mul3A_11, %dma_start3A_23] : memref<1280x128xi32, #tpu.memory_space<hbm>> -> memref<40x128xi32, #tpu.memory_space<hbm>>
        %dma_start3A_25 = arith.constant 0 : i32
        %dma_start3A_26 = tpu.memref_slice %arg4[%mul3A_11, %dma_start3A_25] : memref<1280x128xi32, #tpu.memory_space<hbm>> -> memref<40x128xi32, #tpu.memory_space<hbm>>
        tpu.enqueue_dma source(%dma_start3A_26 : memref<40x128xi32, #tpu.memory_space<hbm>>) target(%arg8 : memref<40x128xi32, #tpu.memory_space<vmem>>) target_semaphore(%run_scoped3A : memref<!tpu.dma_semaphore, #tpu.memory_space<semaphore_mem>>)
        %dma_wait3A = arith.constant 0 : i32
        %dma_wait3A_27 = tpu.memref_slice %arg4[%mul3A_11, %dma_wait3A] : memref<1280x128xi32, #tpu.memory_space<hbm>> -> memref<40x128xi32, #tpu.memory_space<hbm>>
        %dma_wait3A_28 = arith.constant 0 : i32
        %dma_wait3A_29 = tpu.memref_slice %arg4[%mul3A_11, %dma_wait3A_28] : memref<1280x128xi32, #tpu.memory_space<hbm>> -> memref<40x128xi32, #tpu.memory_space<hbm>>
        tpu.wait_dma2 semaphore(%run_scoped3A : memref<!tpu.dma_semaphore, #tpu.memory_space<semaphore_mem>>) src(%dma_wait3A_29 : memref<40x128xi32, #tpu.memory_space<hbm>>) dst(%arg8 : memref<40x128xi32, #tpu.memory_space<vmem>>)
        tpu.yield
      }) : () -> ()
      "tpu.region"() ({
        %run_scoped3A = tpu.sem_alloc : memref<!tpu.dma_semaphore, #tpu.memory_space<semaphore_mem>>
        %dma_start3A_23 = arith.constant 0 : i32
        %dma_start3A_24 = tpu.memref_slice %arg5[%mul3A_11, %dma_start3A_23] : memref<1280x128xi32, #tpu.memory_space<hbm>> -> memref<40x128xi32, #tpu.memory_space<hbm>>
        %dma_start3A_25 = arith.constant 0 : i32
        %dma_start3A_26 = tpu.memref_slice %arg5[%mul3A_11, %dma_start3A_25] : memref<1280x128xi32, #tpu.memory_space<hbm>> -> memref<40x128xi32, #tpu.memory_space<hbm>>
        tpu.enqueue_dma source(%dma_start3A_26 : memref<40x128xi32, #tpu.memory_space<hbm>>) target(%arg9 : memref<40x128xi32, #tpu.memory_space<vmem>>) target_semaphore(%run_scoped3A : memref<!tpu.dma_semaphore, #tpu.memory_space<semaphore_mem>>)
        %dma_wait3A = arith.constant 0 : i32
        %dma_wait3A_27 = tpu.memref_slice %arg5[%mul3A_11, %dma_wait3A] : memref<1280x128xi32, #tpu.memory_space<hbm>> -> memref<40x128xi32, #tpu.memory_space<hbm>>
        %dma_wait3A_28 = arith.constant 0 : i32
        %dma_wait3A_29 = tpu.memref_slice %arg5[%mul3A_11, %dma_wait3A_28] : memref<1280x128xi32, #tpu.memory_space<hbm>> -> memref<40x128xi32, #tpu.memory_space<hbm>>
        tpu.wait_dma2 semaphore(%run_scoped3A : memref<!tpu.dma_semaphore, #tpu.memory_space<semaphore_mem>>) src(%dma_wait3A_29 : memref<40x128xi32, #tpu.memory_space<hbm>>) dst(%arg9 : memref<40x128xi32, #tpu.memory_space<vmem>>)
        tpu.yield
      }) : () -> ()
      %dma_start3A = arith.constant 0 : i32
      %dma_start3A_12 = arith.constant 0 : i32
      %dma_start3A_13 = tpu.memref_slice %arg8[%dma_start3A, %dma_start3A_12] : memref<40x128xi32, #tpu.memory_space<vmem>> -> memref<1x128xi32, #tpu.memory_space<vmem>>
      %dma_start3A_14 = tpu.memref_squeeze %dma_start3A_13 : memref<1x128xi32, #tpu.memory_space<vmem>> -> memref<128xi32, #tpu.memory_space<vmem>>
      %dma_start3A_15 = arith.constant 0 : i32
      %dma_start3A_16 = arith.constant 0 : i32
      %dma_start3A_17 = tpu.memref_slice %arg3[%dma_start3A_15, %dma_start3A_16] : memref<10240x128xf32, #tpu.memory_space<hbm>> -> memref<10240x128xf32, #tpu.memory_space<hbm>>
      tpu.enqueue_indirect_dma source(%dma_start3A_17 : memref<10240x128xf32, #tpu.memory_space<hbm>>) target(%arg10 : memref<128x128xf32, #tpu.memory_space<vmem>>) offsets(%dma_start3A_14 : memref<128xi32, #tpu.memory_space<vmem>>) semaphore(%arg13 : memref<!tpu.dma_semaphore, #tpu.memory_space<semaphore_mem>>)
      %scan3A = arith.constant 0 : i32
      %scan3A_18 = arith.constant 20 : i32
      %scan3A_19 = arith.addi %scan3A, %scan3A_18 : i32
      %scan3A_20 = arith.constant 1 : i32
      scf.for %scan3A_23 = %scan3A to %scan3A_19 step %scan3A_20  : i32 {
        %mul3A_24 = arith.constant 2 : i32
        %mul3A_25 = arith.muli %scan3A_23, %mul3A_24 : i32
        %add3A_26 = arith.constant 0 : i32
        %add3A_27 = arith.addi %add3A_26, %mul3A_25 : i32
        %dma_wait3A = arith.constant 0 : i32
        %dma_wait3A_28 = tpu.memref_slice %arg8[%add3A_27, %dma_wait3A] : memref<40x128xi32, #tpu.memory_space<vmem>> -> memref<1x128xi32, #tpu.memory_space<vmem>>
        %dma_wait3A_29 = tpu.memref_squeeze %dma_wait3A_28 : memref<1x128xi32, #tpu.memory_space<vmem>> -> memref<128xi32, #tpu.memory_space<vmem>>
        %dma_wait3A_30 = arith.constant 0 : i32
        %dma_wait3A_31 = arith.constant 0 : i32
        %dma_wait3A_32 = tpu.memref_slice %arg3[%dma_wait3A_30, %dma_wait3A_31] : memref<10240x128xf32, #tpu.memory_space<hbm>> -> memref<10240x128xf32, #tpu.memory_space<hbm>>
        tpu.wait_indirect_dma semaphore(%arg13 : memref<!tpu.dma_semaphore, #tpu.memory_space<semaphore_mem>>) src(%dma_wait3A_32 : memref<10240x128xf32, #tpu.memory_space<hbm>>) dst(%arg10 : memref<128x128xf32, #tpu.memory_space<vmem>>)
        %add3A_33 = arith.constant 1 : i32
        %add3A_34 = arith.addi %add3A_27, %add3A_33 : i32
        %dma_start3A_35 = arith.constant 0 : i32
        %dma_start3A_36 = tpu.memref_slice %arg8[%add3A_34, %dma_start3A_35] : memref<40x128xi32, #tpu.memory_space<vmem>> -> memref<1x128xi32, #tpu.memory_space<vmem>>
        %dma_start3A_37 = tpu.memref_squeeze %dma_start3A_36 : memref<1x128xi32, #tpu.memory_space<vmem>> -> memref<128xi32, #tpu.memory_space<vmem>>
        %dma_start3A_38 = arith.constant 0 : i32
        %dma_start3A_39 = arith.constant 0 : i32
        %dma_start3A_40 = tpu.memref_slice %arg3[%dma_start3A_38, %dma_start3A_39] : memref<10240x128xf32, #tpu.memory_space<hbm>> -> memref<10240x128xf32, #tpu.memory_space<hbm>>
        tpu.enqueue_indirect_dma source(%dma_start3A_40 : memref<10240x128xf32, #tpu.memory_space<hbm>>) target(%arg11 : memref<128x128xf32, #tpu.memory_space<vmem>>) offsets(%dma_start3A_37 : memref<128xi32, #tpu.memory_space<vmem>>) semaphore(%arg14 : memref<!tpu.dma_semaphore, #tpu.memory_space<semaphore_mem>>)
        "tpu.region"() ({
          %run_scoped3A = tpu.sem_alloc : memref<!tpu.dma_semaphore, #tpu.memory_space<semaphore_mem>>
          %dma_start3A_57 = arith.constant 0 : i32
          %dma_start3A_58 = tpu.memref_slice %arg9[%add3A_27, %dma_start3A_57] : memref<40x128xi32, #tpu.memory_space<vmem>> -> memref<1x128xi32, #tpu.memory_space<vmem>>
          %dma_start3A_59 = tpu.memref_squeeze %dma_start3A_58 : memref<1x128xi32, #tpu.memory_space<vmem>> -> memref<128xi32, #tpu.memory_space<vmem>>
          %dma_start3A_60 = arith.constant 0 : i32
          %dma_start3A_61 = arith.constant 0 : i32
          %dma_start3A_62 = tpu.memref_slice %arg12[%dma_start3A_60, %dma_start3A_61] : memref<10240x128xf32, #tpu.memory_space<vmem_shared>> -> memref<10240x128xf32, #tpu.memory_space<vmem_shared>>
          tpu.enqueue_indirect_dma source(%arg10 : memref<128x128xf32, #tpu.memory_space<vmem>>) target(%dma_start3A_62 : memref<10240x128xf32, #tpu.memory_space<vmem_shared>>) offsets(%dma_start3A_59 : memref<128xi32, #tpu.memory_space<vmem>>) semaphore(%run_scoped3A : memref<!tpu.dma_semaphore, #tpu.memory_space<semaphore_mem>>) {add = true}
          %dma_wait3A_63 = arith.constant 0 : i32
          %dma_wait3A_64 = tpu.memref_slice %arg9[%add3A_27, %dma_wait3A_63] : memref<40x128xi32, #tpu.memory_space<vmem>> -> memref<1x128xi32, #tpu.memory_space<vmem>>
          %dma_wait3A_65 = tpu.memref_squeeze %dma_wait3A_64 : memref<1x128xi32, #tpu.memory_space<vmem>> -> memref<128xi32, #tpu.memory_space<vmem>>
          %dma_wait3A_66 = arith.constant 0 : i32
          %dma_wait3A_67 = arith.constant 0 : i32
          %dma_wait3A_68 = tpu.memref_slice %arg12[%dma_wait3A_66, %dma_wait3A_67] : memref<10240x128xf32, #tpu.memory_space<vmem_shared>> -> memref<10240x128xf32, #tpu.memory_space<vmem_shared>>
          tpu.wait_indirect_dma semaphore(%run_scoped3A : memref<!tpu.dma_semaphore, #tpu.memory_space<semaphore_mem>>) src(%arg10 : memref<128x128xf32, #tpu.memory_space<vmem>>) dst(%dma_wait3A_68 : memref<10240x128xf32, #tpu.memory_space<vmem_shared>>)
          tpu.yield
        }) : () -> ()
        %add3A_41 = arith.constant 1 : i32
        %add3A_42 = arith.addi %add3A_27, %add3A_41 : i32
        %dma_wait3A_43 = arith.constant 0 : i32
        %dma_wait3A_44 = tpu.memref_slice %arg8[%add3A_42, %dma_wait3A_43] : memref<40x128xi32, #tpu.memory_space<vmem>> -> memref<1x128xi32, #tpu.memory_space<vmem>>
        %dma_wait3A_45 = tpu.memref_squeeze %dma_wait3A_44 : memref<1x128xi32, #tpu.memory_space<vmem>> -> memref<128xi32, #tpu.memory_space<vmem>>
        %dma_wait3A_46 = arith.constant 0 : i32
        %dma_wait3A_47 = arith.constant 0 : i32
        %dma_wait3A_48 = tpu.memref_slice %arg3[%dma_wait3A_46, %dma_wait3A_47] : memref<10240x128xf32, #tpu.memory_space<hbm>> -> memref<10240x128xf32, #tpu.memory_space<hbm>>
        tpu.wait_indirect_dma semaphore(%arg14 : memref<!tpu.dma_semaphore, #tpu.memory_space<semaphore_mem>>) src(%dma_wait3A_48 : memref<10240x128xf32, #tpu.memory_space<hbm>>) dst(%arg11 : memref<128x128xf32, #tpu.memory_space<vmem>>)
        %add3A_49 = arith.constant 2 : i32
        %add3A_50 = arith.addi %add3A_27, %add3A_49 : i32
        %lt3A = arith.constant 40 : i32
        %lt3A_51 = arith.cmpi slt, %add3A_50, %lt3A : i32
        %convert_element_type3A_52 = arith.extui %lt3A_51 : i1 to i32
        %cond3A_53 = arith.constant 0 : i32
        %cond3A_54 = arith.cmpi ne, %convert_element_type3A_52, %cond3A_53 : i32
        scf.if %cond3A_54 {
          %add3A_57 = arith.constant 2 : i32
          %add3A_58 = arith.addi %add3A_27, %add3A_57 : i32
          %dma_start3A_59 = arith.constant 0 : i32
          %dma_start3A_60 = tpu.memref_slice %arg8[%add3A_58, %dma_start3A_59] : memref<40x128xi32, #tpu.memory_space<vmem>> -> memref<1x128xi32, #tpu.memory_space<vmem>>
          %dma_start3A_61 = tpu.memref_squeeze %dma_start3A_60 : memref<1x128xi32, #tpu.memory_space<vmem>> -> memref<128xi32, #tpu.memory_space<vmem>>
          %dma_start3A_62 = arith.constant 0 : i32
          %dma_start3A_63 = arith.constant 0 : i32
          %dma_start3A_64 = tpu.memref_slice %arg3[%dma_start3A_62, %dma_start3A_63] : memref<10240x128xf32, #tpu.memory_space<hbm>> -> memref<10240x128xf32, #tpu.memory_space<hbm>>
          tpu.enqueue_indirect_dma source(%dma_start3A_64 : memref<10240x128xf32, #tpu.memory_space<hbm>>) target(%arg10 : memref<128x128xf32, #tpu.memory_space<vmem>>) offsets(%dma_start3A_61 : memref<128xi32, #tpu.memory_space<vmem>>) semaphore(%arg13 : memref<!tpu.dma_semaphore, #tpu.memory_space<semaphore_mem>>)
        } else {
        }
        %add3A_55 = arith.constant 1 : i32
        %add3A_56 = arith.addi %add3A_27, %add3A_55 : i32
        "tpu.region"() ({
          %run_scoped3A = tpu.sem_alloc : memref<!tpu.dma_semaphore, #tpu.memory_space<semaphore_mem>>
          %dma_start3A_57 = arith.constant 0 : i32
          %dma_start3A_58 = tpu.memref_slice %arg9[%add3A_56, %dma_start3A_57] : memref<40x128xi32, #tpu.memory_space<vmem>> -> memref<1x128xi32, #tpu.memory_space<vmem>>
          %dma_start3A_59 = tpu.memref_squeeze %dma_start3A_58 : memref<1x128xi32, #tpu.memory_space<vmem>> -> memref<128xi32, #tpu.memory_space<vmem>>
          %dma_start3A_60 = arith.constant 0 : i32
          %dma_start3A_61 = arith.constant 0 : i32
          %dma_start3A_62 = tpu.memref_slice %arg12[%dma_start3A_60, %dma_start3A_61] : memref<10240x128xf32, #tpu.memory_space<vmem_shared>> -> memref<10240x128xf32, #tpu.memory_space<vmem_shared>>
          tpu.enqueue_indirect_dma source(%arg11 : memref<128x128xf32, #tpu.memory_space<vmem>>) target(%dma_start3A_62 : memref<10240x128xf32, #tpu.memory_space<vmem_shared>>) offsets(%dma_start3A_59 : memref<128xi32, #tpu.memory_space<vmem>>) semaphore(%run_scoped3A : memref<!tpu.dma_semaphore, #tpu.memory_space<semaphore_mem>>) {add = true}
          %dma_wait3A_63 = arith.constant 0 : i32
          %dma_wait3A_64 = tpu.memref_slice %arg9[%add3A_56, %dma_wait3A_63] : memref<40x128xi32, #tpu.memory_space<vmem>> -> memref<1x128xi32, #tpu.memory_space<vmem>>
          %dma_wait3A_65 = tpu.memref_squeeze %dma_wait3A_64 : memref<1x128xi32, #tpu.memory_space<vmem>> -> memref<128xi32, #tpu.memory_space<vmem>>
          %dma_wait3A_66 = arith.constant 0 : i32
          %dma_wait3A_67 = arith.constant 0 : i32
          %dma_wait3A_68 = tpu.memref_slice %arg12[%dma_wait3A_66, %dma_wait3A_67] : memref<10240x128xf32, #tpu.memory_space<vmem_shared>> -> memref<10240x128xf32, #tpu.memory_space<vmem_shared>>
          tpu.wait_indirect_dma semaphore(%run_scoped3A : memref<!tpu.dma_semaphore, #tpu.memory_space<semaphore_mem>>) src(%arg11 : memref<128x128xf32, #tpu.memory_space<vmem>>) dst(%dma_wait3A_68 : memref<10240x128xf32, #tpu.memory_space<vmem_shared>>)
          tpu.yield
        }) : () -> ()
      }
      %scan3A_21 = arith.constant 20 : i32
      %barrier3A_22 = arith.constant 0 : index
      tpu.barrier barrier_id(%barrier3A_22)
      "tpu.region"() ({
        %run_scoped3A = tpu.sem_alloc : memref<!tpu.dma_semaphore, #tpu.memory_space<semaphore_mem>>
        %dma_start3A_23 = arith.constant 0 : i32
        %dma_start3A_24 = tpu.memref_slice %arg7[%mul3A_2, %dma_start3A_23] : memref<10240x128xf32, #tpu.memory_space<hbm>> -> memref<640x128xf32, #tpu.memory_space<hbm>>
        %dma_start3A_25 = arith.constant 0 : i32
        %dma_start3A_26 = tpu.memref_slice %arg12[%mul3A_2, %dma_start3A_25] : memref<10240x128xf32, #tpu.memory_space<vmem_shared>> -> memref<640x128xf32, #tpu.memory_space<vmem_shared>>
        tpu.enqueue_dma source(%dma_start3A_26 : memref<640x128xf32, #tpu.memory_space<vmem_shared>>) target(%dma_start3A_24 : memref<640x128xf32, #tpu.memory_space<hbm>>) target_semaphore(%run_scoped3A : memref<!tpu.dma_semaphore, #tpu.memory_space<semaphore_mem>>)
        %dma_wait3A = arith.constant 0 : i32
        %dma_wait3A_27 = tpu.memref_slice %arg7[%mul3A_2, %dma_wait3A] : memref<10240x128xf32, #tpu.memory_space<hbm>> -> memref<640x128xf32, #tpu.memory_space<hbm>>
        %dma_wait3A_28 = arith.constant 0 : i32
        %dma_wait3A_29 = tpu.memref_slice %arg12[%mul3A_2, %dma_wait3A_28] : memref<10240x128xf32, #tpu.memory_space<vmem_shared>> -> memref<640x128xf32, #tpu.memory_space<vmem_shared>>
        tpu.wait_dma2 semaphore(%run_scoped3A : memref<!tpu.dma_semaphore, #tpu.memory_space<semaphore_mem>>) src(%dma_wait3A_29 : memref<640x128xf32, #tpu.memory_space<vmem_shared>>) dst(%dma_wait3A_27 : memref<640x128xf32, #tpu.memory_space<hbm>>)
        tpu.yield
      }) : () -> ()
    } else {
    }
    return
  }
}

#map = affine_map<(d0, d1) -> (0, 0)>
module attributes {stable_mosaic.version = 14 : i64} {
  func.func @k(%arg0: i32, %arg1: i32, %arg2: memref<10240x128xf32, #tpu.memory_space<hbm>>, %arg3: memref<10240x128xf32, #tpu.memory_space<hbm>>, %arg4: memref<1280x128xi32, #tpu.memory_space<hbm>>, %arg5: memref<1280x128xi32, #tpu.memory_space<hbm>>, %arg6: memref<10240x128xf32, #tpu.memory_space<hbm>>, %arg7: memref<10240x128xf32, #tpu.memory_space<hbm>>, %arg8: memref<40x128xi32, #tpu.memory_space<vmem>>, %arg9: memref<40x128xi32, #tpu.memory_space<vmem>>, %arg10: memref<128x128xf32, #tpu.memory_space<vmem>>, %arg11: memref<128x128xf32, #tpu.memory_space<vmem>>, %arg12: memref<10240x128xf32, #tpu.memory_space<vmem_shared>>, %arg13: memref<!tpu.dma_semaphore, #tpu.memory_space<semaphore_mem>>, %arg14: memref<!tpu.dma_semaphore, #tpu.memory_space<semaphore_mem>>) attributes {dimension_semantics = [#tpu.dimension_semantics<core_parallel>, #tpu.dimension_semantics<subcore_parallel>], iteration_bounds = array<i64: 2, 16>, scalar_prefetch = 0 : i64, scratch_operands = 7 : i64, tpu.core_type = #tpu.core_type<sc_vector_subcore>, window_params = [{transform_indices = #map}, {transform_indices = #map}, {transform_indices = #map}, {transform_indices = #map}, {transform_indices = #map}, {transform_indices = #map}]} {
    %mul3A = arith.constant 640 : i32
    %mul3A_0 = arith.muli %arg1, %mul3A : i32
    %eq3A = arith.constant 0 : i32
    %eq3A_1 = arith.cmpi eq, %arg0, %eq3A : i32
    %convert_element_type3A = arith.extui %eq3A_1 : i1 to i32
    %cond3A = arith.constant 0 : i32
    %cond3A_2 = arith.cmpi ne, %convert_element_type3A, %cond3A : i32
    scf.if %cond3A_2 {
      "tpu.region"() ({
        %run_scoped3A = tpu.sem_alloc : memref<!tpu.dma_semaphore, #tpu.memory_space<semaphore_mem>>
        %dma_start3A = arith.constant 0 : i32
        %dma_start3A_13 = tpu.memref_slice %arg12[%mul3A_0, %dma_start3A] : memref<10240x128xf32, #tpu.memory_space<vmem_shared>> -> memref<640x128xf32, #tpu.memory_space<vmem_shared>>
        %dma_start3A_14 = arith.constant 0 : i32
        %dma_start3A_15 = tpu.memref_slice %arg2[%mul3A_0, %dma_start3A_14] : memref<10240x128xf32, #tpu.memory_space<hbm>> -> memref<640x128xf32, #tpu.memory_space<hbm>>
        tpu.enqueue_dma source(%dma_start3A_15 : memref<640x128xf32, #tpu.memory_space<hbm>>) target(%dma_start3A_13 : memref<640x128xf32, #tpu.memory_space<vmem_shared>>) target_semaphore(%run_scoped3A : memref<!tpu.dma_semaphore, #tpu.memory_space<semaphore_mem>>)
        %dma_wait3A = arith.constant 0 : i32
        %dma_wait3A_16 = tpu.memref_slice %arg12[%mul3A_0, %dma_wait3A] : memref<10240x128xf32, #tpu.memory_space<vmem_shared>> -> memref<640x128xf32, #tpu.memory_space<vmem_shared>>
        %dma_wait3A_17 = arith.constant 0 : i32
        %dma_wait3A_18 = tpu.memref_slice %arg2[%mul3A_0, %dma_wait3A_17] : memref<10240x128xf32, #tpu.memory_space<hbm>> -> memref<640x128xf32, #tpu.memory_space<hbm>>
        tpu.wait_dma2 semaphore(%run_scoped3A : memref<!tpu.dma_semaphore, #tpu.memory_space<semaphore_mem>>) src(%dma_wait3A_18 : memref<640x128xf32, #tpu.memory_space<hbm>>) dst(%dma_wait3A_16 : memref<640x128xf32, #tpu.memory_space<vmem_shared>>)
        tpu.yield
      }) : () -> ()
      %barrier3A = arith.constant 0 : index
      tpu.barrier barrier_id(%barrier3A)
      %scan3A = arith.constant 0 : i32
      %scan3A_8 = arith.constant 2 : i32
      %scan3A_9 = arith.addi %scan3A, %scan3A_8 : i32
      %scan3A_10 = arith.constant 1 : i32
      scf.for %scan3A_13 = %scan3A to %scan3A_9 step %scan3A_10  : i32 {
        %mul3A_14 = arith.constant 1 : i32
        %mul3A_15 = arith.muli %scan3A_13, %mul3A_14 : i32
        %add3A = arith.constant 0 : i32
        %add3A_16 = arith.addi %add3A, %mul3A_15 : i32
        %mul3A_17 = arith.constant 80 : i32
        %mul3A_18 = arith.muli %arg1, %mul3A_17 : i32
        %mul3A_19 = arith.constant 40 : i32
        %mul3A_20 = arith.muli %add3A_16, %mul3A_19 : i32
        %add3A_21 = arith.addi %mul3A_18, %mul3A_20 : i32
        "tpu.region"() ({
          %run_scoped3A = tpu.sem_alloc : memref<!tpu.dma_semaphore, #tpu.memory_space<semaphore_mem>>
          %dma_start3A_33 = arith.constant 0 : i32
          %dma_start3A_34 = tpu.memref_slice %arg4[%add3A_21, %dma_start3A_33] : memref<1280x128xi32, #tpu.memory_space<hbm>> -> memref<40x128xi32, #tpu.memory_space<hbm>>
          %dma_start3A_35 = arith.constant 0 : i32
          %dma_start3A_36 = tpu.memref_slice %arg4[%add3A_21, %dma_start3A_35] : memref<1280x128xi32, #tpu.memory_space<hbm>> -> memref<40x128xi32, #tpu.memory_space<hbm>>
          tpu.enqueue_dma source(%dma_start3A_36 : memref<40x128xi32, #tpu.memory_space<hbm>>) target(%arg8 : memref<40x128xi32, #tpu.memory_space<vmem>>) target_semaphore(%run_scoped3A : memref<!tpu.dma_semaphore, #tpu.memory_space<semaphore_mem>>)
          %dma_wait3A = arith.constant 0 : i32
          %dma_wait3A_37 = tpu.memref_slice %arg4[%add3A_21, %dma_wait3A] : memref<1280x128xi32, #tpu.memory_space<hbm>> -> memref<40x128xi32, #tpu.memory_space<hbm>>
          %dma_wait3A_38 = arith.constant 0 : i32
          %dma_wait3A_39 = tpu.memref_slice %arg4[%add3A_21, %dma_wait3A_38] : memref<1280x128xi32, #tpu.memory_space<hbm>> -> memref<40x128xi32, #tpu.memory_space<hbm>>
          tpu.wait_dma2 semaphore(%run_scoped3A : memref<!tpu.dma_semaphore, #tpu.memory_space<semaphore_mem>>) src(%dma_wait3A_39 : memref<40x128xi32, #tpu.memory_space<hbm>>) dst(%arg8 : memref<40x128xi32, #tpu.memory_space<vmem>>)
          tpu.yield
        }) : () -> ()
        "tpu.region"() ({
          %run_scoped3A = tpu.sem_alloc : memref<!tpu.dma_semaphore, #tpu.memory_space<semaphore_mem>>
          %dma_start3A_33 = arith.constant 0 : i32
          %dma_start3A_34 = tpu.memref_slice %arg5[%add3A_21, %dma_start3A_33] : memref<1280x128xi32, #tpu.memory_space<hbm>> -> memref<40x128xi32, #tpu.memory_space<hbm>>
          %dma_start3A_35 = arith.constant 0 : i32
          %dma_start3A_36 = tpu.memref_slice %arg5[%add3A_21, %dma_start3A_35] : memref<1280x128xi32, #tpu.memory_space<hbm>> -> memref<40x128xi32, #tpu.memory_space<hbm>>
          tpu.enqueue_dma source(%dma_start3A_36 : memref<40x128xi32, #tpu.memory_space<hbm>>) target(%arg9 : memref<40x128xi32, #tpu.memory_space<vmem>>) target_semaphore(%run_scoped3A : memref<!tpu.dma_semaphore, #tpu.memory_space<semaphore_mem>>)
          %dma_wait3A = arith.constant 0 : i32
          %dma_wait3A_37 = tpu.memref_slice %arg5[%add3A_21, %dma_wait3A] : memref<1280x128xi32, #tpu.memory_space<hbm>> -> memref<40x128xi32, #tpu.memory_space<hbm>>
          %dma_wait3A_38 = arith.constant 0 : i32
          %dma_wait3A_39 = tpu.memref_slice %arg5[%add3A_21, %dma_wait3A_38] : memref<1280x128xi32, #tpu.memory_space<hbm>> -> memref<40x128xi32, #tpu.memory_space<hbm>>
          tpu.wait_dma2 semaphore(%run_scoped3A : memref<!tpu.dma_semaphore, #tpu.memory_space<semaphore_mem>>) src(%dma_wait3A_39 : memref<40x128xi32, #tpu.memory_space<hbm>>) dst(%arg9 : memref<40x128xi32, #tpu.memory_space<vmem>>)
          tpu.yield
        }) : () -> ()
        %dma_start3A = arith.constant 0 : i32
        %dma_start3A_22 = arith.constant 0 : i32
        %dma_start3A_23 = tpu.memref_slice %arg8[%dma_start3A, %dma_start3A_22] : memref<40x128xi32, #tpu.memory_space<vmem>> -> memref<1x128xi32, #tpu.memory_space<vmem>>
        %dma_start3A_24 = tpu.memref_squeeze %dma_start3A_23 : memref<1x128xi32, #tpu.memory_space<vmem>> -> memref<128xi32, #tpu.memory_space<vmem>>
        %dma_start3A_25 = arith.constant 0 : i32
        %dma_start3A_26 = arith.constant 0 : i32
        %dma_start3A_27 = tpu.memref_slice %arg2[%dma_start3A_25, %dma_start3A_26] : memref<10240x128xf32, #tpu.memory_space<hbm>> -> memref<10240x128xf32, #tpu.memory_space<hbm>>
        tpu.enqueue_indirect_dma source(%dma_start3A_27 : memref<10240x128xf32, #tpu.memory_space<hbm>>) target(%arg10 : memref<128x128xf32, #tpu.memory_space<vmem>>) offsets(%dma_start3A_24 : memref<128xi32, #tpu.memory_space<vmem>>) semaphore(%arg13 : memref<!tpu.dma_semaphore, #tpu.memory_space<semaphore_mem>>)
        %scan3A_28 = arith.constant 0 : i32
        %scan3A_29 = arith.constant 20 : i32
        %scan3A_30 = arith.addi %scan3A_28, %scan3A_29 : i32
        %scan3A_31 = arith.constant 1 : i32
        scf.for %scan3A_33 = %scan3A_28 to %scan3A_30 step %scan3A_31  : i32 {
          %mul3A_34 = arith.constant 2 : i32
          %mul3A_35 = arith.muli %scan3A_33, %mul3A_34 : i32
          %add3A_36 = arith.constant 0 : i32
          %add3A_37 = arith.addi %add3A_36, %mul3A_35 : i32
          %dma_wait3A = arith.constant 0 : i32
          %dma_wait3A_38 = tpu.memref_slice %arg8[%add3A_37, %dma_wait3A] : memref<40x128xi32, #tpu.memory_space<vmem>> -> memref<1x128xi32, #tpu.memory_space<vmem>>
          %dma_wait3A_39 = tpu.memref_squeeze %dma_wait3A_38 : memref<1x128xi32, #tpu.memory_space<vmem>> -> memref<128xi32, #tpu.memory_space<vmem>>
          %dma_wait3A_40 = arith.constant 0 : i32
          %dma_wait3A_41 = arith.constant 0 : i32
          %dma_wait3A_42 = tpu.memref_slice %arg2[%dma_wait3A_40, %dma_wait3A_41] : memref<10240x128xf32, #tpu.memory_space<hbm>> -> memref<10240x128xf32, #tpu.memory_space<hbm>>
          tpu.wait_indirect_dma semaphore(%arg13 : memref<!tpu.dma_semaphore, #tpu.memory_space<semaphore_mem>>) src(%dma_wait3A_42 : memref<10240x128xf32, #tpu.memory_space<hbm>>) dst(%arg10 : memref<128x128xf32, #tpu.memory_space<vmem>>)
          %add3A_43 = arith.constant 1 : i32
          %add3A_44 = arith.addi %add3A_37, %add3A_43 : i32
          %dma_start3A_45 = arith.constant 0 : i32
          %dma_start3A_46 = tpu.memref_slice %arg8[%add3A_44, %dma_start3A_45] : memref<40x128xi32, #tpu.memory_space<vmem>> -> memref<1x128xi32, #tpu.memory_space<vmem>>
          %dma_start3A_47 = tpu.memref_squeeze %dma_start3A_46 : memref<1x128xi32, #tpu.memory_space<vmem>> -> memref<128xi32, #tpu.memory_space<vmem>>
          %dma_start3A_48 = arith.constant 0 : i32
          %dma_start3A_49 = arith.constant 0 : i32
          %dma_start3A_50 = tpu.memref_slice %arg2[%dma_start3A_48, %dma_start3A_49] : memref<10240x128xf32, #tpu.memory_space<hbm>> -> memref<10240x128xf32, #tpu.memory_space<hbm>>
          tpu.enqueue_indirect_dma source(%dma_start3A_50 : memref<10240x128xf32, #tpu.memory_space<hbm>>) target(%arg11 : memref<128x128xf32, #tpu.memory_space<vmem>>) offsets(%dma_start3A_47 : memref<128xi32, #tpu.memory_space<vmem>>) semaphore(%arg14 : memref<!tpu.dma_semaphore, #tpu.memory_space<semaphore_mem>>)
          "tpu.region"() ({
            %run_scoped3A = tpu.sem_alloc : memref<!tpu.dma_semaphore, #tpu.memory_space<semaphore_mem>>
            %dma_start3A_67 = arith.constant 0 : i32
            %dma_start3A_68 = tpu.memref_slice %arg9[%add3A_37, %dma_start3A_67] : memref<40x128xi32, #tpu.memory_space<vmem>> -> memref<1x128xi32, #tpu.memory_space<vmem>>
            %dma_start3A_69 = tpu.memref_squeeze %dma_start3A_68 : memref<1x128xi32, #tpu.memory_space<vmem>> -> memref<128xi32, #tpu.memory_space<vmem>>
            %dma_start3A_70 = arith.constant 0 : i32
            %dma_start3A_71 = arith.constant 0 : i32
            %dma_start3A_72 = tpu.memref_slice %arg12[%dma_start3A_70, %dma_start3A_71] : memref<10240x128xf32, #tpu.memory_space<vmem_shared>> -> memref<10240x128xf32, #tpu.memory_space<vmem_shared>>
            tpu.enqueue_indirect_dma source(%arg10 : memref<128x128xf32, #tpu.memory_space<vmem>>) target(%dma_start3A_72 : memref<10240x128xf32, #tpu.memory_space<vmem_shared>>) offsets(%dma_start3A_69 : memref<128xi32, #tpu.memory_space<vmem>>) semaphore(%run_scoped3A : memref<!tpu.dma_semaphore, #tpu.memory_space<semaphore_mem>>) {add = true}
            %dma_wait3A_73 = arith.constant 0 : i32
            %dma_wait3A_74 = tpu.memref_slice %arg9[%add3A_37, %dma_wait3A_73] : memref<40x128xi32, #tpu.memory_space<vmem>> -> memref<1x128xi32, #tpu.memory_space<vmem>>
            %dma_wait3A_75 = tpu.memref_squeeze %dma_wait3A_74 : memref<1x128xi32, #tpu.memory_space<vmem>> -> memref<128xi32, #tpu.memory_space<vmem>>
            %dma_wait3A_76 = arith.constant 0 : i32
            %dma_wait3A_77 = arith.constant 0 : i32
            %dma_wait3A_78 = tpu.memref_slice %arg12[%dma_wait3A_76, %dma_wait3A_77] : memref<10240x128xf32, #tpu.memory_space<vmem_shared>> -> memref<10240x128xf32, #tpu.memory_space<vmem_shared>>
            tpu.wait_indirect_dma semaphore(%run_scoped3A : memref<!tpu.dma_semaphore, #tpu.memory_space<semaphore_mem>>) src(%arg10 : memref<128x128xf32, #tpu.memory_space<vmem>>) dst(%dma_wait3A_78 : memref<10240x128xf32, #tpu.memory_space<vmem_shared>>)
            tpu.yield
          }) : () -> ()
          %add3A_51 = arith.constant 1 : i32
          %add3A_52 = arith.addi %add3A_37, %add3A_51 : i32
          %dma_wait3A_53 = arith.constant 0 : i32
          %dma_wait3A_54 = tpu.memref_slice %arg8[%add3A_52, %dma_wait3A_53] : memref<40x128xi32, #tpu.memory_space<vmem>> -> memref<1x128xi32, #tpu.memory_space<vmem>>
          %dma_wait3A_55 = tpu.memref_squeeze %dma_wait3A_54 : memref<1x128xi32, #tpu.memory_space<vmem>> -> memref<128xi32, #tpu.memory_space<vmem>>
          %dma_wait3A_56 = arith.constant 0 : i32
          %dma_wait3A_57 = arith.constant 0 : i32
          %dma_wait3A_58 = tpu.memref_slice %arg2[%dma_wait3A_56, %dma_wait3A_57] : memref<10240x128xf32, #tpu.memory_space<hbm>> -> memref<10240x128xf32, #tpu.memory_space<hbm>>
          tpu.wait_indirect_dma semaphore(%arg14 : memref<!tpu.dma_semaphore, #tpu.memory_space<semaphore_mem>>) src(%dma_wait3A_58 : memref<10240x128xf32, #tpu.memory_space<hbm>>) dst(%arg11 : memref<128x128xf32, #tpu.memory_space<vmem>>)
          %add3A_59 = arith.constant 2 : i32
          %add3A_60 = arith.addi %add3A_37, %add3A_59 : i32
          %lt3A = arith.constant 40 : i32
          %lt3A_61 = arith.cmpi slt, %add3A_60, %lt3A : i32
          %convert_element_type3A_62 = arith.extui %lt3A_61 : i1 to i32
          %cond3A_63 = arith.constant 0 : i32
          %cond3A_64 = arith.cmpi ne, %convert_element_type3A_62, %cond3A_63 : i32
          scf.if %cond3A_64 {
            %add3A_67 = arith.constant 2 : i32
            %add3A_68 = arith.addi %add3A_37, %add3A_67 : i32
            %dma_start3A_69 = arith.constant 0 : i32
            %dma_start3A_70 = tpu.memref_slice %arg8[%add3A_68, %dma_start3A_69] : memref<40x128xi32, #tpu.memory_space<vmem>> -> memref<1x128xi32, #tpu.memory_space<vmem>>
            %dma_start3A_71 = tpu.memref_squeeze %dma_start3A_70 : memref<1x128xi32, #tpu.memory_space<vmem>> -> memref<128xi32, #tpu.memory_space<vmem>>
            %dma_start3A_72 = arith.constant 0 : i32
            %dma_start3A_73 = arith.constant 0 : i32
            %dma_start3A_74 = tpu.memref_slice %arg2[%dma_start3A_72, %dma_start3A_73] : memref<10240x128xf32, #tpu.memory_space<hbm>> -> memref<10240x128xf32, #tpu.memory_space<hbm>>
            tpu.enqueue_indirect_dma source(%dma_start3A_74 : memref<10240x128xf32, #tpu.memory_space<hbm>>) target(%arg10 : memref<128x128xf32, #tpu.memory_space<vmem>>) offsets(%dma_start3A_71 : memref<128xi32, #tpu.memory_space<vmem>>) semaphore(%arg13 : memref<!tpu.dma_semaphore, #tpu.memory_space<semaphore_mem>>)
          } else {
          }
          %add3A_65 = arith.constant 1 : i32
          %add3A_66 = arith.addi %add3A_37, %add3A_65 : i32
          "tpu.region"() ({
            %run_scoped3A = tpu.sem_alloc : memref<!tpu.dma_semaphore, #tpu.memory_space<semaphore_mem>>
            %dma_start3A_67 = arith.constant 0 : i32
            %dma_start3A_68 = tpu.memref_slice %arg9[%add3A_66, %dma_start3A_67] : memref<40x128xi32, #tpu.memory_space<vmem>> -> memref<1x128xi32, #tpu.memory_space<vmem>>
            %dma_start3A_69 = tpu.memref_squeeze %dma_start3A_68 : memref<1x128xi32, #tpu.memory_space<vmem>> -> memref<128xi32, #tpu.memory_space<vmem>>
            %dma_start3A_70 = arith.constant 0 : i32
            %dma_start3A_71 = arith.constant 0 : i32
            %dma_start3A_72 = tpu.memref_slice %arg12[%dma_start3A_70, %dma_start3A_71] : memref<10240x128xf32, #tpu.memory_space<vmem_shared>> -> memref<10240x128xf32, #tpu.memory_space<vmem_shared>>
            tpu.enqueue_indirect_dma source(%arg11 : memref<128x128xf32, #tpu.memory_space<vmem>>) target(%dma_start3A_72 : memref<10240x128xf32, #tpu.memory_space<vmem_shared>>) offsets(%dma_start3A_69 : memref<128xi32, #tpu.memory_space<vmem>>) semaphore(%run_scoped3A : memref<!tpu.dma_semaphore, #tpu.memory_space<semaphore_mem>>) {add = true}
            %dma_wait3A_73 = arith.constant 0 : i32
            %dma_wait3A_74 = tpu.memref_slice %arg9[%add3A_66, %dma_wait3A_73] : memref<40x128xi32, #tpu.memory_space<vmem>> -> memref<1x128xi32, #tpu.memory_space<vmem>>
            %dma_wait3A_75 = tpu.memref_squeeze %dma_wait3A_74 : memref<1x128xi32, #tpu.memory_space<vmem>> -> memref<128xi32, #tpu.memory_space<vmem>>
            %dma_wait3A_76 = arith.constant 0 : i32
            %dma_wait3A_77 = arith.constant 0 : i32
            %dma_wait3A_78 = tpu.memref_slice %arg12[%dma_wait3A_76, %dma_wait3A_77] : memref<10240x128xf32, #tpu.memory_space<vmem_shared>> -> memref<10240x128xf32, #tpu.memory_space<vmem_shared>>
            tpu.wait_indirect_dma semaphore(%run_scoped3A : memref<!tpu.dma_semaphore, #tpu.memory_space<semaphore_mem>>) src(%arg11 : memref<128x128xf32, #tpu.memory_space<vmem>>) dst(%dma_wait3A_78 : memref<10240x128xf32, #tpu.memory_space<vmem_shared>>)
            tpu.yield
          }) : () -> ()
        }
        %scan3A_32 = arith.constant 20 : i32
      }
      %scan3A_11 = arith.constant 2 : i32
      %barrier3A_12 = arith.constant 0 : index
      tpu.barrier barrier_id(%barrier3A_12)
      "tpu.region"() ({
        %run_scoped3A = tpu.sem_alloc : memref<!tpu.dma_semaphore, #tpu.memory_space<semaphore_mem>>
        %dma_start3A = arith.constant 0 : i32
        %dma_start3A_13 = tpu.memref_slice %arg6[%mul3A_0, %dma_start3A] : memref<10240x128xf32, #tpu.memory_space<hbm>> -> memref<640x128xf32, #tpu.memory_space<hbm>>
        %dma_start3A_14 = arith.constant 0 : i32
        %dma_start3A_15 = tpu.memref_slice %arg12[%mul3A_0, %dma_start3A_14] : memref<10240x128xf32, #tpu.memory_space<vmem_shared>> -> memref<640x128xf32, #tpu.memory_space<vmem_shared>>
        tpu.enqueue_dma source(%dma_start3A_15 : memref<640x128xf32, #tpu.memory_space<vmem_shared>>) target(%dma_start3A_13 : memref<640x128xf32, #tpu.memory_space<hbm>>) target_semaphore(%run_scoped3A : memref<!tpu.dma_semaphore, #tpu.memory_space<semaphore_mem>>)
        %dma_wait3A = arith.constant 0 : i32
        %dma_wait3A_16 = tpu.memref_slice %arg6[%mul3A_0, %dma_wait3A] : memref<10240x128xf32, #tpu.memory_space<hbm>> -> memref<640x128xf32, #tpu.memory_space<hbm>>
        %dma_wait3A_17 = arith.constant 0 : i32
        %dma_wait3A_18 = tpu.memref_slice %arg12[%mul3A_0, %dma_wait3A_17] : memref<10240x128xf32, #tpu.memory_space<vmem_shared>> -> memref<640x128xf32, #tpu.memory_space<vmem_shared>>
        tpu.wait_dma2 semaphore(%run_scoped3A : memref<!tpu.dma_semaphore, #tpu.memory_space<semaphore_mem>>) src(%dma_wait3A_18 : memref<640x128xf32, #tpu.memory_space<vmem_shared>>) dst(%dma_wait3A_16 : memref<640x128xf32, #tpu.memory_space<hbm>>)
        tpu.yield
      }) : () -> ()
    } else {
    }
    %eq3A_3 = arith.constant 1 : i32
    %eq3A_4 = arith.cmpi eq, %arg0, %eq3A_3 : i32
    %convert_element_type3A_5 = arith.extui %eq3A_4 : i1 to i32
    %cond3A_6 = arith.constant 0 : i32
    %cond3A_7 = arith.cmpi ne, %convert_element_type3A_5, %cond3A_6 : i32
    scf.if %cond3A_7 {
      "tpu.region"() ({
        %run_scoped3A = tpu.sem_alloc : memref<!tpu.dma_semaphore, #tpu.memory_space<semaphore_mem>>
        %dma_start3A = arith.constant 0 : i32
        %dma_start3A_13 = tpu.memref_slice %arg12[%mul3A_0, %dma_start3A] : memref<10240x128xf32, #tpu.memory_space<vmem_shared>> -> memref<640x128xf32, #tpu.memory_space<vmem_shared>>
        %dma_start3A_14 = arith.constant 0 : i32
        %dma_start3A_15 = tpu.memref_slice %arg3[%mul3A_0, %dma_start3A_14] : memref<10240x128xf32, #tpu.memory_space<hbm>> -> memref<640x128xf32, #tpu.memory_space<hbm>>
        tpu.enqueue_dma source(%dma_start3A_15 : memref<640x128xf32, #tpu.memory_space<hbm>>) target(%dma_start3A_13 : memref<640x128xf32, #tpu.memory_space<vmem_shared>>) target_semaphore(%run_scoped3A : memref<!tpu.dma_semaphore, #tpu.memory_space<semaphore_mem>>)
        %dma_wait3A = arith.constant 0 : i32
        %dma_wait3A_16 = tpu.memref_slice %arg12[%mul3A_0, %dma_wait3A] : memref<10240x128xf32, #tpu.memory_space<vmem_shared>> -> memref<640x128xf32, #tpu.memory_space<vmem_shared>>
        %dma_wait3A_17 = arith.constant 0 : i32
        %dma_wait3A_18 = tpu.memref_slice %arg3[%mul3A_0, %dma_wait3A_17] : memref<10240x128xf32, #tpu.memory_space<hbm>> -> memref<640x128xf32, #tpu.memory_space<hbm>>
        tpu.wait_dma2 semaphore(%run_scoped3A : memref<!tpu.dma_semaphore, #tpu.memory_space<semaphore_mem>>) src(%dma_wait3A_18 : memref<640x128xf32, #tpu.memory_space<hbm>>) dst(%dma_wait3A_16 : memref<640x128xf32, #tpu.memory_space<vmem_shared>>)
        tpu.yield
      }) : () -> ()
      %barrier3A = arith.constant 0 : index
      tpu.barrier barrier_id(%barrier3A)
      %scan3A = arith.constant 0 : i32
      %scan3A_8 = arith.constant 2 : i32
      %scan3A_9 = arith.addi %scan3A, %scan3A_8 : i32
      %scan3A_10 = arith.constant 1 : i32
      scf.for %scan3A_13 = %scan3A to %scan3A_9 step %scan3A_10  : i32 {
        %mul3A_14 = arith.constant 1 : i32
        %mul3A_15 = arith.muli %scan3A_13, %mul3A_14 : i32
        %add3A = arith.constant 0 : i32
        %add3A_16 = arith.addi %add3A, %mul3A_15 : i32
        %mul3A_17 = arith.constant 80 : i32
        %mul3A_18 = arith.muli %arg1, %mul3A_17 : i32
        %mul3A_19 = arith.constant 40 : i32
        %mul3A_20 = arith.muli %add3A_16, %mul3A_19 : i32
        %add3A_21 = arith.addi %mul3A_18, %mul3A_20 : i32
        "tpu.region"() ({
          %run_scoped3A = tpu.sem_alloc : memref<!tpu.dma_semaphore, #tpu.memory_space<semaphore_mem>>
          %dma_start3A_33 = arith.constant 0 : i32
          %dma_start3A_34 = tpu.memref_slice %arg4[%add3A_21, %dma_start3A_33] : memref<1280x128xi32, #tpu.memory_space<hbm>> -> memref<40x128xi32, #tpu.memory_space<hbm>>
          %dma_start3A_35 = arith.constant 0 : i32
          %dma_start3A_36 = tpu.memref_slice %arg4[%add3A_21, %dma_start3A_35] : memref<1280x128xi32, #tpu.memory_space<hbm>> -> memref<40x128xi32, #tpu.memory_space<hbm>>
          tpu.enqueue_dma source(%dma_start3A_36 : memref<40x128xi32, #tpu.memory_space<hbm>>) target(%arg8 : memref<40x128xi32, #tpu.memory_space<vmem>>) target_semaphore(%run_scoped3A : memref<!tpu.dma_semaphore, #tpu.memory_space<semaphore_mem>>)
          %dma_wait3A = arith.constant 0 : i32
          %dma_wait3A_37 = tpu.memref_slice %arg4[%add3A_21, %dma_wait3A] : memref<1280x128xi32, #tpu.memory_space<hbm>> -> memref<40x128xi32, #tpu.memory_space<hbm>>
          %dma_wait3A_38 = arith.constant 0 : i32
          %dma_wait3A_39 = tpu.memref_slice %arg4[%add3A_21, %dma_wait3A_38] : memref<1280x128xi32, #tpu.memory_space<hbm>> -> memref<40x128xi32, #tpu.memory_space<hbm>>
          tpu.wait_dma2 semaphore(%run_scoped3A : memref<!tpu.dma_semaphore, #tpu.memory_space<semaphore_mem>>) src(%dma_wait3A_39 : memref<40x128xi32, #tpu.memory_space<hbm>>) dst(%arg8 : memref<40x128xi32, #tpu.memory_space<vmem>>)
          tpu.yield
        }) : () -> ()
        "tpu.region"() ({
          %run_scoped3A = tpu.sem_alloc : memref<!tpu.dma_semaphore, #tpu.memory_space<semaphore_mem>>
          %dma_start3A_33 = arith.constant 0 : i32
          %dma_start3A_34 = tpu.memref_slice %arg5[%add3A_21, %dma_start3A_33] : memref<1280x128xi32, #tpu.memory_space<hbm>> -> memref<40x128xi32, #tpu.memory_space<hbm>>
          %dma_start3A_35 = arith.constant 0 : i32
          %dma_start3A_36 = tpu.memref_slice %arg5[%add3A_21, %dma_start3A_35] : memref<1280x128xi32, #tpu.memory_space<hbm>> -> memref<40x128xi32, #tpu.memory_space<hbm>>
          tpu.enqueue_dma source(%dma_start3A_36 : memref<40x128xi32, #tpu.memory_space<hbm>>) target(%arg9 : memref<40x128xi32, #tpu.memory_space<vmem>>) target_semaphore(%run_scoped3A : memref<!tpu.dma_semaphore, #tpu.memory_space<semaphore_mem>>)
          %dma_wait3A = arith.constant 0 : i32
          %dma_wait3A_37 = tpu.memref_slice %arg5[%add3A_21, %dma_wait3A] : memref<1280x128xi32, #tpu.memory_space<hbm>> -> memref<40x128xi32, #tpu.memory_space<hbm>>
          %dma_wait3A_38 = arith.constant 0 : i32
          %dma_wait3A_39 = tpu.memref_slice %arg5[%add3A_21, %dma_wait3A_38] : memref<1280x128xi32, #tpu.memory_space<hbm>> -> memref<40x128xi32, #tpu.memory_space<hbm>>
          tpu.wait_dma2 semaphore(%run_scoped3A : memref<!tpu.dma_semaphore, #tpu.memory_space<semaphore_mem>>) src(%dma_wait3A_39 : memref<40x128xi32, #tpu.memory_space<hbm>>) dst(%arg9 : memref<40x128xi32, #tpu.memory_space<vmem>>)
          tpu.yield
        }) : () -> ()
        %dma_start3A = arith.constant 0 : i32
        %dma_start3A_22 = arith.constant 0 : i32
        %dma_start3A_23 = tpu.memref_slice %arg8[%dma_start3A, %dma_start3A_22] : memref<40x128xi32, #tpu.memory_space<vmem>> -> memref<1x128xi32, #tpu.memory_space<vmem>>
        %dma_start3A_24 = tpu.memref_squeeze %dma_start3A_23 : memref<1x128xi32, #tpu.memory_space<vmem>> -> memref<128xi32, #tpu.memory_space<vmem>>
        %dma_start3A_25 = arith.constant 0 : i32
        %dma_start3A_26 = arith.constant 0 : i32
        %dma_start3A_27 = tpu.memref_slice %arg3[%dma_start3A_25, %dma_start3A_26] : memref<10240x128xf32, #tpu.memory_space<hbm>> -> memref<10240x128xf32, #tpu.memory_space<hbm>>
        tpu.enqueue_indirect_dma source(%dma_start3A_27 : memref<10240x128xf32, #tpu.memory_space<hbm>>) target(%arg10 : memref<128x128xf32, #tpu.memory_space<vmem>>) offsets(%dma_start3A_24 : memref<128xi32, #tpu.memory_space<vmem>>) semaphore(%arg13 : memref<!tpu.dma_semaphore, #tpu.memory_space<semaphore_mem>>)
        %scan3A_28 = arith.constant 0 : i32
        %scan3A_29 = arith.constant 20 : i32
        %scan3A_30 = arith.addi %scan3A_28, %scan3A_29 : i32
        %scan3A_31 = arith.constant 1 : i32
        scf.for %scan3A_33 = %scan3A_28 to %scan3A_30 step %scan3A_31  : i32 {
          %mul3A_34 = arith.constant 2 : i32
          %mul3A_35 = arith.muli %scan3A_33, %mul3A_34 : i32
          %add3A_36 = arith.constant 0 : i32
          %add3A_37 = arith.addi %add3A_36, %mul3A_35 : i32
          %dma_wait3A = arith.constant 0 : i32
          %dma_wait3A_38 = tpu.memref_slice %arg8[%add3A_37, %dma_wait3A] : memref<40x128xi32, #tpu.memory_space<vmem>> -> memref<1x128xi32, #tpu.memory_space<vmem>>
          %dma_wait3A_39 = tpu.memref_squeeze %dma_wait3A_38 : memref<1x128xi32, #tpu.memory_space<vmem>> -> memref<128xi32, #tpu.memory_space<vmem>>
          %dma_wait3A_40 = arith.constant 0 : i32
          %dma_wait3A_41 = arith.constant 0 : i32
          %dma_wait3A_42 = tpu.memref_slice %arg3[%dma_wait3A_40, %dma_wait3A_41] : memref<10240x128xf32, #tpu.memory_space<hbm>> -> memref<10240x128xf32, #tpu.memory_space<hbm>>
          tpu.wait_indirect_dma semaphore(%arg13 : memref<!tpu.dma_semaphore, #tpu.memory_space<semaphore_mem>>) src(%dma_wait3A_42 : memref<10240x128xf32, #tpu.memory_space<hbm>>) dst(%arg10 : memref<128x128xf32, #tpu.memory_space<vmem>>)
          %add3A_43 = arith.constant 1 : i32
          %add3A_44 = arith.addi %add3A_37, %add3A_43 : i32
          %dma_start3A_45 = arith.constant 0 : i32
          %dma_start3A_46 = tpu.memref_slice %arg8[%add3A_44, %dma_start3A_45] : memref<40x128xi32, #tpu.memory_space<vmem>> -> memref<1x128xi32, #tpu.memory_space<vmem>>
          %dma_start3A_47 = tpu.memref_squeeze %dma_start3A_46 : memref<1x128xi32, #tpu.memory_space<vmem>> -> memref<128xi32, #tpu.memory_space<vmem>>
          %dma_start3A_48 = arith.constant 0 : i32
          %dma_start3A_49 = arith.constant 0 : i32
          %dma_start3A_50 = tpu.memref_slice %arg3[%dma_start3A_48, %dma_start3A_49] : memref<10240x128xf32, #tpu.memory_space<hbm>> -> memref<10240x128xf32, #tpu.memory_space<hbm>>
          tpu.enqueue_indirect_dma source(%dma_start3A_50 : memref<10240x128xf32, #tpu.memory_space<hbm>>) target(%arg11 : memref<128x128xf32, #tpu.memory_space<vmem>>) offsets(%dma_start3A_47 : memref<128xi32, #tpu.memory_space<vmem>>) semaphore(%arg14 : memref<!tpu.dma_semaphore, #tpu.memory_space<semaphore_mem>>)
          "tpu.region"() ({
            %run_scoped3A = tpu.sem_alloc : memref<!tpu.dma_semaphore, #tpu.memory_space<semaphore_mem>>
            %dma_start3A_67 = arith.constant 0 : i32
            %dma_start3A_68 = tpu.memref_slice %arg9[%add3A_37, %dma_start3A_67] : memref<40x128xi32, #tpu.memory_space<vmem>> -> memref<1x128xi32, #tpu.memory_space<vmem>>
            %dma_start3A_69 = tpu.memref_squeeze %dma_start3A_68 : memref<1x128xi32, #tpu.memory_space<vmem>> -> memref<128xi32, #tpu.memory_space<vmem>>
            %dma_start3A_70 = arith.constant 0 : i32
            %dma_start3A_71 = arith.constant 0 : i32
            %dma_start3A_72 = tpu.memref_slice %arg12[%dma_start3A_70, %dma_start3A_71] : memref<10240x128xf32, #tpu.memory_space<vmem_shared>> -> memref<10240x128xf32, #tpu.memory_space<vmem_shared>>
            tpu.enqueue_indirect_dma source(%arg10 : memref<128x128xf32, #tpu.memory_space<vmem>>) target(%dma_start3A_72 : memref<10240x128xf32, #tpu.memory_space<vmem_shared>>) offsets(%dma_start3A_69 : memref<128xi32, #tpu.memory_space<vmem>>) semaphore(%run_scoped3A : memref<!tpu.dma_semaphore, #tpu.memory_space<semaphore_mem>>) {add = true}
            %dma_wait3A_73 = arith.constant 0 : i32
            %dma_wait3A_74 = tpu.memref_slice %arg9[%add3A_37, %dma_wait3A_73] : memref<40x128xi32, #tpu.memory_space<vmem>> -> memref<1x128xi32, #tpu.memory_space<vmem>>
            %dma_wait3A_75 = tpu.memref_squeeze %dma_wait3A_74 : memref<1x128xi32, #tpu.memory_space<vmem>> -> memref<128xi32, #tpu.memory_space<vmem>>
            %dma_wait3A_76 = arith.constant 0 : i32
            %dma_wait3A_77 = arith.constant 0 : i32
            %dma_wait3A_78 = tpu.memref_slice %arg12[%dma_wait3A_76, %dma_wait3A_77] : memref<10240x128xf32, #tpu.memory_space<vmem_shared>> -> memref<10240x128xf32, #tpu.memory_space<vmem_shared>>
            tpu.wait_indirect_dma semaphore(%run_scoped3A : memref<!tpu.dma_semaphore, #tpu.memory_space<semaphore_mem>>) src(%arg10 : memref<128x128xf32, #tpu.memory_space<vmem>>) dst(%dma_wait3A_78 : memref<10240x128xf32, #tpu.memory_space<vmem_shared>>)
            tpu.yield
          }) : () -> ()
          %add3A_51 = arith.constant 1 : i32
          %add3A_52 = arith.addi %add3A_37, %add3A_51 : i32
          %dma_wait3A_53 = arith.constant 0 : i32
          %dma_wait3A_54 = tpu.memref_slice %arg8[%add3A_52, %dma_wait3A_53] : memref<40x128xi32, #tpu.memory_space<vmem>> -> memref<1x128xi32, #tpu.memory_space<vmem>>
          %dma_wait3A_55 = tpu.memref_squeeze %dma_wait3A_54 : memref<1x128xi32, #tpu.memory_space<vmem>> -> memref<128xi32, #tpu.memory_space<vmem>>
          %dma_wait3A_56 = arith.constant 0 : i32
          %dma_wait3A_57 = arith.constant 0 : i32
          %dma_wait3A_58 = tpu.memref_slice %arg3[%dma_wait3A_56, %dma_wait3A_57] : memref<10240x128xf32, #tpu.memory_space<hbm>> -> memref<10240x128xf32, #tpu.memory_space<hbm>>
          tpu.wait_indirect_dma semaphore(%arg14 : memref<!tpu.dma_semaphore, #tpu.memory_space<semaphore_mem>>) src(%dma_wait3A_58 : memref<10240x128xf32, #tpu.memory_space<hbm>>) dst(%arg11 : memref<128x128xf32, #tpu.memory_space<vmem>>)
          %add3A_59 = arith.constant 2 : i32
          %add3A_60 = arith.addi %add3A_37, %add3A_59 : i32
          %lt3A = arith.constant 40 : i32
          %lt3A_61 = arith.cmpi slt, %add3A_60, %lt3A : i32
          %convert_element_type3A_62 = arith.extui %lt3A_61 : i1 to i32
          %cond3A_63 = arith.constant 0 : i32
          %cond3A_64 = arith.cmpi ne, %convert_element_type3A_62, %cond3A_63 : i32
          scf.if %cond3A_64 {
            %add3A_67 = arith.constant 2 : i32
            %add3A_68 = arith.addi %add3A_37, %add3A_67 : i32
            %dma_start3A_69 = arith.constant 0 : i32
            %dma_start3A_70 = tpu.memref_slice %arg8[%add3A_68, %dma_start3A_69] : memref<40x128xi32, #tpu.memory_space<vmem>> -> memref<1x128xi32, #tpu.memory_space<vmem>>
            %dma_start3A_71 = tpu.memref_squeeze %dma_start3A_70 : memref<1x128xi32, #tpu.memory_space<vmem>> -> memref<128xi32, #tpu.memory_space<vmem>>
            %dma_start3A_72 = arith.constant 0 : i32
            %dma_start3A_73 = arith.constant 0 : i32
            %dma_start3A_74 = tpu.memref_slice %arg3[%dma_start3A_72, %dma_start3A_73] : memref<10240x128xf32, #tpu.memory_space<hbm>> -> memref<10240x128xf32, #tpu.memory_space<hbm>>
            tpu.enqueue_indirect_dma source(%dma_start3A_74 : memref<10240x128xf32, #tpu.memory_space<hbm>>) target(%arg10 : memref<128x128xf32, #tpu.memory_space<vmem>>) offsets(%dma_start3A_71 : memref<128xi32, #tpu.memory_space<vmem>>) semaphore(%arg13 : memref<!tpu.dma_semaphore, #tpu.memory_space<semaphore_mem>>)
          } else {
          }
          %add3A_65 = arith.constant 1 : i32
          %add3A_66 = arith.addi %add3A_37, %add3A_65 : i32
          "tpu.region"() ({
            %run_scoped3A = tpu.sem_alloc : memref<!tpu.dma_semaphore, #tpu.memory_space<semaphore_mem>>
            %dma_start3A_67 = arith.constant 0 : i32
            %dma_start3A_68 = tpu.memref_slice %arg9[%add3A_66, %dma_start3A_67] : memref<40x128xi32, #tpu.memory_space<vmem>> -> memref<1x128xi32, #tpu.memory_space<vmem>>
            %dma_start3A_69 = tpu.memref_squeeze %dma_start3A_68 : memref<1x128xi32, #tpu.memory_space<vmem>> -> memref<128xi32, #tpu.memory_space<vmem>>
            %dma_start3A_70 = arith.constant 0 : i32
            %dma_start3A_71 = arith.constant 0 : i32
            %dma_start3A_72 = tpu.memref_slice %arg12[%dma_start3A_70, %dma_start3A_71] : memref<10240x128xf32, #tpu.memory_space<vmem_shared>> -> memref<10240x128xf32, #tpu.memory_space<vmem_shared>>
            tpu.enqueue_indirect_dma source(%arg11 : memref<128x128xf32, #tpu.memory_space<vmem>>) target(%dma_start3A_72 : memref<10240x128xf32, #tpu.memory_space<vmem_shared>>) offsets(%dma_start3A_69 : memref<128xi32, #tpu.memory_space<vmem>>) semaphore(%run_scoped3A : memref<!tpu.dma_semaphore, #tpu.memory_space<semaphore_mem>>) {add = true}
            %dma_wait3A_73 = arith.constant 0 : i32
            %dma_wait3A_74 = tpu.memref_slice %arg9[%add3A_66, %dma_wait3A_73] : memref<40x128xi32, #tpu.memory_space<vmem>> -> memref<1x128xi32, #tpu.memory_space<vmem>>
            %dma_wait3A_75 = tpu.memref_squeeze %dma_wait3A_74 : memref<1x128xi32, #tpu.memory_space<vmem>> -> memref<128xi32, #tpu.memory_space<vmem>>
            %dma_wait3A_76 = arith.constant 0 : i32
            %dma_wait3A_77 = arith.constant 0 : i32
            %dma_wait3A_78 = tpu.memref_slice %arg12[%dma_wait3A_76, %dma_wait3A_77] : memref<10240x128xf32, #tpu.memory_space<vmem_shared>> -> memref<10240x128xf32, #tpu.memory_space<vmem_shared>>
            tpu.wait_indirect_dma semaphore(%run_scoped3A : memref<!tpu.dma_semaphore, #tpu.memory_space<semaphore_mem>>) src(%arg11 : memref<128x128xf32, #tpu.memory_space<vmem>>) dst(%dma_wait3A_78 : memref<10240x128xf32, #tpu.memory_space<vmem_shared>>)
            tpu.yield
          }) : () -> ()
        }
        %scan3A_32 = arith.constant 20 : i32
      }
      %scan3A_11 = arith.constant 2 : i32
      %barrier3A_12 = arith.constant 0 : index
      tpu.barrier barrier_id(%barrier3A_12)
      "tpu.region"() ({
        %run_scoped3A = tpu.sem_alloc : memref<!tpu.dma_semaphore, #tpu.memory_space<semaphore_mem>>
        %dma_start3A = arith.constant 0 : i32
        %dma_start3A_13 = tpu.memref_slice %arg7[%mul3A_0, %dma_start3A] : memref<10240x128xf32, #tpu.memory_space<hbm>> -> memref<640x128xf32, #tpu.memory_space<hbm>>
        %dma_start3A_14 = arith.constant 0 : i32
        %dma_start3A_15 = tpu.memref_slice %arg12[%mul3A_0, %dma_start3A_14] : memref<10240x128xf32, #tpu.memory_space<vmem_shared>> -> memref<640x128xf32, #tpu.memory_space<vmem_shared>>
        tpu.enqueue_dma source(%dma_start3A_15 : memref<640x128xf32, #tpu.memory_space<vmem_shared>>) target(%dma_start3A_13 : memref<640x128xf32, #tpu.memory_space<hbm>>) target_semaphore(%run_scoped3A : memref<!tpu.dma_semaphore, #tpu.memory_space<semaphore_mem>>)
        %dma_wait3A = arith.constant 0 : i32
        %dma_wait3A_16 = tpu.memref_slice %arg7[%mul3A_0, %dma_wait3A] : memref<10240x128xf32, #tpu.memory_space<hbm>> -> memref<640x128xf32, #tpu.memory_space<hbm>>
        %dma_wait3A_17 = arith.constant 0 : i32
        %dma_wait3A_18 = tpu.memref_slice %arg12[%mul3A_0, %dma_wait3A_17] : memref<10240x128xf32, #tpu.memory_space<vmem_shared>> -> memref<640x128xf32, #tpu.memory_space<vmem_shared>>
        tpu.wait_dma2 semaphore(%run_scoped3A : memref<!tpu.dma_semaphore, #tpu.memory_space<semaphore_mem>>) src(%dma_wait3A_18 : memref<640x128xf32, #tpu.memory_space<vmem_shared>>) dst(%dma_wait3A_16 : memref<640x128xf32, #tpu.memory_space<hbm>>)
        tpu.yield
      }) : () -> ()
    } else {
    }
    return
  }
}

#map = affine_map<(d0, d1) -> (0, 0)>
module attributes {stable_mosaic.version = 14 : i64} {
  func.func @k(%arg0: i32, %arg1: i32, %arg2: memref<10240x128xf32, #tpu.memory_space<hbm>>, %arg3: memref<10240x128xf32, #tpu.memory_space<hbm>>, %arg4: memref<1280x128xi32, #tpu.memory_space<hbm>>, %arg5: memref<1280x128xi32, #tpu.memory_space<hbm>>, %arg6: memref<10240x128xf32, #tpu.memory_space<hbm>>, %arg7: memref<10240x128xf32, #tpu.memory_space<hbm>>, %arg8: memref<40x128xi32, #tpu.memory_space<vmem>>, %arg9: memref<40x128xi32, #tpu.memory_space<vmem>>, %arg10: memref<128x128xf32, #tpu.memory_space<vmem>>, %arg11: memref<128x128xf32, #tpu.memory_space<vmem>>, %arg12: memref<10240x128xf32, #tpu.memory_space<vmem_shared>>, %arg13: memref<!tpu.dma_semaphore, #tpu.memory_space<semaphore_mem>>, %arg14: memref<!tpu.dma_semaphore, #tpu.memory_space<semaphore_mem>>) attributes {dimension_semantics = [#tpu.dimension_semantics<core_parallel>, #tpu.dimension_semantics<subcore_parallel>], iteration_bounds = array<i64: 2, 16>, scalar_prefetch = 0 : i64, scratch_operands = 7 : i64, tpu.core_type = #tpu.core_type<sc_vector_subcore>, window_params = [{transform_indices = #map}, {transform_indices = #map}, {transform_indices = #map}, {transform_indices = #map}, {transform_indices = #map}, {transform_indices = #map}]} {
    %mul3A = arith.constant 640 : i32
    %mul3A_0 = arith.muli %arg1, %mul3A : i32
    %eq3A = arith.constant 0 : i32
    %eq3A_1 = arith.cmpi eq, %arg0, %eq3A : i32
    %convert_element_type3A = arith.extui %eq3A_1 : i1 to i32
    %cond3A = arith.constant 0 : i32
    %cond3A_2 = arith.cmpi ne, %convert_element_type3A, %cond3A : i32
    scf.if %cond3A_2 {
      "tpu.region"() ({
        %run_scoped3A = tpu.sem_alloc : memref<!tpu.dma_semaphore, #tpu.memory_space<semaphore_mem>>
        %dma_start3A = arith.constant 0 : i32
        %dma_start3A_13 = tpu.memref_slice %arg12[%mul3A_0, %dma_start3A] : memref<10240x128xf32, #tpu.memory_space<vmem_shared>> -> memref<640x128xf32, #tpu.memory_space<vmem_shared>>
        %dma_start3A_14 = arith.constant 0 : i32
        %dma_start3A_15 = tpu.memref_slice %arg2[%mul3A_0, %dma_start3A_14] : memref<10240x128xf32, #tpu.memory_space<hbm>> -> memref<640x128xf32, #tpu.memory_space<hbm>>
        tpu.enqueue_dma source(%dma_start3A_15 : memref<640x128xf32, #tpu.memory_space<hbm>>) target(%dma_start3A_13 : memref<640x128xf32, #tpu.memory_space<vmem_shared>>) target_semaphore(%run_scoped3A : memref<!tpu.dma_semaphore, #tpu.memory_space<semaphore_mem>>)
        %dma_wait3A = arith.constant 0 : i32
        %dma_wait3A_16 = tpu.memref_slice %arg12[%mul3A_0, %dma_wait3A] : memref<10240x128xf32, #tpu.memory_space<vmem_shared>> -> memref<640x128xf32, #tpu.memory_space<vmem_shared>>
        %dma_wait3A_17 = arith.constant 0 : i32
        %dma_wait3A_18 = tpu.memref_slice %arg2[%mul3A_0, %dma_wait3A_17] : memref<10240x128xf32, #tpu.memory_space<hbm>> -> memref<640x128xf32, #tpu.memory_space<hbm>>
        tpu.wait_dma2 semaphore(%run_scoped3A : memref<!tpu.dma_semaphore, #tpu.memory_space<semaphore_mem>>) src(%dma_wait3A_18 : memref<640x128xf32, #tpu.memory_space<hbm>>) dst(%dma_wait3A_16 : memref<640x128xf32, #tpu.memory_space<vmem_shared>>)
        tpu.yield
      }) : () -> ()
      %barrier3A = arith.constant 0 : index
      tpu.barrier barrier_id(%barrier3A)
      %scan3A = arith.constant 0 : i32
      %scan3A_8 = arith.constant 2 : i32
      %scan3A_9 = arith.addi %scan3A, %scan3A_8 : i32
      %scan3A_10 = arith.constant 1 : i32
      scf.for %scan3A_13 = %scan3A to %scan3A_9 step %scan3A_10  : i32 {
        %mul3A_14 = arith.constant 1 : i32
        %mul3A_15 = arith.muli %scan3A_13, %mul3A_14 : i32
        %add3A = arith.constant 0 : i32
        %add3A_16 = arith.addi %add3A, %mul3A_15 : i32
        %mul3A_17 = arith.constant 80 : i32
        %mul3A_18 = arith.muli %arg1, %mul3A_17 : i32
        %mul3A_19 = arith.constant 40 : i32
        %mul3A_20 = arith.muli %add3A_16, %mul3A_19 : i32
        %add3A_21 = arith.addi %mul3A_18, %mul3A_20 : i32
        "tpu.region"() ({
          %run_scoped3A = tpu.sem_alloc : memref<!tpu.dma_semaphore, #tpu.memory_space<semaphore_mem>>
          %dma_start3A_33 = arith.constant 0 : i32
          %dma_start3A_34 = tpu.memref_slice %arg4[%add3A_21, %dma_start3A_33] : memref<1280x128xi32, #tpu.memory_space<hbm>> -> memref<40x128xi32, #tpu.memory_space<hbm>>
          %dma_start3A_35 = arith.constant 0 : i32
          %dma_start3A_36 = tpu.memref_slice %arg4[%add3A_21, %dma_start3A_35] : memref<1280x128xi32, #tpu.memory_space<hbm>> -> memref<40x128xi32, #tpu.memory_space<hbm>>
          tpu.enqueue_dma source(%dma_start3A_36 : memref<40x128xi32, #tpu.memory_space<hbm>>) target(%arg8 : memref<40x128xi32, #tpu.memory_space<vmem>>) target_semaphore(%run_scoped3A : memref<!tpu.dma_semaphore, #tpu.memory_space<semaphore_mem>>)
          %dma_wait3A = arith.constant 0 : i32
          %dma_wait3A_37 = tpu.memref_slice %arg4[%add3A_21, %dma_wait3A] : memref<1280x128xi32, #tpu.memory_space<hbm>> -> memref<40x128xi32, #tpu.memory_space<hbm>>
          %dma_wait3A_38 = arith.constant 0 : i32
          %dma_wait3A_39 = tpu.memref_slice %arg4[%add3A_21, %dma_wait3A_38] : memref<1280x128xi32, #tpu.memory_space<hbm>> -> memref<40x128xi32, #tpu.memory_space<hbm>>
          tpu.wait_dma2 semaphore(%run_scoped3A : memref<!tpu.dma_semaphore, #tpu.memory_space<semaphore_mem>>) src(%dma_wait3A_39 : memref<40x128xi32, #tpu.memory_space<hbm>>) dst(%arg8 : memref<40x128xi32, #tpu.memory_space<vmem>>)
          tpu.yield
        }) : () -> ()
        "tpu.region"() ({
          %run_scoped3A = tpu.sem_alloc : memref<!tpu.dma_semaphore, #tpu.memory_space<semaphore_mem>>
          %dma_start3A_33 = arith.constant 0 : i32
          %dma_start3A_34 = tpu.memref_slice %arg5[%add3A_21, %dma_start3A_33] : memref<1280x128xi32, #tpu.memory_space<hbm>> -> memref<40x128xi32, #tpu.memory_space<hbm>>
          %dma_start3A_35 = arith.constant 0 : i32
          %dma_start3A_36 = tpu.memref_slice %arg5[%add3A_21, %dma_start3A_35] : memref<1280x128xi32, #tpu.memory_space<hbm>> -> memref<40x128xi32, #tpu.memory_space<hbm>>
          tpu.enqueue_dma source(%dma_start3A_36 : memref<40x128xi32, #tpu.memory_space<hbm>>) target(%arg9 : memref<40x128xi32, #tpu.memory_space<vmem>>) target_semaphore(%run_scoped3A : memref<!tpu.dma_semaphore, #tpu.memory_space<semaphore_mem>>)
          %dma_wait3A = arith.constant 0 : i32
          %dma_wait3A_37 = tpu.memref_slice %arg5[%add3A_21, %dma_wait3A] : memref<1280x128xi32, #tpu.memory_space<hbm>> -> memref<40x128xi32, #tpu.memory_space<hbm>>
          %dma_wait3A_38 = arith.constant 0 : i32
          %dma_wait3A_39 = tpu.memref_slice %arg5[%add3A_21, %dma_wait3A_38] : memref<1280x128xi32, #tpu.memory_space<hbm>> -> memref<40x128xi32, #tpu.memory_space<hbm>>
          tpu.wait_dma2 semaphore(%run_scoped3A : memref<!tpu.dma_semaphore, #tpu.memory_space<semaphore_mem>>) src(%dma_wait3A_39 : memref<40x128xi32, #tpu.memory_space<hbm>>) dst(%arg9 : memref<40x128xi32, #tpu.memory_space<vmem>>)
          tpu.yield
        }) : () -> ()
        %dma_start3A = arith.constant 0 : i32
        %dma_start3A_22 = arith.constant 0 : i32
        %dma_start3A_23 = tpu.memref_slice %arg8[%dma_start3A, %dma_start3A_22] : memref<40x128xi32, #tpu.memory_space<vmem>> -> memref<1x128xi32, #tpu.memory_space<vmem>>
        %dma_start3A_24 = tpu.memref_squeeze %dma_start3A_23 : memref<1x128xi32, #tpu.memory_space<vmem>> -> memref<128xi32, #tpu.memory_space<vmem>>
        %dma_start3A_25 = arith.constant 0 : i32
        %dma_start3A_26 = arith.constant 0 : i32
        %dma_start3A_27 = tpu.memref_slice %arg2[%dma_start3A_25, %dma_start3A_26] : memref<10240x128xf32, #tpu.memory_space<hbm>> -> memref<10240x128xf32, #tpu.memory_space<hbm>>
        tpu.enqueue_indirect_dma source(%dma_start3A_27 : memref<10240x128xf32, #tpu.memory_space<hbm>>) target(%arg10 : memref<128x128xf32, #tpu.memory_space<vmem>>) offsets(%dma_start3A_24 : memref<128xi32, #tpu.memory_space<vmem>>) semaphore(%arg13 : memref<!tpu.dma_semaphore, #tpu.memory_space<semaphore_mem>>)
        %scan3A_28 = arith.constant 0 : i32
        %scan3A_29 = arith.constant 20 : i32
        %scan3A_30 = arith.addi %scan3A_28, %scan3A_29 : i32
        %scan3A_31 = arith.constant 1 : i32
        scf.for %scan3A_33 = %scan3A_28 to %scan3A_30 step %scan3A_31  : i32 {
          %mul3A_34 = arith.constant 2 : i32
          %mul3A_35 = arith.muli %scan3A_33, %mul3A_34 : i32
          %add3A_36 = arith.constant 0 : i32
          %add3A_37 = arith.addi %add3A_36, %mul3A_35 : i32
          %dma_wait3A = arith.constant 0 : i32
          %dma_wait3A_38 = tpu.memref_slice %arg8[%add3A_37, %dma_wait3A] : memref<40x128xi32, #tpu.memory_space<vmem>> -> memref<1x128xi32, #tpu.memory_space<vmem>>
          %dma_wait3A_39 = tpu.memref_squeeze %dma_wait3A_38 : memref<1x128xi32, #tpu.memory_space<vmem>> -> memref<128xi32, #tpu.memory_space<vmem>>
          %dma_wait3A_40 = arith.constant 0 : i32
          %dma_wait3A_41 = arith.constant 0 : i32
          %dma_wait3A_42 = tpu.memref_slice %arg2[%dma_wait3A_40, %dma_wait3A_41] : memref<10240x128xf32, #tpu.memory_space<hbm>> -> memref<10240x128xf32, #tpu.memory_space<hbm>>
          tpu.wait_indirect_dma semaphore(%arg13 : memref<!tpu.dma_semaphore, #tpu.memory_space<semaphore_mem>>) src(%dma_wait3A_42 : memref<10240x128xf32, #tpu.memory_space<hbm>>) dst(%arg10 : memref<128x128xf32, #tpu.memory_space<vmem>>)
          %add3A_43 = arith.constant 1 : i32
          %add3A_44 = arith.addi %add3A_37, %add3A_43 : i32
          %dma_start3A_45 = arith.constant 0 : i32
          %dma_start3A_46 = tpu.memref_slice %arg8[%add3A_44, %dma_start3A_45] : memref<40x128xi32, #tpu.memory_space<vmem>> -> memref<1x128xi32, #tpu.memory_space<vmem>>
          %dma_start3A_47 = tpu.memref_squeeze %dma_start3A_46 : memref<1x128xi32, #tpu.memory_space<vmem>> -> memref<128xi32, #tpu.memory_space<vmem>>
          %dma_start3A_48 = arith.constant 0 : i32
          %dma_start3A_49 = arith.constant 0 : i32
          %dma_start3A_50 = tpu.memref_slice %arg2[%dma_start3A_48, %dma_start3A_49] : memref<10240x128xf32, #tpu.memory_space<hbm>> -> memref<10240x128xf32, #tpu.memory_space<hbm>>
          tpu.enqueue_indirect_dma source(%dma_start3A_50 : memref<10240x128xf32, #tpu.memory_space<hbm>>) target(%arg11 : memref<128x128xf32, #tpu.memory_space<vmem>>) offsets(%dma_start3A_47 : memref<128xi32, #tpu.memory_space<vmem>>) semaphore(%arg14 : memref<!tpu.dma_semaphore, #tpu.memory_space<semaphore_mem>>)
          "tpu.region"() ({
            %run_scoped3A = tpu.sem_alloc : memref<!tpu.dma_semaphore, #tpu.memory_space<semaphore_mem>>
            %dma_start3A_67 = arith.constant 0 : i32
            %dma_start3A_68 = tpu.memref_slice %arg9[%add3A_37, %dma_start3A_67] : memref<40x128xi32, #tpu.memory_space<vmem>> -> memref<1x128xi32, #tpu.memory_space<vmem>>
            %dma_start3A_69 = tpu.memref_squeeze %dma_start3A_68 : memref<1x128xi32, #tpu.memory_space<vmem>> -> memref<128xi32, #tpu.memory_space<vmem>>
            %dma_start3A_70 = arith.constant 0 : i32
            %dma_start3A_71 = arith.constant 0 : i32
            %dma_start3A_72 = tpu.memref_slice %arg12[%dma_start3A_70, %dma_start3A_71] : memref<10240x128xf32, #tpu.memory_space<vmem_shared>> -> memref<10240x128xf32, #tpu.memory_space<vmem_shared>>
            tpu.enqueue_indirect_dma source(%arg10 : memref<128x128xf32, #tpu.memory_space<vmem>>) target(%dma_start3A_72 : memref<10240x128xf32, #tpu.memory_space<vmem_shared>>) offsets(%dma_start3A_69 : memref<128xi32, #tpu.memory_space<vmem>>) semaphore(%run_scoped3A : memref<!tpu.dma_semaphore, #tpu.memory_space<semaphore_mem>>) {add = true}
            %dma_wait3A_73 = arith.constant 0 : i32
            %dma_wait3A_74 = tpu.memref_slice %arg9[%add3A_37, %dma_wait3A_73] : memref<40x128xi32, #tpu.memory_space<vmem>> -> memref<1x128xi32, #tpu.memory_space<vmem>>
            %dma_wait3A_75 = tpu.memref_squeeze %dma_wait3A_74 : memref<1x128xi32, #tpu.memory_space<vmem>> -> memref<128xi32, #tpu.memory_space<vmem>>
            %dma_wait3A_76 = arith.constant 0 : i32
            %dma_wait3A_77 = arith.constant 0 : i32
            %dma_wait3A_78 = tpu.memref_slice %arg12[%dma_wait3A_76, %dma_wait3A_77] : memref<10240x128xf32, #tpu.memory_space<vmem_shared>> -> memref<10240x128xf32, #tpu.memory_space<vmem_shared>>
            tpu.wait_indirect_dma semaphore(%run_scoped3A : memref<!tpu.dma_semaphore, #tpu.memory_space<semaphore_mem>>) src(%arg10 : memref<128x128xf32, #tpu.memory_space<vmem>>) dst(%dma_wait3A_78 : memref<10240x128xf32, #tpu.memory_space<vmem_shared>>)
            tpu.yield
          }) : () -> ()
          %add3A_51 = arith.constant 1 : i32
          %add3A_52 = arith.addi %add3A_37, %add3A_51 : i32
          %dma_wait3A_53 = arith.constant 0 : i32
          %dma_wait3A_54 = tpu.memref_slice %arg8[%add3A_52, %dma_wait3A_53] : memref<40x128xi32, #tpu.memory_space<vmem>> -> memref<1x128xi32, #tpu.memory_space<vmem>>
          %dma_wait3A_55 = tpu.memref_squeeze %dma_wait3A_54 : memref<1x128xi32, #tpu.memory_space<vmem>> -> memref<128xi32, #tpu.memory_space<vmem>>
          %dma_wait3A_56 = arith.constant 0 : i32
          %dma_wait3A_57 = arith.constant 0 : i32
          %dma_wait3A_58 = tpu.memref_slice %arg2[%dma_wait3A_56, %dma_wait3A_57] : memref<10240x128xf32, #tpu.memory_space<hbm>> -> memref<10240x128xf32, #tpu.memory_space<hbm>>
          tpu.wait_indirect_dma semaphore(%arg14 : memref<!tpu.dma_semaphore, #tpu.memory_space<semaphore_mem>>) src(%dma_wait3A_58 : memref<10240x128xf32, #tpu.memory_space<hbm>>) dst(%arg11 : memref<128x128xf32, #tpu.memory_space<vmem>>)
          %add3A_59 = arith.constant 2 : i32
          %add3A_60 = arith.addi %add3A_37, %add3A_59 : i32
          %lt3A = arith.constant 40 : i32
          %lt3A_61 = arith.cmpi slt, %add3A_60, %lt3A : i32
          %convert_element_type3A_62 = arith.extui %lt3A_61 : i1 to i32
          %cond3A_63 = arith.constant 0 : i32
          %cond3A_64 = arith.cmpi ne, %convert_element_type3A_62, %cond3A_63 : i32
          scf.if %cond3A_64 {
            %add3A_67 = arith.constant 2 : i32
            %add3A_68 = arith.addi %add3A_37, %add3A_67 : i32
            %dma_start3A_69 = arith.constant 0 : i32
            %dma_start3A_70 = tpu.memref_slice %arg8[%add3A_68, %dma_start3A_69] : memref<40x128xi32, #tpu.memory_space<vmem>> -> memref<1x128xi32, #tpu.memory_space<vmem>>
            %dma_start3A_71 = tpu.memref_squeeze %dma_start3A_70 : memref<1x128xi32, #tpu.memory_space<vmem>> -> memref<128xi32, #tpu.memory_space<vmem>>
            %dma_start3A_72 = arith.constant 0 : i32
            %dma_start3A_73 = arith.constant 0 : i32
            %dma_start3A_74 = tpu.memref_slice %arg2[%dma_start3A_72, %dma_start3A_73] : memref<10240x128xf32, #tpu.memory_space<hbm>> -> memref<10240x128xf32, #tpu.memory_space<hbm>>
            tpu.enqueue_indirect_dma source(%dma_start3A_74 : memref<10240x128xf32, #tpu.memory_space<hbm>>) target(%arg10 : memref<128x128xf32, #tpu.memory_space<vmem>>) offsets(%dma_start3A_71 : memref<128xi32, #tpu.memory_space<vmem>>) semaphore(%arg13 : memref<!tpu.dma_semaphore, #tpu.memory_space<semaphore_mem>>)
          } else {
          }
          %add3A_65 = arith.constant 1 : i32
          %add3A_66 = arith.addi %add3A_37, %add3A_65 : i32
          "tpu.region"() ({
            %run_scoped3A = tpu.sem_alloc : memref<!tpu.dma_semaphore, #tpu.memory_space<semaphore_mem>>
            %dma_start3A_67 = arith.constant 0 : i32
            %dma_start3A_68 = tpu.memref_slice %arg9[%add3A_66, %dma_start3A_67] : memref<40x128xi32, #tpu.memory_space<vmem>> -> memref<1x128xi32, #tpu.memory_space<vmem>>
            %dma_start3A_69 = tpu.memref_squeeze %dma_start3A_68 : memref<1x128xi32, #tpu.memory_space<vmem>> -> memref<128xi32, #tpu.memory_space<vmem>>
            %dma_start3A_70 = arith.constant 0 : i32
            %dma_start3A_71 = arith.constant 0 : i32
            %dma_start3A_72 = tpu.memref_slice %arg12[%dma_start3A_70, %dma_start3A_71] : memref<10240x128xf32, #tpu.memory_space<vmem_shared>> -> memref<10240x128xf32, #tpu.memory_space<vmem_shared>>
            tpu.enqueue_indirect_dma source(%arg11 : memref<128x128xf32, #tpu.memory_space<vmem>>) target(%dma_start3A_72 : memref<10240x128xf32, #tpu.memory_space<vmem_shared>>) offsets(%dma_start3A_69 : memref<128xi32, #tpu.memory_space<vmem>>) semaphore(%run_scoped3A : memref<!tpu.dma_semaphore, #tpu.memory_space<semaphore_mem>>) {add = true}
            %dma_wait3A_73 = arith.constant 0 : i32
            %dma_wait3A_74 = tpu.memref_slice %arg9[%add3A_66, %dma_wait3A_73] : memref<40x128xi32, #tpu.memory_space<vmem>> -> memref<1x128xi32, #tpu.memory_space<vmem>>
            %dma_wait3A_75 = tpu.memref_squeeze %dma_wait3A_74 : memref<1x128xi32, #tpu.memory_space<vmem>> -> memref<128xi32, #tpu.memory_space<vmem>>
            %dma_wait3A_76 = arith.constant 0 : i32
            %dma_wait3A_77 = arith.constant 0 : i32
            %dma_wait3A_78 = tpu.memref_slice %arg12[%dma_wait3A_76, %dma_wait3A_77] : memref<10240x128xf32, #tpu.memory_space<vmem_shared>> -> memref<10240x128xf32, #tpu.memory_space<vmem_shared>>
            tpu.wait_indirect_dma semaphore(%run_scoped3A : memref<!tpu.dma_semaphore, #tpu.memory_space<semaphore_mem>>) src(%arg11 : memref<128x128xf32, #tpu.memory_space<vmem>>) dst(%dma_wait3A_78 : memref<10240x128xf32, #tpu.memory_space<vmem_shared>>)
            tpu.yield
          }) : () -> ()
        }
        %scan3A_32 = arith.constant 20 : i32
      }
      %scan3A_11 = arith.constant 2 : i32
      %barrier3A_12 = arith.constant 0 : index
      tpu.barrier barrier_id(%barrier3A_12)
      "tpu.region"() ({
        %run_scoped3A = tpu.sem_alloc : memref<!tpu.dma_semaphore, #tpu.memory_space<semaphore_mem>>
        %dma_start3A = arith.constant 0 : i32
        %dma_start3A_13 = tpu.memref_slice %arg6[%mul3A_0, %dma_start3A] : memref<10240x128xf32, #tpu.memory_space<hbm>> -> memref<640x128xf32, #tpu.memory_space<hbm>>
        %dma_start3A_14 = arith.constant 0 : i32
        %dma_start3A_15 = tpu.memref_slice %arg12[%mul3A_0, %dma_start3A_14] : memref<10240x128xf32, #tpu.memory_space<vmem_shared>> -> memref<640x128xf32, #tpu.memory_space<vmem_shared>>
        tpu.enqueue_dma source(%dma_start3A_15 : memref<640x128xf32, #tpu.memory_space<vmem_shared>>) target(%dma_start3A_13 : memref<640x128xf32, #tpu.memory_space<hbm>>) target_semaphore(%run_scoped3A : memref<!tpu.dma_semaphore, #tpu.memory_space<semaphore_mem>>)
        %dma_wait3A = arith.constant 0 : i32
        %dma_wait3A_16 = tpu.memref_slice %arg6[%mul3A_0, %dma_wait3A] : memref<10240x128xf32, #tpu.memory_space<hbm>> -> memref<640x128xf32, #tpu.memory_space<hbm>>
        %dma_wait3A_17 = arith.constant 0 : i32
        %dma_wait3A_18 = tpu.memref_slice %arg12[%mul3A_0, %dma_wait3A_17] : memref<10240x128xf32, #tpu.memory_space<vmem_shared>> -> memref<640x128xf32, #tpu.memory_space<vmem_shared>>
        tpu.wait_dma2 semaphore(%run_scoped3A : memref<!tpu.dma_semaphore, #tpu.memory_space<semaphore_mem>>) src(%dma_wait3A_18 : memref<640x128xf32, #tpu.memory_space<vmem_shared>>) dst(%dma_wait3A_16 : memref<640x128xf32, #tpu.memory_space<hbm>>)
        tpu.yield
      }) : () -> ()
    } else {
    }
    %eq3A_3 = arith.constant 1 : i32
    %eq3A_4 = arith.cmpi eq, %arg0, %eq3A_3 : i32
    %convert_element_type3A_5 = arith.extui %eq3A_4 : i1 to i32
    %cond3A_6 = arith.constant 0 : i32
    %cond3A_7 = arith.cmpi ne, %convert_element_type3A_5, %cond3A_6 : i32
    scf.if %cond3A_7 {
      "tpu.region"() ({
        %run_scoped3A = tpu.sem_alloc : memref<!tpu.dma_semaphore, #tpu.memory_space<semaphore_mem>>
        %dma_start3A = arith.constant 0 : i32
        %dma_start3A_13 = tpu.memref_slice %arg12[%mul3A_0, %dma_start3A] : memref<10240x128xf32, #tpu.memory_space<vmem_shared>> -> memref<640x128xf32, #tpu.memory_space<vmem_shared>>
        %dma_start3A_14 = arith.constant 0 : i32
        %dma_start3A_15 = tpu.memref_slice %arg3[%mul3A_0, %dma_start3A_14] : memref<10240x128xf32, #tpu.memory_space<hbm>> -> memref<640x128xf32, #tpu.memory_space<hbm>>
        tpu.enqueue_dma source(%dma_start3A_15 : memref<640x128xf32, #tpu.memory_space<hbm>>) target(%dma_start3A_13 : memref<640x128xf32, #tpu.memory_space<vmem_shared>>) target_semaphore(%run_scoped3A : memref<!tpu.dma_semaphore, #tpu.memory_space<semaphore_mem>>)
        %dma_wait3A = arith.constant 0 : i32
        %dma_wait3A_16 = tpu.memref_slice %arg12[%mul3A_0, %dma_wait3A] : memref<10240x128xf32, #tpu.memory_space<vmem_shared>> -> memref<640x128xf32, #tpu.memory_space<vmem_shared>>
        %dma_wait3A_17 = arith.constant 0 : i32
        %dma_wait3A_18 = tpu.memref_slice %arg3[%mul3A_0, %dma_wait3A_17] : memref<10240x128xf32, #tpu.memory_space<hbm>> -> memref<640x128xf32, #tpu.memory_space<hbm>>
        tpu.wait_dma2 semaphore(%run_scoped3A : memref<!tpu.dma_semaphore, #tpu.memory_space<semaphore_mem>>) src(%dma_wait3A_18 : memref<640x128xf32, #tpu.memory_space<hbm>>) dst(%dma_wait3A_16 : memref<640x128xf32, #tpu.memory_space<vmem_shared>>)
        tpu.yield
      }) : () -> ()
      %barrier3A = arith.constant 0 : index
      tpu.barrier barrier_id(%barrier3A)
      %scan3A = arith.constant 0 : i32
      %scan3A_8 = arith.constant 2 : i32
      %scan3A_9 = arith.addi %scan3A, %scan3A_8 : i32
      %scan3A_10 = arith.constant 1 : i32
      scf.for %scan3A_13 = %scan3A to %scan3A_9 step %scan3A_10  : i32 {
        %mul3A_14 = arith.constant 1 : i32
        %mul3A_15 = arith.muli %scan3A_13, %mul3A_14 : i32
        %add3A = arith.constant 0 : i32
        %add3A_16 = arith.addi %add3A, %mul3A_15 : i32
        %mul3A_17 = arith.constant 80 : i32
        %mul3A_18 = arith.muli %arg1, %mul3A_17 : i32
        %mul3A_19 = arith.constant 40 : i32
        %mul3A_20 = arith.muli %add3A_16, %mul3A_19 : i32
        %add3A_21 = arith.addi %mul3A_18, %mul3A_20 : i32
        "tpu.region"() ({
          %run_scoped3A = tpu.sem_alloc : memref<!tpu.dma_semaphore, #tpu.memory_space<semaphore_mem>>
          %dma_start3A_33 = arith.constant 0 : i32
          %dma_start3A_34 = tpu.memref_slice %arg4[%add3A_21, %dma_start3A_33] : memref<1280x128xi32, #tpu.memory_space<hbm>> -> memref<40x128xi32, #tpu.memory_space<hbm>>
          %dma_start3A_35 = arith.constant 0 : i32
          %dma_start3A_36 = tpu.memref_slice %arg4[%add3A_21, %dma_start3A_35] : memref<1280x128xi32, #tpu.memory_space<hbm>> -> memref<40x128xi32, #tpu.memory_space<hbm>>
          tpu.enqueue_dma source(%dma_start3A_36 : memref<40x128xi32, #tpu.memory_space<hbm>>) target(%arg8 : memref<40x128xi32, #tpu.memory_space<vmem>>) target_semaphore(%run_scoped3A : memref<!tpu.dma_semaphore, #tpu.memory_space<semaphore_mem>>)
          %dma_wait3A = arith.constant 0 : i32
          %dma_wait3A_37 = tpu.memref_slice %arg4[%add3A_21, %dma_wait3A] : memref<1280x128xi32, #tpu.memory_space<hbm>> -> memref<40x128xi32, #tpu.memory_space<hbm>>
          %dma_wait3A_38 = arith.constant 0 : i32
          %dma_wait3A_39 = tpu.memref_slice %arg4[%add3A_21, %dma_wait3A_38] : memref<1280x128xi32, #tpu.memory_space<hbm>> -> memref<40x128xi32, #tpu.memory_space<hbm>>
          tpu.wait_dma2 semaphore(%run_scoped3A : memref<!tpu.dma_semaphore, #tpu.memory_space<semaphore_mem>>) src(%dma_wait3A_39 : memref<40x128xi32, #tpu.memory_space<hbm>>) dst(%arg8 : memref<40x128xi32, #tpu.memory_space<vmem>>)
          tpu.yield
        }) : () -> ()
        "tpu.region"() ({
          %run_scoped3A = tpu.sem_alloc : memref<!tpu.dma_semaphore, #tpu.memory_space<semaphore_mem>>
          %dma_start3A_33 = arith.constant 0 : i32
          %dma_start3A_34 = tpu.memref_slice %arg5[%add3A_21, %dma_start3A_33] : memref<1280x128xi32, #tpu.memory_space<hbm>> -> memref<40x128xi32, #tpu.memory_space<hbm>>
          %dma_start3A_35 = arith.constant 0 : i32
          %dma_start3A_36 = tpu.memref_slice %arg5[%add3A_21, %dma_start3A_35] : memref<1280x128xi32, #tpu.memory_space<hbm>> -> memref<40x128xi32, #tpu.memory_space<hbm>>
          tpu.enqueue_dma source(%dma_start3A_36 : memref<40x128xi32, #tpu.memory_space<hbm>>) target(%arg9 : memref<40x128xi32, #tpu.memory_space<vmem>>) target_semaphore(%run_scoped3A : memref<!tpu.dma_semaphore, #tpu.memory_space<semaphore_mem>>)
          %dma_wait3A = arith.constant 0 : i32
          %dma_wait3A_37 = tpu.memref_slice %arg5[%add3A_21, %dma_wait3A] : memref<1280x128xi32, #tpu.memory_space<hbm>> -> memref<40x128xi32, #tpu.memory_space<hbm>>
          %dma_wait3A_38 = arith.constant 0 : i32
          %dma_wait3A_39 = tpu.memref_slice %arg5[%add3A_21, %dma_wait3A_38] : memref<1280x128xi32, #tpu.memory_space<hbm>> -> memref<40x128xi32, #tpu.memory_space<hbm>>
          tpu.wait_dma2 semaphore(%run_scoped3A : memref<!tpu.dma_semaphore, #tpu.memory_space<semaphore_mem>>) src(%dma_wait3A_39 : memref<40x128xi32, #tpu.memory_space<hbm>>) dst(%arg9 : memref<40x128xi32, #tpu.memory_space<vmem>>)
          tpu.yield
        }) : () -> ()
        %dma_start3A = arith.constant 0 : i32
        %dma_start3A_22 = arith.constant 0 : i32
        %dma_start3A_23 = tpu.memref_slice %arg8[%dma_start3A, %dma_start3A_22] : memref<40x128xi32, #tpu.memory_space<vmem>> -> memref<1x128xi32, #tpu.memory_space<vmem>>
        %dma_start3A_24 = tpu.memref_squeeze %dma_start3A_23 : memref<1x128xi32, #tpu.memory_space<vmem>> -> memref<128xi32, #tpu.memory_space<vmem>>
        %dma_start3A_25 = arith.constant 0 : i32
        %dma_start3A_26 = arith.constant 0 : i32
        %dma_start3A_27 = tpu.memref_slice %arg3[%dma_start3A_25, %dma_start3A_26] : memref<10240x128xf32, #tpu.memory_space<hbm>> -> memref<10240x128xf32, #tpu.memory_space<hbm>>
        tpu.enqueue_indirect_dma source(%dma_start3A_27 : memref<10240x128xf32, #tpu.memory_space<hbm>>) target(%arg10 : memref<128x128xf32, #tpu.memory_space<vmem>>) offsets(%dma_start3A_24 : memref<128xi32, #tpu.memory_space<vmem>>) semaphore(%arg13 : memref<!tpu.dma_semaphore, #tpu.memory_space<semaphore_mem>>)
        %scan3A_28 = arith.constant 0 : i32
        %scan3A_29 = arith.constant 20 : i32
        %scan3A_30 = arith.addi %scan3A_28, %scan3A_29 : i32
        %scan3A_31 = arith.constant 1 : i32
        scf.for %scan3A_33 = %scan3A_28 to %scan3A_30 step %scan3A_31  : i32 {
          %mul3A_34 = arith.constant 2 : i32
          %mul3A_35 = arith.muli %scan3A_33, %mul3A_34 : i32
          %add3A_36 = arith.constant 0 : i32
          %add3A_37 = arith.addi %add3A_36, %mul3A_35 : i32
          %dma_wait3A = arith.constant 0 : i32
          %dma_wait3A_38 = tpu.memref_slice %arg8[%add3A_37, %dma_wait3A] : memref<40x128xi32, #tpu.memory_space<vmem>> -> memref<1x128xi32, #tpu.memory_space<vmem>>
          %dma_wait3A_39 = tpu.memref_squeeze %dma_wait3A_38 : memref<1x128xi32, #tpu.memory_space<vmem>> -> memref<128xi32, #tpu.memory_space<vmem>>
          %dma_wait3A_40 = arith.constant 0 : i32
          %dma_wait3A_41 = arith.constant 0 : i32
          %dma_wait3A_42 = tpu.memref_slice %arg3[%dma_wait3A_40, %dma_wait3A_41] : memref<10240x128xf32, #tpu.memory_space<hbm>> -> memref<10240x128xf32, #tpu.memory_space<hbm>>
          tpu.wait_indirect_dma semaphore(%arg13 : memref<!tpu.dma_semaphore, #tpu.memory_space<semaphore_mem>>) src(%dma_wait3A_42 : memref<10240x128xf32, #tpu.memory_space<hbm>>) dst(%arg10 : memref<128x128xf32, #tpu.memory_space<vmem>>)
          %add3A_43 = arith.constant 1 : i32
          %add3A_44 = arith.addi %add3A_37, %add3A_43 : i32
          %dma_start3A_45 = arith.constant 0 : i32
          %dma_start3A_46 = tpu.memref_slice %arg8[%add3A_44, %dma_start3A_45] : memref<40x128xi32, #tpu.memory_space<vmem>> -> memref<1x128xi32, #tpu.memory_space<vmem>>
          %dma_start3A_47 = tpu.memref_squeeze %dma_start3A_46 : memref<1x128xi32, #tpu.memory_space<vmem>> -> memref<128xi32, #tpu.memory_space<vmem>>
          %dma_start3A_48 = arith.constant 0 : i32
          %dma_start3A_49 = arith.constant 0 : i32
          %dma_start3A_50 = tpu.memref_slice %arg3[%dma_start3A_48, %dma_start3A_49] : memref<10240x128xf32, #tpu.memory_space<hbm>> -> memref<10240x128xf32, #tpu.memory_space<hbm>>
          tpu.enqueue_indirect_dma source(%dma_start3A_50 : memref<10240x128xf32, #tpu.memory_space<hbm>>) target(%arg11 : memref<128x128xf32, #tpu.memory_space<vmem>>) offsets(%dma_start3A_47 : memref<128xi32, #tpu.memory_space<vmem>>) semaphore(%arg14 : memref<!tpu.dma_semaphore, #tpu.memory_space<semaphore_mem>>)
          "tpu.region"() ({
            %run_scoped3A = tpu.sem_alloc : memref<!tpu.dma_semaphore, #tpu.memory_space<semaphore_mem>>
            %dma_start3A_67 = arith.constant 0 : i32
            %dma_start3A_68 = tpu.memref_slice %arg9[%add3A_37, %dma_start3A_67] : memref<40x128xi32, #tpu.memory_space<vmem>> -> memref<1x128xi32, #tpu.memory_space<vmem>>
            %dma_start3A_69 = tpu.memref_squeeze %dma_start3A_68 : memref<1x128xi32, #tpu.memory_space<vmem>> -> memref<128xi32, #tpu.memory_space<vmem>>
            %dma_start3A_70 = arith.constant 0 : i32
            %dma_start3A_71 = arith.constant 0 : i32
            %dma_start3A_72 = tpu.memref_slice %arg12[%dma_start3A_70, %dma_start3A_71] : memref<10240x128xf32, #tpu.memory_space<vmem_shared>> -> memref<10240x128xf32, #tpu.memory_space<vmem_shared>>
            tpu.enqueue_indirect_dma source(%arg10 : memref<128x128xf32, #tpu.memory_space<vmem>>) target(%dma_start3A_72 : memref<10240x128xf32, #tpu.memory_space<vmem_shared>>) offsets(%dma_start3A_69 : memref<128xi32, #tpu.memory_space<vmem>>) semaphore(%run_scoped3A : memref<!tpu.dma_semaphore, #tpu.memory_space<semaphore_mem>>) {add = true}
            %dma_wait3A_73 = arith.constant 0 : i32
            %dma_wait3A_74 = tpu.memref_slice %arg9[%add3A_37, %dma_wait3A_73] : memref<40x128xi32, #tpu.memory_space<vmem>> -> memref<1x128xi32, #tpu.memory_space<vmem>>
            %dma_wait3A_75 = tpu.memref_squeeze %dma_wait3A_74 : memref<1x128xi32, #tpu.memory_space<vmem>> -> memref<128xi32, #tpu.memory_space<vmem>>
            %dma_wait3A_76 = arith.constant 0 : i32
            %dma_wait3A_77 = arith.constant 0 : i32
            %dma_wait3A_78 = tpu.memref_slice %arg12[%dma_wait3A_76, %dma_wait3A_77] : memref<10240x128xf32, #tpu.memory_space<vmem_shared>> -> memref<10240x128xf32, #tpu.memory_space<vmem_shared>>
            tpu.wait_indirect_dma semaphore(%run_scoped3A : memref<!tpu.dma_semaphore, #tpu.memory_space<semaphore_mem>>) src(%arg10 : memref<128x128xf32, #tpu.memory_space<vmem>>) dst(%dma_wait3A_78 : memref<10240x128xf32, #tpu.memory_space<vmem_shared>>)
            tpu.yield
          }) : () -> ()
          %add3A_51 = arith.constant 1 : i32
          %add3A_52 = arith.addi %add3A_37, %add3A_51 : i32
          %dma_wait3A_53 = arith.constant 0 : i32
          %dma_wait3A_54 = tpu.memref_slice %arg8[%add3A_52, %dma_wait3A_53] : memref<40x128xi32, #tpu.memory_space<vmem>> -> memref<1x128xi32, #tpu.memory_space<vmem>>
          %dma_wait3A_55 = tpu.memref_squeeze %dma_wait3A_54 : memref<1x128xi32, #tpu.memory_space<vmem>> -> memref<128xi32, #tpu.memory_space<vmem>>
          %dma_wait3A_56 = arith.constant 0 : i32
          %dma_wait3A_57 = arith.constant 0 : i32
          %dma_wait3A_58 = tpu.memref_slice %arg3[%dma_wait3A_56, %dma_wait3A_57] : memref<10240x128xf32, #tpu.memory_space<hbm>> -> memref<10240x128xf32, #tpu.memory_space<hbm>>
          tpu.wait_indirect_dma semaphore(%arg14 : memref<!tpu.dma_semaphore, #tpu.memory_space<semaphore_mem>>) src(%dma_wait3A_58 : memref<10240x128xf32, #tpu.memory_space<hbm>>) dst(%arg11 : memref<128x128xf32, #tpu.memory_space<vmem>>)
          %add3A_59 = arith.constant 2 : i32
          %add3A_60 = arith.addi %add3A_37, %add3A_59 : i32
          %lt3A = arith.constant 40 : i32
          %lt3A_61 = arith.cmpi slt, %add3A_60, %lt3A : i32
          %convert_element_type3A_62 = arith.extui %lt3A_61 : i1 to i32
          %cond3A_63 = arith.constant 0 : i32
          %cond3A_64 = arith.cmpi ne, %convert_element_type3A_62, %cond3A_63 : i32
          scf.if %cond3A_64 {
            %add3A_67 = arith.constant 2 : i32
            %add3A_68 = arith.addi %add3A_37, %add3A_67 : i32
            %dma_start3A_69 = arith.constant 0 : i32
            %dma_start3A_70 = tpu.memref_slice %arg8[%add3A_68, %dma_start3A_69] : memref<40x128xi32, #tpu.memory_space<vmem>> -> memref<1x128xi32, #tpu.memory_space<vmem>>
            %dma_start3A_71 = tpu.memref_squeeze %dma_start3A_70 : memref<1x128xi32, #tpu.memory_space<vmem>> -> memref<128xi32, #tpu.memory_space<vmem>>
            %dma_start3A_72 = arith.constant 0 : i32
            %dma_start3A_73 = arith.constant 0 : i32
            %dma_start3A_74 = tpu.memref_slice %arg3[%dma_start3A_72, %dma_start3A_73] : memref<10240x128xf32, #tpu.memory_space<hbm>> -> memref<10240x128xf32, #tpu.memory_space<hbm>>
            tpu.enqueue_indirect_dma source(%dma_start3A_74 : memref<10240x128xf32, #tpu.memory_space<hbm>>) target(%arg10 : memref<128x128xf32, #tpu.memory_space<vmem>>) offsets(%dma_start3A_71 : memref<128xi32, #tpu.memory_space<vmem>>) semaphore(%arg13 : memref<!tpu.dma_semaphore, #tpu.memory_space<semaphore_mem>>)
          } else {
          }
          %add3A_65 = arith.constant 1 : i32
          %add3A_66 = arith.addi %add3A_37, %add3A_65 : i32
          "tpu.region"() ({
            %run_scoped3A = tpu.sem_alloc : memref<!tpu.dma_semaphore, #tpu.memory_space<semaphore_mem>>
            %dma_start3A_67 = arith.constant 0 : i32
            %dma_start3A_68 = tpu.memref_slice %arg9[%add3A_66, %dma_start3A_67] : memref<40x128xi32, #tpu.memory_space<vmem>> -> memref<1x128xi32, #tpu.memory_space<vmem>>
            %dma_start3A_69 = tpu.memref_squeeze %dma_start3A_68 : memref<1x128xi32, #tpu.memory_space<vmem>> -> memref<128xi32, #tpu.memory_space<vmem>>
            %dma_start3A_70 = arith.constant 0 : i32
            %dma_start3A_71 = arith.constant 0 : i32
            %dma_start3A_72 = tpu.memref_slice %arg12[%dma_start3A_70, %dma_start3A_71] : memref<10240x128xf32, #tpu.memory_space<vmem_shared>> -> memref<10240x128xf32, #tpu.memory_space<vmem_shared>>
            tpu.enqueue_indirect_dma source(%arg11 : memref<128x128xf32, #tpu.memory_space<vmem>>) target(%dma_start3A_72 : memref<10240x128xf32, #tpu.memory_space<vmem_shared>>) offsets(%dma_start3A_69 : memref<128xi32, #tpu.memory_space<vmem>>) semaphore(%run_scoped3A : memref<!tpu.dma_semaphore, #tpu.memory_space<semaphore_mem>>) {add = true}
            %dma_wait3A_73 = arith.constant 0 : i32
            %dma_wait3A_74 = tpu.memref_slice %arg9[%add3A_66, %dma_wait3A_73] : memref<40x128xi32, #tpu.memory_space<vmem>> -> memref<1x128xi32, #tpu.memory_space<vmem>>
            %dma_wait3A_75 = tpu.memref_squeeze %dma_wait3A_74 : memref<1x128xi32, #tpu.memory_space<vmem>> -> memref<128xi32, #tpu.memory_space<vmem>>
            %dma_wait3A_76 = arith.constant 0 : i32
            %dma_wait3A_77 = arith.constant 0 : i32
            %dma_wait3A_78 = tpu.memref_slice %arg12[%dma_wait3A_76, %dma_wait3A_77] : memref<10240x128xf32, #tpu.memory_space<vmem_shared>> -> memref<10240x128xf32, #tpu.memory_space<vmem_shared>>
            tpu.wait_indirect_dma semaphore(%run_scoped3A : memref<!tpu.dma_semaphore, #tpu.memory_space<semaphore_mem>>) src(%arg11 : memref<128x128xf32, #tpu.memory_space<vmem>>) dst(%dma_wait3A_78 : memref<10240x128xf32, #tpu.memory_space<vmem_shared>>)
            tpu.yield
          }) : () -> ()
        }
        %scan3A_32 = arith.constant 20 : i32
      }
      %scan3A_11 = arith.constant 2 : i32
      %barrier3A_12 = arith.constant 0 : index
      tpu.barrier barrier_id(%barrier3A_12)
      "tpu.region"() ({
        %run_scoped3A = tpu.sem_alloc : memref<!tpu.dma_semaphore, #tpu.memory_space<semaphore_mem>>
        %dma_start3A = arith.constant 0 : i32
        %dma_start3A_13 = tpu.memref_slice %arg7[%mul3A_0, %dma_start3A] : memref<10240x128xf32, #tpu.memory_space<hbm>> -> memref<640x128xf32, #tpu.memory_space<hbm>>
        %dma_start3A_14 = arith.constant 0 : i32
        %dma_start3A_15 = tpu.memref_slice %arg12[%mul3A_0, %dma_start3A_14] : memref<10240x128xf32, #tpu.memory_space<vmem_shared>> -> memref<640x128xf32, #tpu.memory_space<vmem_shared>>
        tpu.enqueue_dma source(%dma_start3A_15 : memref<640x128xf32, #tpu.memory_space<vmem_shared>>) target(%dma_start3A_13 : memref<640x128xf32, #tpu.memory_space<hbm>>) target_semaphore(%run_scoped3A : memref<!tpu.dma_semaphore, #tpu.memory_space<semaphore_mem>>)
        %dma_wait3A = arith.constant 0 : i32
        %dma_wait3A_16 = tpu.memref_slice %arg7[%mul3A_0, %dma_wait3A] : memref<10240x128xf32, #tpu.memory_space<hbm>> -> memref<640x128xf32, #tpu.memory_space<hbm>>
        %dma_wait3A_17 = arith.constant 0 : i32
        %dma_wait3A_18 = tpu.memref_slice %arg12[%mul3A_0, %dma_wait3A_17] : memref<10240x128xf32, #tpu.memory_space<vmem_shared>> -> memref<640x128xf32, #tpu.memory_space<vmem_shared>>
        tpu.wait_dma2 semaphore(%run_scoped3A : memref<!tpu.dma_semaphore, #tpu.memory_space<semaphore_mem>>) src(%dma_wait3A_18 : memref<640x128xf32, #tpu.memory_space<vmem_shared>>) dst(%dma_wait3A_16 : memref<640x128xf32, #tpu.memory_space<hbm>>)
        tpu.yield
      }) : () -> ()
    } else {
    }
    return
  }
}

module attributes {stable_mosaic.version = 14 : i64} {
  func.func @body(%arg0: i32, %arg1: memref<1024x256xf32, #tpu.memory_space<vmem>>, %arg2: memref<256x256xf32, #tpu.memory_space<vmem>>, %arg3: memref<1024x128xf32, #tpu.memory_space<vmem>>, %arg4: memref<1024x128xf32, #tpu.memory_space<vmem>>) attributes {dimension_semantics = [#tpu.dimension_semantics<arbitrary>], iteration_bounds = array<i64: 10>, scalar_prefetch = 0 : i64, scratch_operands = 0 : i64, tpu.core_type = #tpu.core_type<tc>, window_params = [{transform_indices = @transform_0, window_bounds = array<i64: 1024, 256>}, {pipeline_mode = #tpu.pipeline_mode<synchronous>, transform_indices = @transform_1, window_bounds = array<i64: 256, 256>}, {transform_indices = @transform_2, window_bounds = array<i64: 1024, 128>}, {transform_indices = @transform_3, window_bounds = array<i64: 1024, 128>}]} {
    %get3A = arith.constant 0 : index
    %get3A_0 = arith.constant 0 : index
    %get3A_1 = vector.load %arg1[%get3A, %get3A_0] : memref<1024x256xf32, #tpu.memory_space<vmem>>, vector<1024x256xf32>
    %get3A_2 = arith.constant 0 : index
    %get3A_3 = arith.constant 0 : index
    %get3A_4 = vector.load %arg2[%get3A_2, %get3A_3] : memref<256x256xf32, #tpu.memory_space<vmem>>, vector<256x256xf32>
    %dot_general3A = arith.constant dense<0.000000e+00> : vector<1024x256xf32>
    %dot_general3A_5 = tpu.matmul %get3A_1, %get3A_4, %dot_general3A {dimension_numbers = #tpu.dot_dimension_numbers<[1], [0], [0], [1], [0, 0, 1, 1], [], []>, transpose_lhs_hint = false} : vector<1024x256xf32>, vector<256x256xf32>, vector<1024x256xf32> -> vector<1024x256xf32>
    %slice3A = vector.extract_strided_slice %dot_general3A_5 {offsets = [0, 0], sizes = [1024, 128], strides = [1, 1]} : vector<1024x256xf32> to vector<1024x128xf32>
    %swap3A = arith.constant 0 : index
    %swap3A_6 = arith.constant 0 : index
    %swap3A_7 = vector.load %arg3[%swap3A, %swap3A_6] : memref<1024x128xf32, #tpu.memory_space<vmem>>, vector<1024x128xf32>
    tpu.vector_store %arg3[%swap3A, %swap3A_6], %slice3A {strides = array<i32>} : memref<1024x128xf32, #tpu.memory_space<vmem>>, vector<1024x128xf32>,
    %slice3A_8 = vector.extract_strided_slice %dot_general3A_5 {offsets = [0, 128], sizes = [1024, 128], strides = [1, 1]} : vector<1024x256xf32> to vector<1024x128xf32>
    %swap3A_9 = arith.constant 0 : index
    %swap3A_10 = arith.constant 0 : index
    %swap3A_11 = vector.load %arg4[%swap3A_9, %swap3A_10] : memref<1024x128xf32, #tpu.memory_space<vmem>>, vector<1024x128xf32>
    tpu.vector_store %arg4[%swap3A_9, %swap3A_10], %slice3A_8 {strides = array<i32>} : memref<1024x128xf32, #tpu.memory_space<vmem>>, vector<1024x128xf32>,
    return
  }
  func.func @transform_0(%arg0: i32) -> (i32, i32) {
    %c0_i32 = arith.constant 0 : i32
    %c0_i32_0 = arith.constant 0 : i32
    return %arg0, %c0_i32 : i32, i32
  }
  func.func @transform_1(%arg0: i32) -> (i32, i32) {
    %c0_i32 = arith.constant 0 : i32
    %c0_i32_0 = arith.constant 0 : i32
    %c0_i32_1 = arith.constant 0 : i32
    return %c0_i32, %c0_i32_0 : i32, i32
  }
  func.func @transform_2(%arg0: i32) -> (i32, i32) {
    %c0_i32 = arith.constant 0 : i32
    %c0_i32_0 = arith.constant 0 : i32
    return %arg0, %c0_i32 : i32, i32
  }
  func.func @transform_3(%arg0: i32) -> (i32, i32) {
    %c0_i32 = arith.constant 0 : i32
    %c0_i32_0 = arith.constant 0 : i32
    return %arg0, %c0_i32 : i32, i32
  }
}

module attributes {stable_mosaic.version = 14 : i64} {
  func.func @body(%arg0: i32, %arg1: memref<1024x128xf32, #tpu.memory_space<vmem>>, %arg2: memref<1024x128xf32, #tpu.memory_space<vmem>>, %arg3: memref<1024x128xf32, #tpu.memory_space<vmem>>, %arg4: memref<1024x128xf32, #tpu.memory_space<vmem>>, %arg5: memref<1024x128xf32, #tpu.memory_space<vmem>>, %arg6: memref<1024x128xf32, #tpu.memory_space<vmem>>) attributes {dimension_semantics = [#tpu.dimension_semantics<arbitrary>], iteration_bounds = array<i64: 10>, scalar_prefetch = 0 : i64, scratch_operands = 0 : i64, tpu.core_type = #tpu.core_type<tc>, window_params = [{transform_indices = @transform_0, window_bounds = array<i64: 1024, 128>}, {transform_indices = @transform_1, window_bounds = array<i64: 1024, 128>}, {transform_indices = @transform_2, window_bounds = array<i64: 1024, 128>}, {transform_indices = @transform_3, window_bounds = array<i64: 1024, 128>}, {transform_indices = @transform_4, window_bounds = array<i64: 1024, 128>}, {transform_indices = @transform_5, window_bounds = array<i64: 1024, 128>}]} {
    %get3A = arith.constant 0 : index
    %get3A_0 = arith.constant 0 : index
    %get3A_1 = vector.load %arg3[%get3A, %get3A_0] : memref<1024x128xf32, #tpu.memory_space<vmem>>, vector<1024x1xf32>
    %get3A_2 = arith.constant 0 : index
    %get3A_3 = arith.constant 0 : index
    %get3A_4 = vector.load %arg4[%get3A_2, %get3A_3] : memref<1024x128xf32, #tpu.memory_space<vmem>>, vector<1024x1xf32>
    %add3A = arith.addf %get3A_1, %get3A_4 : vector<1024x1xf32>
    %add3A_5 = arith.constant 1.000000e+00 : f32
    %add3A_6 = vector.broadcast %add3A_5 : f32 to vector<1024x1xf32>
    %add3A_7 = arith.addf %add3A, %add3A_6 : vector<1024x1xf32>
    %rsqrt3A = math.rsqrt %add3A_7 : vector<1024x1xf32>
    %get3A_8 = arith.constant 0 : index
    %get3A_9 = arith.constant 0 : index
    %get3A_10 = vector.load %arg1[%get3A_8, %get3A_9] : memref<1024x128xf32, #tpu.memory_space<vmem>>, vector<1024x128xf32>
    %mul3A = vector.broadcast %rsqrt3A : vector<1024x1xf32> to vector<1024x128xf32>
    %mul3A_11 = arith.mulf %get3A_10, %mul3A : vector<1024x128xf32>
    %swap3A = arith.constant 0 : index
    %swap3A_12 = arith.constant 0 : index
    %swap3A_13 = vector.load %arg5[%swap3A, %swap3A_12] : memref<1024x128xf32, #tpu.memory_space<vmem>>, vector<1024x128xf32>
    tpu.vector_store %arg5[%swap3A, %swap3A_12], %mul3A_11 {strides = array<i32>} : memref<1024x128xf32, #tpu.memory_space<vmem>>, vector<1024x128xf32>,
    %get3A_14 = arith.constant 0 : index
    %get3A_15 = arith.constant 0 : index
    %get3A_16 = vector.load %arg2[%get3A_14, %get3A_15] : memref<1024x128xf32, #tpu.memory_space<vmem>>, vector<1024x128xf32>
    %mul3A_17 = vector.broadcast %rsqrt3A : vector<1024x1xf32> to vector<1024x128xf32>
    %mul3A_18 = arith.mulf %get3A_16, %mul3A_17 : vector<1024x128xf32>
    %swap3A_19 = arith.constant 0 : index
    %swap3A_20 = arith.constant 0 : index
    %swap3A_21 = vector.load %arg6[%swap3A_19, %swap3A_20] : memref<1024x128xf32, #tpu.memory_space<vmem>>, vector<1024x128xf32>
    tpu.vector_store %arg6[%swap3A_19, %swap3A_20], %mul3A_18 {strides = array<i32>} : memref<1024x128xf32, #tpu.memory_space<vmem>>, vector<1024x128xf32>,
    return
  }
  func.func @transform_0(%arg0: i32) -> (i32, i32) {
    %c0_i32 = arith.constant 0 : i32
    %c0_i32_0 = arith.constant 0 : i32
    return %arg0, %c0_i32 : i32, i32
  }
  func.func @transform_1(%arg0: i32) -> (i32, i32) {
    %c0_i32 = arith.constant 0 : i32
    %c0_i32_0 = arith.constant 0 : i32
    return %arg0, %c0_i32 : i32, i32
  }
  func.func @transform_2(%arg0: i32) -> (i32, i32) {
    %c0_i32 = arith.constant 0 : i32
    %c0_i32_0 = arith.constant 0 : i32
    return %arg0, %c0_i32 : i32, i32
  }
  func.func @transform_3(%arg0: i32) -> (i32, i32) {
    %c0_i32 = arith.constant 0 : i32
    %c0_i32_0 = arith.constant 0 : i32
    return %arg0, %c0_i32 : i32, i32
  }
  func.func @transform_4(%arg0: i32) -> (i32, i32) {
    %c0_i32 = arith.constant 0 : i32
    %c0_i32_0 = arith.constant 0 : i32
    return %arg0, %c0_i32 : i32, i32
  }
  func.func @transform_5(%arg0: i32) -> (i32, i32) {
    %c0_i32 = arith.constant 0 : i32
    %c0_i32_0 = arith.constant 0 : i32
    return %arg0, %c0_i32 : i32, i32
  }
}

module attributes {stable_mosaic.version = 14 : i64} {
  func.func @body(%arg0: i32, %arg1: memref<1024x128xf32, #tpu.memory_space<vmem>>, %arg2: memref<1024x128xf32, #tpu.memory_space<vmem>>, %arg3: memref<1024x128xf32, #tpu.memory_space<vmem>>, %arg4: memref<1024x128xf32, #tpu.memory_space<vmem>>, %arg5: memref<1x256xf32, #tpu.memory_space<vmem>>, %arg6: memref<256x256xf32, #tpu.memory_space<vmem>>, %arg7: memref<1024x128xf32, #tpu.memory_space<vmem>>, %arg8: memref<1024x128xf32, #tpu.memory_space<vmem>>) attributes {dimension_semantics = [#tpu.dimension_semantics<arbitrary>], iteration_bounds = array<i64: 10>, scalar_prefetch = 0 : i64, scratch_operands = 0 : i64, tpu.core_type = #tpu.core_type<tc>, window_params = [{transform_indices = @transform_0, window_bounds = array<i64: 1024, 128>}, {transform_indices = @transform_1, window_bounds = array<i64: 1024, 128>}, {transform_indices = @transform_2, window_bounds = array<i64: 1024, 128>}, {transform_indices = @transform_3, window_bounds = array<i64: 1024, 128>}, {pipeline_mode = #tpu.pipeline_mode<synchronous>, transform_indices = @transform_4, window_bounds = array<i64: 1, 256>}, {pipeline_mode = #tpu.pipeline_mode<synchronous>, transform_indices = @transform_5, window_bounds = array<i64: 256, 256>}, {transform_indices = @transform_6, window_bounds = array<i64: 1024, 128>}, {transform_indices = @transform_7, window_bounds = array<i64: 1024, 128>}]} {
    %get3A = arith.constant 0 : index
    %get3A_0 = arith.constant 0 : index
    %get3A_1 = vector.load %arg3[%get3A, %get3A_0] : memref<1024x128xf32, #tpu.memory_space<vmem>>, vector<1024x1xf32>
    %get3A_2 = arith.constant 0 : index
    %get3A_3 = arith.constant 0 : index
    %get3A_4 = vector.load %arg4[%get3A_2, %get3A_3] : memref<1024x128xf32, #tpu.memory_space<vmem>>, vector<1024x1xf32>
    %add3A = arith.addf %get3A_1, %get3A_4 : vector<1024x1xf32>
    %add3A_5 = arith.constant 1.000000e+00 : f32
    %add3A_6 = vector.broadcast %add3A_5 : f32 to vector<1024x1xf32>
    %add3A_7 = arith.addf %add3A, %add3A_6 : vector<1024x1xf32>
    %rsqrt3A = math.rsqrt %add3A_7 : vector<1024x1xf32>
    %get3A_8 = arith.constant 0 : index
    %get3A_9 = arith.constant 0 : index
    %get3A_10 = vector.load %arg1[%get3A_8, %get3A_9] : memref<1024x128xf32, #tpu.memory_space<vmem>>, vector<1024x128xf32>
    %get3A_11 = arith.constant 0 : index
    %get3A_12 = arith.constant 0 : index
    %get3A_13 = vector.load %arg2[%get3A_11, %get3A_12] : memref<1024x128xf32, #tpu.memory_space<vmem>>, vector<1024x128xf32>
    %concatenate3A = tpu.concatenate %get3A_10, %get3A_13 in 1 : vector<1024x128xf32>, vector<1024x128xf32> -> vector<1024x256xf32>
    %mul3A = vector.broadcast %rsqrt3A : vector<1024x1xf32> to vector<1024x256xf32>
    %mul3A_14 = arith.mulf %concatenate3A, %mul3A : vector<1024x256xf32>
    %get3A_15 = arith.constant 0 : index
    %get3A_16 = arith.constant 0 : index
    %get3A_17 = vector.load %arg5[%get3A_15, %get3A_16] : memref<1x256xf32, #tpu.memory_space<vmem>>, vector<1x256xf32>
    %add3A_18 = vector.broadcast %get3A_17 : vector<1x256xf32> to vector<1024x256xf32>
    %add3A_19 = arith.addf %mul3A_14, %add3A_18 : vector<1024x256xf32>
    %max3A = arith.constant 0.000000e+00 : f32
    %max3A_20 = vector.broadcast %max3A : f32 to vector<1024x256xf32>
    %max3A_21 = arith.maximumf %add3A_19, %max3A_20 : vector<1024x256xf32>
    %get3A_22 = arith.constant 0 : index
    %get3A_23 = arith.constant 0 : index
    %get3A_24 = vector.load %arg6[%get3A_22, %get3A_23] : memref<256x256xf32, #tpu.memory_space<vmem>>, vector<256x256xf32>
    %dot_general3A = arith.constant dense<0.000000e+00> : vector<1024x256xf32>
    %dot_general3A_25 = tpu.matmul %max3A_21, %get3A_24, %dot_general3A {dimension_numbers = #tpu.dot_dimension_numbers<[1], [0], [0], [1], [0, 0, 1, 1], [], []>, transpose_lhs_hint = false} : vector<1024x256xf32>, vector<256x256xf32>, vector<1024x256xf32> -> vector<1024x256xf32>
    %mul3A_26 = vector.broadcast %rsqrt3A : vector<1024x1xf32> to vector<1024x256xf32>
    %mul3A_27 = arith.mulf %dot_general3A_25, %mul3A_26 : vector<1024x256xf32>
    %slice3A = vector.extract_strided_slice %mul3A_27 {offsets = [0, 0], sizes = [1024, 128], strides = [1, 1]} : vector<1024x256xf32> to vector<1024x128xf32>
    %swap3A = arith.constant 0 : index
    %swap3A_28 = arith.constant 0 : index
    %swap3A_29 = vector.load %arg7[%swap3A, %swap3A_28] : memref<1024x128xf32, #tpu.memory_space<vmem>>, vector<1024x128xf32>
    tpu.vector_store %arg7[%swap3A, %swap3A_28], %slice3A {strides = array<i32>} : memref<1024x128xf32, #tpu.memory_space<vmem>>, vector<1024x128xf32>,
    %slice3A_30 = vector.extract_strided_slice %mul3A_27 {offsets = [0, 128], sizes = [1024, 128], strides = [1, 1]} : vector<1024x256xf32> to vector<1024x128xf32>
    %swap3A_31 = arith.constant 0 : index
    %swap3A_32 = arith.constant 0 : index
    %swap3A_33 = vector.load %arg8[%swap3A_31, %swap3A_32] : memref<1024x128xf32, #tpu.memory_space<vmem>>, vector<1024x128xf32>
    tpu.vector_store %arg8[%swap3A_31, %swap3A_32], %slice3A_30 {strides = array<i32>} : memref<1024x128xf32, #tpu.memory_space<vmem>>, vector<1024x128xf32>,
    return
  }
  func.func @transform_0(%arg0: i32) -> (i32, i32) {
    %c0_i32 = arith.constant 0 : i32
    %c0_i32_0 = arith.constant 0 : i32
    return %arg0, %c0_i32 : i32, i32
  }
  func.func @transform_1(%arg0: i32) -> (i32, i32) {
    %c0_i32 = arith.constant 0 : i32
    %c0_i32_0 = arith.constant 0 : i32
    return %arg0, %c0_i32 : i32, i32
  }
  func.func @transform_2(%arg0: i32) -> (i32, i32) {
    %c0_i32 = arith.constant 0 : i32
    %c0_i32_0 = arith.constant 0 : i32
    return %arg0, %c0_i32 : i32, i32
  }
  func.func @transform_3(%arg0: i32) -> (i32, i32) {
    %c0_i32 = arith.constant 0 : i32
    %c0_i32_0 = arith.constant 0 : i32
    return %arg0, %c0_i32 : i32, i32
  }
  func.func @transform_4(%arg0: i32) -> (i32, i32) {
    %c0_i32 = arith.constant 0 : i32
    %c0_i32_0 = arith.constant 0 : i32
    %c0_i32_1 = arith.constant 0 : i32
    return %c0_i32, %c0_i32_0 : i32, i32
  }
  func.func @transform_5(%arg0: i32) -> (i32, i32) {
    %c0_i32 = arith.constant 0 : i32
    %c0_i32_0 = arith.constant 0 : i32
    %c0_i32_1 = arith.constant 0 : i32
    return %c0_i32, %c0_i32_0 : i32, i32
  }
  func.func @transform_6(%arg0: i32) -> (i32, i32) {
    %c0_i32 = arith.constant 0 : i32
    %c0_i32_0 = arith.constant 0 : i32
    return %arg0, %c0_i32 : i32, i32
  }
  func.func @transform_7(%arg0: i32) -> (i32, i32) {
    %c0_i32 = arith.constant 0 : i32
    %c0_i32_0 = arith.constant 0 : i32
    return %arg0, %c0_i32 : i32, i32
  }
}

module attributes {stable_mosaic.version = 14 : i64} {
  func.func @body(%arg0: i32, %arg1: memref<1024x128xf32, #tpu.memory_space<vmem>>, %arg2: memref<1024x128xf32, #tpu.memory_space<vmem>>, %arg3: memref<1024x128xf32, #tpu.memory_space<vmem>>, %arg4: memref<1024x128xf32, #tpu.memory_space<vmem>>, %arg5: memref<1x256xf32, #tpu.memory_space<vmem>>, %arg6: memref<256x128xf32, #tpu.memory_space<vmem>>, %arg7: memref<1024x128xf32, #tpu.memory_space<vmem>>, %arg8: memref<1024x128xf32, #tpu.memory_space<vmem>>) attributes {dimension_semantics = [#tpu.dimension_semantics<arbitrary>], iteration_bounds = array<i64: 10>, scalar_prefetch = 0 : i64, scratch_operands = 0 : i64, tpu.core_type = #tpu.core_type<tc>, window_params = [{transform_indices = @transform_0, window_bounds = array<i64: 1024, 128>}, {transform_indices = @transform_1, window_bounds = array<i64: 1024, 128>}, {transform_indices = @transform_2, window_bounds = array<i64: 1024, 128>}, {transform_indices = @transform_3, window_bounds = array<i64: 1024, 128>}, {pipeline_mode = #tpu.pipeline_mode<synchronous>, transform_indices = @transform_4, window_bounds = array<i64: 1, 256>}, {pipeline_mode = #tpu.pipeline_mode<synchronous>, transform_indices = @transform_5, window_bounds = array<i64: 256, 128>}, {transform_indices = @transform_6, window_bounds = array<i64: 1024, 128>}, {transform_indices = @transform_7, window_bounds = array<i64: 1024, 128>}]} {
    %get3A = arith.constant 0 : index
    %get3A_0 = arith.constant 0 : index
    %get3A_1 = vector.load %arg3[%get3A, %get3A_0] : memref<1024x128xf32, #tpu.memory_space<vmem>>, vector<1024x1xf32>
    %get3A_2 = arith.constant 0 : index
    %get3A_3 = arith.constant 0 : index
    %get3A_4 = vector.load %arg4[%get3A_2, %get3A_3] : memref<1024x128xf32, #tpu.memory_space<vmem>>, vector<1024x1xf32>
    %add3A = arith.addf %get3A_1, %get3A_4 : vector<1024x1xf32>
    %add3A_5 = arith.constant 1.000000e+00 : f32
    %add3A_6 = vector.broadcast %add3A_5 : f32 to vector<1024x1xf32>
    %add3A_7 = arith.addf %add3A, %add3A_6 : vector<1024x1xf32>
    %rsqrt3A = math.rsqrt %add3A_7 : vector<1024x1xf32>
    %get3A_8 = arith.constant 0 : index
    %get3A_9 = arith.constant 0 : index
    %get3A_10 = vector.load %arg1[%get3A_8, %get3A_9] : memref<1024x128xf32, #tpu.memory_space<vmem>>, vector<1024x128xf32>
    %get3A_11 = arith.constant 0 : index
    %get3A_12 = arith.constant 0 : index
    %get3A_13 = vector.load %arg2[%get3A_11, %get3A_12] : memref<1024x128xf32, #tpu.memory_space<vmem>>, vector<1024x128xf32>
    %concatenate3A = tpu.concatenate %get3A_10, %get3A_13 in 1 : vector<1024x128xf32>, vector<1024x128xf32> -> vector<1024x256xf32>
    %mul3A = vector.broadcast %rsqrt3A : vector<1024x1xf32> to vector<1024x256xf32>
    %mul3A_14 = arith.mulf %concatenate3A, %mul3A : vector<1024x256xf32>
    %get3A_15 = arith.constant 0 : index
    %get3A_16 = arith.constant 0 : index
    %get3A_17 = vector.load %arg5[%get3A_15, %get3A_16] : memref<1x256xf32, #tpu.memory_space<vmem>>, vector<1x256xf32>
    %add3A_18 = vector.broadcast %get3A_17 : vector<1x256xf32> to vector<1024x256xf32>
    %add3A_19 = arith.addf %mul3A_14, %add3A_18 : vector<1024x256xf32>
    %max3A = arith.constant 0.000000e+00 : f32
    %max3A_20 = vector.broadcast %max3A : f32 to vector<1024x256xf32>
    %max3A_21 = arith.maximumf %add3A_19, %max3A_20 : vector<1024x256xf32>
    %get3A_22 = arith.constant 0 : index
    %get3A_23 = arith.constant 0 : index
    %get3A_24 = vector.load %arg6[%get3A_22, %get3A_23] : memref<256x128xf32, #tpu.memory_space<vmem>>, vector<256x128xf32>
    %dot_general3A = arith.constant dense<0.000000e+00> : vector<1024x128xf32>
    %dot_general3A_25 = tpu.matmul %max3A_21, %get3A_24, %dot_general3A {dimension_numbers = #tpu.dot_dimension_numbers<[1], [0], [0], [1], [0, 0, 1, 1], [], []>, transpose_lhs_hint = false} : vector<1024x256xf32>, vector<256x128xf32>, vector<1024x128xf32> -> vector<1024x128xf32>
    %mul3A_26 = vector.broadcast %rsqrt3A : vector<1024x1xf32> to vector<1024x128xf32>
    %mul3A_27 = arith.mulf %dot_general3A_25, %mul3A_26 : vector<1024x128xf32>
    %swap3A = arith.constant 0 : index
    %swap3A_28 = arith.constant 0 : index
    %swap3A_29 = vector.load %arg7[%swap3A, %swap3A_28] : memref<1024x128xf32, #tpu.memory_space<vmem>>, vector<1024x128xf32>
    tpu.vector_store %arg7[%swap3A, %swap3A_28], %mul3A_27 {strides = array<i32>} : memref<1024x128xf32, #tpu.memory_space<vmem>>, vector<1024x128xf32>,
    %swap3A_30 = arith.constant 0 : index
    %swap3A_31 = arith.constant 0 : index
    %swap3A_32 = vector.load %arg8[%swap3A_30, %swap3A_31] : memref<1024x128xf32, #tpu.memory_space<vmem>>, vector<1024x128xf32>
    tpu.vector_store %arg8[%swap3A_30, %swap3A_31], %mul3A_27 {strides = array<i32>} : memref<1024x128xf32, #tpu.memory_space<vmem>>, vector<1024x128xf32>,
    return
  }
  func.func @transform_0(%arg0: i32) -> (i32, i32) {
    %c0_i32 = arith.constant 0 : i32
    %c0_i32_0 = arith.constant 0 : i32
    return %arg0, %c0_i32 : i32, i32
  }
  func.func @transform_1(%arg0: i32) -> (i32, i32) {
    %c0_i32 = arith.constant 0 : i32
    %c0_i32_0 = arith.constant 0 : i32
    return %arg0, %c0_i32 : i32, i32
  }
  func.func @transform_2(%arg0: i32) -> (i32, i32) {
    %c0_i32 = arith.constant 0 : i32
    %c0_i32_0 = arith.constant 0 : i32
    return %arg0, %c0_i32 : i32, i32
  }
  func.func @transform_3(%arg0: i32) -> (i32, i32) {
    %c0_i32 = arith.constant 0 : i32
    %c0_i32_0 = arith.constant 0 : i32
    return %arg0, %c0_i32 : i32, i32
  }
  func.func @transform_4(%arg0: i32) -> (i32, i32) {
    %c0_i32 = arith.constant 0 : i32
    %c0_i32_0 = arith.constant 0 : i32
    %c0_i32_1 = arith.constant 0 : i32
    return %c0_i32, %c0_i32_0 : i32, i32
  }
  func.func @transform_5(%arg0: i32) -> (i32, i32) {
    %c0_i32 = arith.constant 0 : i32
    %c0_i32_0 = arith.constant 0 : i32
    %c0_i32_1 = arith.constant 0 : i32
    return %c0_i32, %c0_i32_0 : i32, i32
  }
  func.func @transform_6(%arg0: i32) -> (i32, i32) {
    %c0_i32 = arith.constant 0 : i32
    %c0_i32_0 = arith.constant 0 : i32
    return %arg0, %c0_i32 : i32, i32
  }
  func.func @transform_7(%arg0: i32) -> (i32, i32) {
    %c0_i32 = arith.constant 0 : i32
    %c0_i32_0 = arith.constant 0 : i32
    return %arg0, %c0_i32 : i32, i32
  }
}

module attributes {stable_mosaic.version = 14 : i64} {
  func.func @body(%arg0: i32, %arg1: memref<1024x128xf32, #tpu.memory_space<vmem>>, %arg2: memref<1024x128xf32, #tpu.memory_space<vmem>>, %arg3: memref<1024x128xf32, #tpu.memory_space<vmem>>, %arg4: memref<1024x128xf32, #tpu.memory_space<vmem>>, %arg5: memref<1024x128xf32, #tpu.memory_space<vmem>>, %arg6: memref<1x16xf32, #tpu.memory_space<vmem>>, %arg7: memref<1024x16xf32, #tpu.memory_space<vmem>>) attributes {dimension_semantics = [#tpu.dimension_semantics<arbitrary>], iteration_bounds = array<i64: 10>, scalar_prefetch = 0 : i64, scratch_operands = 0 : i64, tpu.core_type = #tpu.core_type<tc>, window_params = [{transform_indices = @transform_0, window_bounds = array<i64: 1024, 128>}, {transform_indices = @transform_1, window_bounds = array<i64: 1024, 128>}, {transform_indices = @transform_2, window_bounds = array<i64: 1024, 128>}, {transform_indices = @transform_3, window_bounds = array<i64: 1024, 128>}, {transform_indices = @transform_4, window_bounds = array<i64: 1024, 128>}, {pipeline_mode = #tpu.pipeline_mode<synchronous>, transform_indices = @transform_5, window_bounds = array<i64: 1, 16>}, {transform_indices = @transform_6, window_bounds = array<i64: 1024, 16>}]} {
    %get3A = arith.constant 0 : index
    %get3A_0 = arith.constant 0 : index
    %get3A_1 = vector.load %arg4[%get3A, %get3A_0] : memref<1024x128xf32, #tpu.memory_space<vmem>>, vector<1024x1xf32>
    %get3A_2 = arith.constant 0 : index
    %get3A_3 = arith.constant 0 : index
    %get3A_4 = vector.load %arg5[%get3A_2, %get3A_3] : memref<1024x128xf32, #tpu.memory_space<vmem>>, vector<1024x1xf32>
    %add3A = arith.addf %get3A_1, %get3A_4 : vector<1024x1xf32>
    %add3A_5 = arith.constant 1.000000e+00 : f32
    %add3A_6 = vector.broadcast %add3A_5 : f32 to vector<1024x1xf32>
    %add3A_7 = arith.addf %add3A, %add3A_6 : vector<1024x1xf32>
    %rsqrt3A = math.rsqrt %add3A_7 : vector<1024x1xf32>
    %get3A_8 = arith.constant 0 : index
    %get3A_9 = arith.constant 0 : index
    %get3A_10 = vector.load %arg1[%get3A_8, %get3A_9] : memref<1024x128xf32, #tpu.memory_space<vmem>>, vector<1024x16xf32>
    %get3A_11 = arith.constant 0 : index
    %get3A_12 = arith.constant 0 : index
    %get3A_13 = vector.load %arg2[%get3A_11, %get3A_12] : memref<1024x128xf32, #tpu.memory_space<vmem>>, vector<1024x16xf32>
    %add3A_14 = arith.addf %get3A_10, %get3A_13 : vector<1024x16xf32>
    %get3A_15 = arith.constant 0 : index
    %get3A_16 = arith.constant 0 : index
    %get3A_17 = vector.load %arg3[%get3A_15, %get3A_16] : memref<1024x128xf32, #tpu.memory_space<vmem>>, vector<1024x16xf32>
    %sub3A = arith.subf %add3A_14, %get3A_17 : vector<1024x16xf32>
    %mul3A = vector.broadcast %rsqrt3A : vector<1024x1xf32> to vector<1024x16xf32>
    %mul3A_18 = arith.mulf %sub3A, %mul3A : vector<1024x16xf32>
    %get3A_19 = arith.constant 0 : index
    %get3A_20 = arith.constant 0 : index
    %get3A_21 = vector.load %arg6[%get3A_19, %get3A_20] : memref<1x16xf32, #tpu.memory_space<vmem>>, vector<1x16xf32>
    %add3A_22 = vector.broadcast %get3A_21 : vector<1x16xf32> to vector<1024x16xf32>
    %add3A_23 = arith.addf %mul3A_18, %add3A_22 : vector<1024x16xf32>
    %reduce_max3A = arith.constant dense<0xFF800000> : vector<1024xf32>
    %reduce_max3A_24 = vector.multi_reduction <maximumf>, %add3A_23, %reduce_max3A [1] : vector<1024x16xf32> to vector<1024xf32>
    %broadcast_in_dim3A = vector.shape_cast %reduce_max3A_24 : vector<1024xf32> to vector<1024x1xf32>
    %sub3A_25 = vector.broadcast %broadcast_in_dim3A : vector<1024x1xf32> to vector<1024x16xf32>
    %sub3A_26 = arith.subf %add3A_23, %sub3A_25 : vector<1024x16xf32>
    %exp3A = math.exp %sub3A_26 : vector<1024x16xf32>
    %reduce_sum3A = arith.constant dense<0.000000e+00> : vector<1024xf32>
    %reduce_sum3A_27 = vector.multi_reduction <add>, %exp3A, %reduce_sum3A [1] : vector<1024x16xf32> to vector<1024xf32>
    %broadcast_in_dim3A_28 = vector.shape_cast %reduce_sum3A_27 : vector<1024xf32> to vector<1024x1xf32>
    %log3A = math.log %broadcast_in_dim3A_28 : vector<1024x1xf32>
    %add3A_29 = arith.addf %log3A, %broadcast_in_dim3A : vector<1024x1xf32>
    %sub3A_30 = vector.broadcast %add3A_29 : vector<1024x1xf32> to vector<1024x16xf32>
    %sub3A_31 = arith.subf %add3A_23, %sub3A_30 : vector<1024x16xf32>
    %swap3A = arith.constant 0 : index
    %swap3A_32 = arith.constant 0 : index
    %swap3A_33 = vector.load %arg7[%swap3A, %swap3A_32] : memref<1024x16xf32, #tpu.memory_space<vmem>>, vector<1024x16xf32>
    tpu.vector_store %arg7[%swap3A, %swap3A_32], %sub3A_31 {strides = array<i32>} : memref<1024x16xf32, #tpu.memory_space<vmem>>, vector<1024x16xf32>,
    return
  }
  func.func @transform_0(%arg0: i32) -> (i32, i32) {
    %c0_i32 = arith.constant 0 : i32
    %c0_i32_0 = arith.constant 0 : i32
    return %arg0, %c0_i32 : i32, i32
  }
  func.func @transform_1(%arg0: i32) -> (i32, i32) {
    %c0_i32 = arith.constant 0 : i32
    %c0_i32_0 = arith.constant 0 : i32
    return %arg0, %c0_i32 : i32, i32
  }
  func.func @transform_2(%arg0: i32) -> (i32, i32) {
    %c0_i32 = arith.constant 0 : i32
    %c0_i32_0 = arith.constant 0 : i32
    return %arg0, %c0_i32 : i32, i32
  }
  func.func @transform_3(%arg0: i32) -> (i32, i32) {
    %c0_i32 = arith.constant 0 : i32
    %c0_i32_0 = arith.constant 0 : i32
    return %arg0, %c0_i32 : i32, i32
  }
  func.func @transform_4(%arg0: i32) -> (i32, i32) {
    %c0_i32 = arith.constant 0 : i32
    %c0_i32_0 = arith.constant 0 : i32
    return %arg0, %c0_i32 : i32, i32
  }
  func.func @transform_5(%arg0: i32) -> (i32, i32) {
    %c0_i32 = arith.constant 0 : i32
    %c0_i32_0 = arith.constant 0 : i32
    %c0_i32_1 = arith.constant 0 : i32
    return %c0_i32, %c0_i32_0 : i32, i32
  }
  func.func @transform_6(%arg0: i32) -> (i32, i32) {
    %c0_i32 = arith.constant 0 : i32
    %c0_i32_0 = arith.constant 0 : i32
    return %arg0, %c0_i32 : i32, i32
  }
}

</mosaic_0001>

<sc_bundles>
// kernel: kernel.11.cloned.1.call-start
scs
__scs_entry_jumppad:
0x0: {  	(pc) =	sbr.rel $0x88, $3  }
0x1: {  	(tag) =	ssettag $0x0;
	lr =	simm.s32 $0x1  }
0x2: {  	[smem:$0x3F99] =	sst lr;
	_ =	strace $0xD0000000  }
0x3: {  	_ = 	snop  }
0x4: {  	_ = 	snop  }
0x5: {  	_ = 	snop  }
0x6: {  	_ = 	snop  }
0x7: {  	_ = 	snop  }
__scs_overlays_trampoline_lowered:
0x8: {  	[smem:$0x3FA8] =	sst s0  }
0x9: {  	[smem:$0x3FA9] =	sst s1  }
0xa: {  	[smem:$0x3FAA] =	sst s2  }
0xb: {  	[smem:$0x3FAB] =	sst s3  }
0xc: {  	[smem:$0x3FAC] =	sst s4  }
0xd: {  	[smem:$0x3FAD] =	sst s5  }
0xe: {  	[smem:$0x3FAE] =	sst s6  }
0xf: {  	[smem:$0x3FAF] =	sst s7  }
0x10: {  	[smem:$0x3FB0] =	sst s8  }
0x11: {  	[smem:$0x3FB1] =	sst s9;
	s0 =	simm.s32 @!p0 $0x0  }
0x12: {  	s1 =	sld [smem:$0x3F97];
	s0 =	simm.s32 @p0 $0x1  }
0x13: {  	[smem:$0x3FB2] =	sst s0;
	s0 =	simm.s32 @!p1 $0x0  }
0x14: {  	s2 =	sld [smem:$0x3F96];
	s0 =	simm.s32 @p1 $0x1  }
0x15: {  	[smem:$0x3FB3] =	sst s0;
	s0 =	simm.s32 @!p2 $0x0  }
0x16: {  	s3 =	sld [smem:$0x3FDB];
	s0 =	simm.s32 @p2 $0x1  }
0x17: {  	s4 =	simm.s32 $0x1BF5;
	[smem:$0x3FB5] =	sst s0  }
0x18: {  	s0 =	sld [smem:$0x3F98];
	_ =	swait.ge [sflag:s4], $0x0  }
0x19: {  	s7 =	sld [smem:$0x3F99]  }
0x1a: {  	s8 =	sadd.s32 $0xFFFFE003, lr  }
0x1b: {  	s9 =	sadd.s32 $0xFFFFFEF7, lr;
	s5 =	simm.s32 $0xFFFFFFFF;
	p2 =	slt.u32 s8, $0xFFFFF086  }
0x1c: {  	p1 =	slt.u32 s9, $0xF7A;
	s5 =	simm.s32 @!p2 $0x0  }
0x1d: {  	s5 =	simm.s32 @p1 $0x1;
	p0 =	seq.s32 s7, s2  }
0x1e: {  	s7 =	smul.u32 @!p0 $0xF7A, s2;
	p2 =	seq.s32 @!p0 s5, $0x0  }
0x1f: {  	s9 =	smul.u32 $0xF7A, s1;
	s8 =	simm.s32 @!p0 $0x1BF5;
	p2 =	por !p2, p0  }
0x20: {  	[sflag:s8] =	ssyncset.s32 @!p0 $0xFFFFF086;
	s6 =	sadd.s32 @!p0 s3, s7;
	s7 =	simm.s32 @!p0 $0x108  }
0x21: {  	s3 =	sadd.s32 s3, s9;
	s6 =	sadd.s32 @!p0 $0x88, s6;
	s7 =	simm.s32 @p2 $0x1082  }
0x22: {  	[simem:s7], [sflag:s8] =	dma.local @!p0 [hbm:s6], $0xF7A  }
0x23: {  	s9 =	sor.u32 $0xD0000000, s2;
	s6 =	simm.s32 $0x108;
	_ =	swait.ge @!p0 [sflag:s8], $0x0  }
0x24: {  	s3 =	sadd.s32 $0x88, s3;
	s6 =	simm.s32 @!p1 $0x1082;
	[sflag:s4] =	ssyncset.s32 $0xFFFFF086  }
0x25: {  	[simem:s6], [sflag:s4] =	dma.local [hbm:s3], $0xF7A  }
0x26: {  	[smem:$0x3F99] =	sst s1;
	(tag) =	ssettag s2;
	_ =	strace s9  }
0x27: {  	s1 =	sld [smem:$0x3FA9]  }
0x28: {  	s2 =	sld [smem:$0x3FAA]  }
0x29: {  	s4 =	sld [smem:$0x3FAC]  }
0x2a: {  	p0 =	seq.s32 s5, $0x0;
	s5 =	sld [smem:$0x3FAD]  }
0x2b: {  	s6 =	sld [smem:$0x3FAE]  }
0x2c: {  	s7 =	sld [smem:$0x3FAF]  }
0x2d: {  	s3 =	simm.s32 $0x108;
	s8 =	sld [smem:$0x3FB0]  }
0x2e: {  	s3 =	simm.s32 @!p0 $0x1082;
	s9 =	sld [smem:$0x3FB1]  }
0x2f: {  	lr =	sadd.s32 s0, s3;
	s0 =	sld [smem:$0x3FA8]  }
0x30: {  	s3 =	sld [smem:$0x3FAB]  }
0x31: {  	[smem:$0x3FB4] =	sst s10  }
0x32: {  	s10 =	sld [smem:$0x3FB2];
	_ =	sdelay $0x3  }
0x33: {  	p0 =	seq.s32 s10, $0x1;
	s10 =	sld [smem:$0x3FB4];
	_ =	sdelay $0x3  }
0x34: {  	[smem:$0x3FB4] =	sst s10  }
0x35: {  	s10 =	sld [smem:$0x3FB3];
	_ =	sdelay $0x3  }
0x36: {  	p1 =	seq.s32 s10, $0x1;
	s10 =	sld [smem:$0x3FB4];
	_ =	sdelay $0x3  }
0x37: {  	[smem:$0x3FB4] =	sst s10  }
0x38: {  	s10 =	sld [smem:$0x3FB5]  }
0x39: {  	_ = 	snop;
	(pc) =	sbr.ind lr, $3  }
0x3a: {  	_ = 	snop  }
0x3b: {  	_ = 	snop  }
0x3c: {  	p2 =	seq.s32 s10, $0x1;
	s10 =	sld [smem:$0x3FB4]  }
0x3d: {  	_ =	shalt  }
0x3e: {  	_ =	shalt  }
0x3f: {  	_ =	shalt  }
0x40: {  	_ =	shalt  }
0x41: {  	_ =	shalt  }
0x42: {  	_ =	shalt  }
0x43: {  	_ =	shalt  }
0x44: {  	_ =	shalt  }
0x45: {  	_ =	shalt  }
0x46: {  	_ =	shalt  }
0x47: {  	_ =	shalt  }
0x48: {  	_ =	shalt  }
0x49: {  	_ =	shalt  }
0x4a: {  	_ =	shalt  }
0x4b: {  	_ =	shalt  }
0x4c: {  	_ =	shalt  }
0x4d: {  	_ =	shalt  }
0x4e: {  	_ =	shalt  }
0x4f: {  	_ =	shalt  }
0x50: {  	_ =	shalt  }
0x51: {  	_ =	shalt  }
0x52: {  	_ =	shalt  }
0x53: {  	_ =	shalt  }
0x54: {  	_ =	shalt  }
0x55: {  	_ =	shalt  }
0x56: {  	_ =	shalt  }
0x57: {  	_ =	shalt  }
0x58: {  	_ =	shalt  }
0x59: {  	_ =	shalt  }
0x5a: {  	_ =	shalt  }
0x5b: {  	_ =	shalt  }
0x5c: {  	_ =	shalt  }
0x5d: {  	_ =	shalt  }
0x5e: {  	_ =	shalt  }
0x5f: {  	_ =	shalt  }
0x60: {  	_ =	shalt  }
0x61: {  	_ =	shalt  }
0x62: {  	_ =	shalt  }
0x63: {  	_ =	shalt  }
0x64: {  	_ =	shalt  }
0x65: {  	_ =	shalt  }
0x66: {  	_ =	shalt  }
0x67: {  	_ =	shalt  }
0x68: {  	_ =	shalt  }
0x69: {  	_ =	shalt  }
0x6a: {  	_ =	shalt  }
0x6b: {  	_ =	shalt  }
0x6c: {  	_ =	shalt  }
0x6d: {  	_ =	shalt  }
0x6e: {  	_ =	shalt  }
0x6f: {  	_ =	shalt  }
0x70: {  	_ =	shalt  }
0x71: {  	_ =	shalt  }
0x72: {  	_ =	shalt  }
0x73: {  	_ =	shalt  }
0x74: {  	_ =	shalt  }
0x75: {  	_ =	shalt  }
0x76: {  	_ =	shalt  }
0x77: {  	_ =	shalt  }
0x78: {  	_ =	shalt  }
0x79: {  	_ =	shalt  }
0x7a: {  	_ =	shalt  }
0x7b: {  	_ =	shalt  }
0x7c: {  	_ =	shalt  }
0x7d: {  	_ =	shalt  }
0x7e: {  	_ =	shalt  }
0x7f: {  	_ =	shalt  }
0x80: {  	_ =	shalt  }
0x81: {  	_ =	shalt  }
0x82: {  	_ =	shalt  }
0x83: {  	_ =	shalt  }
0x84: {  	_ =	shalt  }
0x85: {  	_ =	shalt  }
0x86: {  	_ =	shalt  }
0x87: {  	_ =	shalt  }
.Lfunc_end0:
.L_simem_size_0:
called_computation_lowered:
.L_overlay_start_0:
0x88: {  	s2 =	sld [smem:$0x3FD9]  }
0x89: {  	s3 =	sld [smem:$0x3FFE];
	_ =	sdelay $0x1  }
0x8a: {  	s1 =	srdreg.scid  }
0x8b: {  	s0 =	sand.u32 $0x1, s1  }
0x8c: {  	s17 =	sshll.u32 s0, $0xA;
	s2 =	sadd.s32 s3, s2  }
0x8d: {  	s2 =	sadd.s32 s2, s17  }
0x8e: {  	[smem:$0x3FC0] =	sst s2  }
0x8f: {  	_ = 	snop  }
0x90: {  	s2 =	sld [smem:$0x3FD0];
	(tm) =	ssettm $0x1  }
0x91: {  	s18 =	sld [smem:$0x3FFB];
	_ =	sdelay $0x3  }
0x92: {  	_ =	strace s18  }
0x93: {  	s3 =	sld [smem:$0x3FFC];
	_ =	sdelay $0x3  }
0x94: {  	_ =	strace s3  }
0x95: {  	s3 =	sld [smem:$0x3FFD];
	_ =	sdelay $0x3  }
0x96: {  	_ =	strace s3  }
0x97: {  	_ =	strace $0x8FFFFFFF  }
0x98: {  	s19 =	sld [smem:$0x3FDB];
	_ =	sdelay $0x1  }
0x99: {  	s4 =	simm.s32 $_scs_section_size  }
0x9a: {  	s5 =	simm.s32 $_size__tile_overlayer_lowered;
	s6 =	simm.s32 $_tile_overlayer_lowered  }
0x9b: {  	s22 =	simm.s32 $0x1BFF;
	s21 =	sshll.u32 s6, $0x1;
	s3 =	sadd.s32 s4, s19  }
0x9c: {  	s7 =	simm.s32 $0x0;
	s20 =	sshll.u32 s5, $0x1;
	s5 =	sadd.s32 s21, s3  }
0x9d: {  	[timem:s7], [sflag:s22] =	dma.local [hbm:s5], s20  }
0x9e: {  	_ =	swait.ge [sflag:s22], s20  }
0x9f: {  	s4 =	ssub.s32 $0x0, s20;
	[sflag:s22] =	ssyncset.done $0x0  }
0xa0: {  	[sflag:s22] =	ssyncadd.s32 s4;
	_ =	sdelay $0x1  }
0xa1: {  	s23 =	simm.s32 $0x1B8B  }
0xa2: {  	_ =	swait.ge [sflag:s23], $0x1  }
0xa3: {  	[sflag:s23] =	ssyncset.done $0x0  }
0xa4: {  	s25 =	simm.s32 $0x1B8E;
	s24 =	sld [smem:$0x3FFE];
	[sflag:s23] =	ssyncadd.s32 $0xFFFFFFFF  }
0xa5: {  	s26 =	simm.s32 $execute0_lowered;
	[smem:$0x3FD2] =	sst s25  }
0xa6: {  	s5 =	sshll.u32 s26, $0x1;
	_ =	strace $0x80000046;
	[dreg:$0x1] =	wrdreg $0xFFFFFFFF  }
0xa7: {  	s28 =	simm.s32 $_size_execute0_lowered;
	s3 =	sadd.s32 s3, s5;
	[dreg:$0x0] =	wrdreg $0x0  }
0xa8: {  	s5 =	sshll.u32 s28, $0x1;
	[dreg:$0x2] =	wrdreg s3  }
0xa9: {  	[dreg:$0x3] =	wrdreg s5  }
0xaa: {  	[dreg:$0x4] =	wrdreg $0xC0  }
0xab: {  	_ =	task [dreg:s7], $0x5FFFF  }
0xac: {  	[dreg:$0x1] =	wrdreg $0xFFFFFFFF  }
0xad: {  	[dreg:$0x0] =	wrdreg $0x60  }
0xae: {  	[dreg:$0x2] =	wrdreg s24  }
0xaf: {  	[dreg:$0x3] =	wrdreg s2  }
0xb0: {  	[dreg:$0x4] =	wrdreg $0x54000  }
0xb1: {  	[dreg:$0x5] =	wrdreg $0x9  }
0xb2: {  	_ =	task.clear_ibuf [dreg:s7], $0x6FFFF;
	_ =	strace $0x90000046  }
0xb3: {  	s29 =	simm.s32 $0x9;
	_ =	strace $0x80000048  }
0xb4: {  	_ =	swait.ge [sflag:s29], $0x1  }
0xb5: {  	[sflag:s29] =	ssyncadd.s32 $0xFFFFFFFF  }
0xb6: {  	_ =	strace $0x90000048  }
0xb7: {  	_ =	sfence  }
0xb8: {  	s30 =	sld [smem:$0x0];
	_ =	sdelay $0x2  }
0xb9: {  	s31 =	sshll.u32 s1, $0xD;
	s1 =	sshrl.u32 s1, $0x2  }
0xba: {  	s3 =	sand.u32 $0x4000, s31;
	s1 =	sadd.s32 s1, s30  }
0xbb: {  	s0 =	sor.u32 s3, s0;
	s1 =	sshll.u32 s1, $0x11  }
0xbc: {  	s0 =	sor.u32 s1, s0  }
0xbd: {  	s0 =	sadd.s32 $0x8F2B, s0  }
0xbe: {  	[sflag:s0] =	ssyncadd.remote.s32 $0x1  }
0xbf: {  	_ =	sfence.sel $0xFFFF  }
0xc0: {  	[dreg:$0x0] =	wrdreg $0xFFFFFFFF;
	(pc) =	sbr.abs _section_cstart, $3  }
0xc1: {  	[dreg:$0x1] =	wrdreg $0xFFFFFFFF  }
0xc2: {  	_ =	task.clear_ibuf [dreg:s7], $0x2FFFF;
	_ =	strace $0x9FFFFFFF  }
0xc3: {  	(tm) =	ssettm $0x7FFFFFFF  }
tec
execute0_lowered:
.L_overlay_start_1:
0x0: {  	(tag) =	ssettag $0x1  }
0x1: {  	s0 =	srdreg.scid;
	s1 =	rddreg [dreg:$0x0]  }
0x2: {  	s10 =	stileid.u32;
	s3 =	rddreg [dreg:$0x2];
	s4 =	simm.s32 $0x0  }
0x3: {  	s9 =	simm.s32 $0x2;
	s17 =	simm.s32 $0x80;
	s28 =	simm.s32 $0xD80  }
0x4: {  	s29 =	simm.s32 $0xE00;
	s30 =	simm.s32 $0xE80;
	s31 =	simm.s32 $0xF00  }
0x5: {  	s18 =	simm.s32 $0x1100;
	s19 =	simm.s32 $0x1180;
	s20 =	simm.s32 $0x1200  }
0x6: {  	s21 =	simm.s32 $0x1280;
	s22 =	simm.s32 $0x1300;
	s5 =	smul.u32 $0x50000, s10  }
0x7: {  	s0 =	sand.u32 $0x1, s0;
	[smem:$0x7FF] =	sst s4;
	s25 =	smul.u32 $0x2800, s10  }
0x8: {  	s26 =	sshll.u32 s10, $0x6;
	s2 =	sshll.u32 s0, $0x4;
	_ =	strace $0x80000047  }
0x9: {  	s6 =	ssub.s32 $0x2, s0;
	p0 =	seq.s32 s0, $0x1;
	s0 =	simm.s32 $0x37000  }
0xa: {  	s11 =	sor.u32 $0x1C02, s26;
	s2 =	sor.u32 s10, s2;
	s7 =	sshrl.u32 s5, $0x2  }
0xb: {  	s5 =	sadd.s32 $0xE800, s1;
	s8 =	sshrl.u32 s6, $0x1;
	s0 =	simm.s32 @!p0 $0xF000  }
0xc: {  	s10 =	simm.s32 $0x1400;
	s2 =	smul.u32 $0x280, s2;
	s12 =	sadd.s32 s7, s3  }
0xd: {  	s23 =	ssub.s32 s6, s8;
	s0 =	sadd.s32 s0, s1;
	s24 =	sadd.s32 $0x4000, s12  }
0xe: {  	s14 =	sadd.s32 $0x8000, s12;
	s15 =	sadd.s32 $0xC000, s12;
	s16 =	sadd.s32 $0x10000, s12  }
0xf: {  	s7 =	smax.u32 s23, $0x1;
	s8 =	sadd.s32 s0, s25;
	s12 =	sshrl.u32 s12, $0x3  }
0x10: {  	s0 =	simm.s32 $0x1000;
	s23 =	simm.s32 $0x1380;
	s25 =	simm.s32 $0x0  }
0x11: {  	s2 =	sadd.s32 s2, s1;
	s13 =	sshrl.u32 s24, $0x3;
	s14 =	sshrl.u32 s14, $0x3  }
0x12: {  	s15 =	sshrl.u32 s15, $0x3;
	s16 =	sshrl.u32 s16, $0x3;
	s1 =	simm.s32 $0xF80  }
0x13: {  	s24 =	simm.s32 $0x1;
	s6 =	sadd.s32 $0x4800, s2;
	s2 =	simm.s32 $0x1080  }
.LBB2_1:
0x14: {  	[tilespmem:s4], [sflag:$0x2] =	stream.linear.gather [hbm4b:s6+s4], $0x1400, $0x38;
	[tilespmem:$0x19400] =	vst v63  }
0x15: {  	_ =	swait.ge [sflag:s9], $0x1400  }
0x16: {  	[sflag:s9] =	ssyncset.done $0x0  }
0x17: {  	[sflag:s9] =	ssyncadd.s32 $0xFFFFEC00  }
0x18: {  	s26 =	rddreg [dreg:$0x1]  }
0x19: {  	[tilespmem:s10], [sflag:$0x2] =	stream.linear.gather [hbm4b:s26+s4], $0x4000, $0x38;
	[tilespmem:$0x19400] =	vst v63  }
0x1a: {  	_ =	swait.ge [sflag:s9], $0x4000  }
0x1b: {  	[sflag:s9] =	ssyncset.done $0x0  }
0x1c: {  	[sflag:s9] =	ssyncadd.s32 $0xFFFFC000  }
0x1d: {  	[spmem:s12], [sflag:s11] =	dma.local [hbm:s5], $0x800  }
0x1e: {  	_ =	swait.ge [sflag:s9], $0x800  }
0x1f: {  	[sflag:s9] =	ssyncset.done $0x0  }
0x20: {  	[sflag:s9] =	ssyncadd.s32 $0xFFFFF800  }
0x21: {  	[spmem:s13], [sflag:s11] =	dma.local [hbm:s5], $0x800  }
0x22: {  	_ =	swait.ge [sflag:s9], $0x800  }
0x23: {  	[sflag:s9] =	ssyncset.done $0x0  }
0x24: {  	[sflag:s9] =	ssyncadd.s32 $0xFFFFF800  }
0x25: {  	[spmem:s14], [sflag:s11] =	dma.local [hbm:s5], $0x800  }
0x26: {  	_ =	swait.ge [sflag:s9], $0x800  }
0x27: {  	[sflag:s9] =	ssyncset.done $0x0  }
0x28: {  	[sflag:s9] =	ssyncadd.s32 $0xFFFFF800  }
0x29: {  	[spmem:s15], [sflag:s11] =	dma.local [hbm:s5], $0x800  }
0x2a: {  	_ =	swait.ge [sflag:s9], $0x800  }
0x2b: {  	[sflag:s9] =	ssyncset.done $0x0  }
0x2c: {  	[sflag:s9] =	ssyncadd.s32 $0xFFFFF800  }
0x2d: {  	[spmem:s16], [sflag:s11] =	dma.local [hbm:s5], $0x800  }
0x2e: {  	_ =	swait.ge [sflag:s9], $0x800  }
0x2f: {  	[sflag:s9] =	ssyncset.done $0x0  }
0x30: {  	[sflag:s9] =	ssyncadd.s32 $0xFFFFF800  }
0x31: {  	[bflag:$0x0] =	sbarrier.arrive $0xFFFF  }
0x32: {  	[spmem:s3] =	stream.indirect.scatter.add.f32 [tilespmem:s10], [sflag:$0x1], $0x80, s4, s17, $0xb8;
	[tilespmem:$0x19400] =	vst v63  }
0x33: {  	_ = 	snop  }
0x34: {  	[spmem:s3] =	stream.indirect.scatter.add.f32 [tilespmem:s10], [sflag:$0x1], $0x80, s17, s17, $0xb8;
	[tilespmem:$0x19400] =	vst v63  }
0x35: {  	s26 =	simm.s32 $0x100  }
0x36: {  	[spmem:s3] =	stream.indirect.scatter.add.f32 [tilespmem:s10], [sflag:$0x1], $0x80, s26, s17, $0xb8;
	[tilespmem:$0x19400] =	vst v63  }
0x37: {  	s26 =	simm.s32 $0x180  }
0x38: {  	[spmem:s3] =	stream.indirect.scatter.add.f32 [tilespmem:s10], [sflag:$0x1], $0x80, s26, s17, $0xb8;
	[tilespmem:$0x19400] =	vst v63  }
0x39: {  	s26 =	simm.s32 $0x200  }
0x3a: {  	[spmem:s3] =	stream.indirect.scatter.add.f32 [tilespmem:s10], [sflag:$0x1], $0x80, s26, s17, $0xb8;
	[tilespmem:$0x19400] =	vst v63  }
0x3b: {  	s26 =	simm.s32 $0x280  }
0x3c: {  	[spmem:s3] =	stream.indirect.scatter.add.f32 [tilespmem:s10], [sflag:$0x1], $0x80, s26, s17, $0xb8;
	[tilespmem:$0x19400] =	vst v63  }
0x3d: {  	s26 =	simm.s32 $0x300  }
0x3e: {  	[spmem:s3] =	stream.indirect.scatter.add.f32 [tilespmem:s10], [sflag:$0x1], $0x80, s26, s17, $0xb8;
	[tilespmem:$0x19400] =	vst v63  }
0x3f: {  	s26 =	simm.s32 $0x380  }
0x40: {  	[spmem:s3] =	stream.indirect.scatter.add.f32 [tilespmem:s10], [sflag:$0x1], $0x80, s26, s17, $0xb8;
	[tilespmem:$0x19400] =	vst v63  }
0x41: {  	s26 =	simm.s32 $0x400  }
0x42: {  	[spmem:s3] =	stream.indirect.scatter.add.f32 [tilespmem:s10], [sflag:$0x1], $0x80, s26, s17, $0xb8;
	[tilespmem:$0x19400] =	vst v63  }
0x43: {  	s26 =	simm.s32 $0x480  }
0x44: {  	[spmem:s3] =	stream.indirect.scatter.add.f32 [tilespmem:s10], [sflag:$0x1], $0x80, s26, s17, $0xb8;
	[tilespmem:$0x19400] =	vst v63  }
0x45: {  	s26 =	simm.s32 $0x500  }
0x46: {  	[spmem:s3] =	stream.indirect.scatter.add.f32 [tilespmem:s10], [sflag:$0x1], $0x80, s26, s17, $0xb8;
	[tilespmem:$0x19400] =	vst v63  }
0x47: {  	s26 =	simm.s32 $0x580  }
0x48: {  	[spmem:s3] =	stream.indirect.scatter.add.f32 [tilespmem:s10], [sflag:$0x1], $0x80, s26, s17, $0xb8;
	[tilespmem:$0x19400] =	vst v63  }
0x49: {  	s26 =	simm.s32 $0x600  }
0x4a: {  	[spmem:s3] =	stream.indirect.scatter.add.f32 [tilespmem:s10], [sflag:$0x1], $0x80, s26, s17, $0xb8;
	[tilespmem:$0x19400] =	vst v63  }
0x4b: {  	s26 =	simm.s32 $0x680  }
0x4c: {  	[spmem:s3] =	stream.indirect.scatter.add.f32 [tilespmem:s10], [sflag:$0x1], $0x80, s26, s17, $0xb8;
	[tilespmem:$0x19400] =	vst v63  }
0x4d: {  	s26 =	simm.s32 $0x700  }
0x4e: {  	[spmem:s3] =	stream.indirect.scatter.add.f32 [tilespmem:s10], [sflag:$0x1], $0x80, s26, s17, $0xb8;
	[tilespmem:$0x19400] =	vst v63  }
0x4f: {  	s26 =	simm.s32 $0x780  }
0x50: {  	[spmem:s3] =	stream.indirect.scatter.add.f32 [tilespmem:s10], [sflag:$0x1], $0x80, s26, s17, $0xb8;
	[tilespmem:$0x19400] =	vst v63  }
0x51: {  	s26 =	simm.s32 $0x800  }
0x52: {  	[spmem:s3] =	stream.indirect.scatter.add.f32 [tilespmem:s10], [sflag:$0x1], $0x80, s26, s17, $0xb8;
	[tilespmem:$0x19400] =	vst v63  }
0x53: {  	s26 =	simm.s32 $0x880  }
0x54: {  	[spmem:s3] =	stream.indirect.scatter.add.f32 [tilespmem:s10], [sflag:$0x1], $0x80, s26, s17, $0xb8;
	[tilespmem:$0x19400] =	vst v63  }
0x55: {  	s26 =	simm.s32 $0x900  }
0x56: {  	[spmem:s3] =	stream.indirect.scatter.add.f32 [tilespmem:s10], [sflag:$0x1], $0x80, s26, s17, $0xb8;
	[tilespmem:$0x19400] =	vst v63  }
0x57: {  	s26 =	simm.s32 $0x980  }
0x58: {  	[spmem:s3] =	stream.indirect.scatter.add.f32 [tilespmem:s10], [sflag:$0x1], $0x80, s26, s17, $0xb8;
	[tilespmem:$0x19400] =	vst v63  }
0x59: {  	s26 =	simm.s32 $0xA00  }
0x5a: {  	[spmem:s3] =	stream.indirect.scatter.add.f32 [tilespmem:s10], [sflag:$0x1], $0x80, s26, s17, $0xb8;
	[tilespmem:$0x19400] =	vst v63  }
0x5b: {  	s26 =	simm.s32 $0xA80  }
0x5c: {  	[spmem:s3] =	stream.indirect.scatter.add.f32 [tilespmem:s10], [sflag:$0x1], $0x80, s26, s17, $0xb8;
	[tilespmem:$0x19400] =	vst v63  }
0x5d: {  	s26 =	simm.s32 $0xB00  }
0x5e: {  	[spmem:s3] =	stream.indirect.scatter.add.f32 [tilespmem:s10], [sflag:$0x1], $0x80, s26, s17, $0xb8;
	[tilespmem:$0x19400] =	vst v63  }
0x5f: {  	s26 =	simm.s32 $0xB80  }
0x60: {  	[spmem:s3] =	stream.indirect.scatter.add.f32 [tilespmem:s10], [sflag:$0x1], $0x80, s26, s17, $0xb8;
	[tilespmem:$0x19400] =	vst v63  }
0x61: {  	s26 =	simm.s32 $0xC00  }
0x62: {  	[spmem:s3] =	stream.indirect.scatter.add.f32 [tilespmem:s10], [sflag:$0x1], $0x80, s26, s17, $0xb8;
	[tilespmem:$0x19400] =	vst v63  }
0x63: {  	s26 =	simm.s32 $0xC80  }
0x64: {  	[spmem:s3] =	stream.indirect.scatter.add.f32 [tilespmem:s10], [sflag:$0x1], $0x80, s26, s17, $0xb8;
	[tilespmem:$0x19400] =	vst v63  }
0x65: {  	s26 =	simm.s32 $0xD00  }
0x66: {  	[spmem:s3] =	stream.indirect.scatter.add.f32 [tilespmem:s10], [sflag:$0x1], $0x80, s26, s17, $0xb8;
	[tilespmem:$0x19400] =	vst v63  }
0x67: {  	_ = 	snop  }
0x68: {  	[spmem:s3] =	stream.indirect.scatter.add.f32 [tilespmem:s10], [sflag:$0x1], $0x80, s28, s17, $0xb8;
	[tilespmem:$0x19400] =	vst v63  }
0x69: {  	_ = 	snop  }
0x6a: {  	[spmem:s3] =	stream.indirect.scatter.add.f32 [tilespmem:s10], [sflag:$0x1], $0x80, s29, s17, $0xb8;
	[tilespmem:$0x19400] =	vst v63  }
0x6b: {  	_ = 	snop  }
0x6c: {  	[spmem:s3] =	stream.indirect.scatter.add.f32 [tilespmem:s10], [sflag:$0x1], $0x80, s30, s17, $0xb8;
	[tilespmem:$0x19400] =	vst v63  }
0x6d: {  	_ = 	snop  }
0x6e: {  	[spmem:s3] =	stream.indirect.scatter.add.f32 [tilespmem:s10], [sflag:$0x1], $0x80, s31, s17, $0xb8;
	[tilespmem:$0x19400] =	vst v63  }
0x6f: {  	_ = 	snop  }
0x70: {  	[spmem:s3] =	stream.indirect.scatter.add.f32 [tilespmem:s10], [sflag:$0x1], $0x80, s1, s17, $0xb8;
	[tilespmem:$0x19400] =	vst v63  }
0x71: {  	_ = 	snop  }
0x72: {  	[spmem:s3] =	stream.indirect.scatter.add.f32 [tilespmem:s10], [sflag:$0x1], $0x80, s0, s17, $0xb8;
	[tilespmem:$0x19400] =	vst v63  }
0x73: {  	_ = 	snop  }
0x74: {  	[spmem:s3] =	stream.indirect.scatter.add.f32 [tilespmem:s10], [sflag:$0x1], $0x80, s2, s17, $0xb8;
	[tilespmem:$0x19400] =	vst v63  }
0x75: {  	_ = 	snop  }
0x76: {  	[spmem:s3] =	stream.indirect.scatter.add.f32 [tilespmem:s10], [sflag:$0x1], $0x80, s18, s17, $0xb8;
	[tilespmem:$0x19400] =	vst v63  }
0x77: {  	_ = 	snop  }
0x78: {  	[spmem:s3] =	stream.indirect.scatter.add.f32 [tilespmem:s10], [sflag:$0x1], $0x80, s19, s17, $0xb8;
	[tilespmem:$0x19400] =	vst v63  }
0x79: {  	_ = 	snop  }
0x7a: {  	[spmem:s3] =	stream.indirect.scatter.add.f32 [tilespmem:s10], [sflag:$0x1], $0x80, s20, s17, $0xb8;
	[tilespmem:$0x19400] =	vst v63  }
0x7b: {  	_ = 	snop  }
0x7c: {  	[spmem:s3] =	stream.indirect.scatter.add.f32 [tilespmem:s10], [sflag:$0x1], $0x80, s21, s17, $0xb8;
	[tilespmem:$0x19400] =	vst v63  }
0x7d: {  	_ = 	snop  }
0x7e: {  	[spmem:s3] =	stream.indirect.scatter.add.f32 [tilespmem:s10], [sflag:$0x1], $0x80, s22, s17, $0xb8;
	[tilespmem:$0x19400] =	vst v63  }
0x7f: {  	_ = 	snop  }
0x80: {  	[spmem:s3] =	stream.indirect.scatter.add.f32 [tilespmem:s10], [sflag:$0x1], $0x80, s23, s17, $0xb8;
	[tilespmem:$0x19400] =	vst v63  }
0x81: {  	_ =	swait.ge [sflag:s24], $0x4000  }
0x82: {  	s26 =	simm.s32 $0x27;
	[sflag:s24] =	ssyncset.done $0x0  }
.LBB2_2:
0x83: {  	p0 =	sne.s32 s26, $0x1;
	s26 =	sadd.s32 $0xFFFFFFFF, s26;
	[sflag:s24] =	ssyncadd.s32 $0xFFFFC000  }
.Ltmp0:
0x84: {  	(pc) =	sbr.rel @p0 .LBB2_2-.Ltmp0, $3  }
0x85: {  	_ =	sdelay $0x1  }
0x86: {  	_ =	swait.ge [sflag:s24], $0x4000  }
0x87: {  	[sflag:s24] =	ssyncset.done $0x0  }
0x88: {  	s25 =	sadd.s32 $0x1, s25  }
0x89: {  	[sflag:s24] =	ssyncadd.s32 $0xFFFFC000;
	p0 =	sne.s32 s25, s7  }
.Ltmp1:
0x8a: {  	[bflag:$0x0] =	sbarrier.arrive $0xFFFF;
	(pc) =	sbr.rel @p0 .LBB2_1-.Ltmp1, $4  }
0x8b: {  	[hbm:s8], [sflag:s11] =	dma.local [spmem:s12], $0x2800  }
0x8c: {  	_ =	swait.ge [sflag:s9], $0x2800  }
0x8d: {  	[sflag:s9] =	ssyncset.done $0x0  }
0x8e: {  	[sflag:s9] =	ssyncadd.s32 $0xFFFFD800  }
0x8f: {  	_ =	sfence.sel $0x180000  }
0x90: {  	[bflag:$0x0] =	sbarrier.arrive $0xFFFF  }
0x91: {  	_ =	strace $0x90000047  }
0x92: {  	s0 =	stileid.u32;
	[bflag:$0x2] =	sbarrier.arrive $0xFFFF  }
0x93: {  	p0 =	sne.s32 s0, $0x0;
	s0 =	rddreg [dreg:$0x3]  }
0x94: {  	s0 =	sadd.s32 @!p0 $0x100000, s0  }
0x95: {  	[sflag:s0] =	ssyncadd.tile.s32 @!p0 $0x1;
	_ =	shalt  }
.Lfunc_end2:
_tile_overlayer_lowered:
.L_overlay_start_2:
0x96: {  	(tag) =	ssettag $0x2  }
0x97: {  	s0 =	rddreg [dreg:$0x0];
	s2 =	stileid.u32  }
0x98: {  	s1 =	rddreg [dreg:$0x1];
	p0 =	sne.s32 s2, $0x0  }
0x99: {  	s3 =	rddreg [dreg:$0x2];
	[bflag:$0x3] =	sbarrier.arrive $0xFFFF;
	s2 =	simm.s32 @!p0 $0x1C02  }
0x9a: {  	[timem:s3], [sflag:s2] =	dma.local @!p0 [hbm:s0], s1  }
0x9b: {  	s0 =	simm.s32 @!p0 $0x2  }
0x9c: {  	_ =	swait.ge @!p0 [sflag:s0], s1  }
0x9d: {  	s1 =	ssub.s32 @!p0 $0x0, s1;
	[sflag:s0] =	ssyncset.done @!p0 $0x0  }
0x9e: {  	[sflag:s0] =	ssyncadd.s32 @!p0 s1  }
0x9f: {  	[bflag:$0x3] =	sbarrier.arrive $0xFFFF  }
0xa0: {  	_ =	shalt  }

// kernel: kernel.14.cloned.1.call-start
scs
__scs_entry_jumppad:
0x0: {  	(pc) =	sbr.rel $0x88, $3  }
0x1: {  	(tag) =	ssettag $0x0;
	lr =	simm.s32 $0x1  }
0x2: {  	[smem:$0x3F99] =	sst lr;
	_ =	strace $0xD0000000  }
0x3: {  	_ = 	snop  }
0x4: {  	_ = 	snop  }
0x5: {  	_ = 	snop  }
0x6: {  	_ = 	snop  }
0x7: {  	_ = 	snop  }
__scs_overlays_trampoline_lowered:
0x8: {  	[smem:$0x3FA8] =	sst s0  }
0x9: {  	[smem:$0x3FA9] =	sst s1  }
0xa: {  	[smem:$0x3FAA] =	sst s2  }
0xb: {  	[smem:$0x3FAB] =	sst s3  }
0xc: {  	[smem:$0x3FAC] =	sst s4  }
0xd: {  	[smem:$0x3FAD] =	sst s5  }
0xe: {  	[smem:$0x3FAE] =	sst s6  }
0xf: {  	[smem:$0x3FAF] =	sst s7  }
0x10: {  	[smem:$0x3FB0] =	sst s8  }
0x11: {  	[smem:$0x3FB1] =	sst s9;
	s0 =	simm.s32 @!p0 $0x0  }
0x12: {  	s1 =	sld [smem:$0x3F97];
	s0 =	simm.s32 @p0 $0x1  }
0x13: {  	[smem:$0x3FB2] =	sst s0;
	s0 =	simm.s32 @!p1 $0x0  }
0x14: {  	s2 =	sld [smem:$0x3F96];
	s0 =	simm.s32 @p1 $0x1  }
0x15: {  	[smem:$0x3FB3] =	sst s0;
	s0 =	simm.s32 @!p2 $0x0  }
0x16: {  	s3 =	sld [smem:$0x3FDB];
	s0 =	simm.s32 @p2 $0x1  }
0x17: {  	s4 =	simm.s32 $0x1BF5;
	[smem:$0x3FB5] =	sst s0  }
0x18: {  	s0 =	sld [smem:$0x3F98];
	_ =	swait.ge [sflag:s4], $0x0  }
0x19: {  	s7 =	sld [smem:$0x3F99]  }
0x1a: {  	s8 =	sadd.s32 $0xFFFFE003, lr  }
0x1b: {  	s9 =	sadd.s32 $0xFFFFFEF7, lr;
	s5 =	simm.s32 $0xFFFFFFFF;
	p2 =	slt.u32 s8, $0xFFFFF086  }
0x1c: {  	p1 =	slt.u32 s9, $0xF7A;
	s5 =	simm.s32 @!p2 $0x0  }
0x1d: {  	s5 =	simm.s32 @p1 $0x1;
	p0 =	seq.s32 s7, s2  }
0x1e: {  	s7 =	smul.u32 @!p0 $0xF7A, s2;
	p2 =	seq.s32 @!p0 s5, $0x0  }
0x1f: {  	s9 =	smul.u32 $0xF7A, s1;
	s8 =	simm.s32 @!p0 $0x1BF5;
	p2 =	por !p2, p0  }
0x20: {  	[sflag:s8] =	ssyncset.s32 @!p0 $0xFFFFF086;
	s6 =	sadd.s32 @!p0 s3, s7;
	s7 =	simm.s32 @!p0 $0x108  }
0x21: {  	s3 =	sadd.s32 s3, s9;
	s6 =	sadd.s32 @!p0 $0x88, s6;
	s7 =	simm.s32 @p2 $0x1082  }
0x22: {  	[simem:s7], [sflag:s8] =	dma.local @!p0 [hbm:s6], $0xF7A  }
0x23: {  	s9 =	sor.u32 $0xD0000000, s2;
	s6 =	simm.s32 $0x108;
	_ =	swait.ge @!p0 [sflag:s8], $0x0  }
0x24: {  	s3 =	sadd.s32 $0x88, s3;
	s6 =	simm.s32 @!p1 $0x1082;
	[sflag:s4] =	ssyncset.s32 $0xFFFFF086  }
0x25: {  	[simem:s6], [sflag:s4] =	dma.local [hbm:s3], $0xF7A  }
0x26: {  	[smem:$0x3F99] =	sst s1;
	(tag) =	ssettag s2;
	_ =	strace s9  }
0x27: {  	s1 =	sld [smem:$0x3FA9]  }
0x28: {  	s2 =	sld [smem:$0x3FAA]  }
0x29: {  	s4 =	sld [smem:$0x3FAC]  }
0x2a: {  	p0 =	seq.s32 s5, $0x0;
	s5 =	sld [smem:$0x3FAD]  }
0x2b: {  	s6 =	sld [smem:$0x3FAE]  }
0x2c: {  	s7 =	sld [smem:$0x3FAF]  }
0x2d: {  	s3 =	simm.s32 $0x108;
	s8 =	sld [smem:$0x3FB0]  }
0x2e: {  	s3 =	simm.s32 @!p0 $0x1082;
	s9 =	sld [smem:$0x3FB1]  }
0x2f: {  	lr =	sadd.s32 s0, s3;
	s0 =	sld [smem:$0x3FA8]  }
0x30: {  	s3 =	sld [smem:$0x3FAB]  }
0x31: {  	[smem:$0x3FB4] =	sst s10  }
0x32: {  	s10 =	sld [smem:$0x3FB2];
	_ =	sdelay $0x3  }
0x33: {  	p0 =	seq.s32 s10, $0x1;
	s10 =	sld [smem:$0x3FB4];
	_ =	sdelay $0x3  }
0x34: {  	[smem:$0x3FB4] =	sst s10  }
0x35: {  	s10 =	sld [smem:$0x3FB3];
	_ =	sdelay $0x3  }
0x36: {  	p1 =	seq.s32 s10, $0x1;
	s10 =	sld [smem:$0x3FB4];
	_ =	sdelay $0x3  }
0x37: {  	[smem:$0x3FB4] =	sst s10  }
0x38: {  	s10 =	sld [smem:$0x3FB5]  }
0x39: {  	_ = 	snop;
	(pc) =	sbr.ind lr, $3  }
0x3a: {  	_ = 	snop  }
0x3b: {  	_ = 	snop  }
0x3c: {  	p2 =	seq.s32 s10, $0x1;
	s10 =	sld [smem:$0x3FB4]  }
0x3d: {  	_ =	shalt  }
0x3e: {  	_ =	shalt  }
0x3f: {  	_ =	shalt  }
0x40: {  	_ =	shalt  }
0x41: {  	_ =	shalt  }
0x42: {  	_ =	shalt  }
0x43: {  	_ =	shalt  }
0x44: {  	_ =	shalt  }
0x45: {  	_ =	shalt  }
0x46: {  	_ =	shalt  }
0x47: {  	_ =	shalt  }
0x48: {  	_ =	shalt  }
0x49: {  	_ =	shalt  }
0x4a: {  	_ =	shalt  }
0x4b: {  	_ =	shalt  }
0x4c: {  	_ =	shalt  }
0x4d: {  	_ =	shalt  }
0x4e: {  	_ =	shalt  }
0x4f: {  	_ =	shalt  }
0x50: {  	_ =	shalt  }
0x51: {  	_ =	shalt  }
0x52: {  	_ =	shalt  }
0x53: {  	_ =	shalt  }
0x54: {  	_ =	shalt  }
0x55: {  	_ =	shalt  }
0x56: {  	_ =	shalt  }
0x57: {  	_ =	shalt  }
0x58: {  	_ =	shalt  }
0x59: {  	_ =	shalt  }
0x5a: {  	_ =	shalt  }
0x5b: {  	_ =	shalt  }
0x5c: {  	_ =	shalt  }
0x5d: {  	_ =	shalt  }
0x5e: {  	_ =	shalt  }
0x5f: {  	_ =	shalt  }
0x60: {  	_ =	shalt  }
0x61: {  	_ =	shalt  }
0x62: {  	_ =	shalt  }
0x63: {  	_ =	shalt  }
0x64: {  	_ =	shalt  }
0x65: {  	_ =	shalt  }
0x66: {  	_ =	shalt  }
0x67: {  	_ =	shalt  }
0x68: {  	_ =	shalt  }
0x69: {  	_ =	shalt  }
0x6a: {  	_ =	shalt  }
0x6b: {  	_ =	shalt  }
0x6c: {  	_ =	shalt  }
0x6d: {  	_ =	shalt  }
0x6e: {  	_ =	shalt  }
0x6f: {  	_ =	shalt  }
0x70: {  	_ =	shalt  }
0x71: {  	_ =	shalt  }
0x72: {  	_ =	shalt  }
0x73: {  	_ =	shalt  }
0x74: {  	_ =	shalt  }
0x75: {  	_ =	shalt  }
0x76: {  	_ =	shalt  }
0x77: {  	_ =	shalt  }
0x78: {  	_ =	shalt  }
0x79: {  	_ =	shalt  }
0x7a: {  	_ =	shalt  }
0x7b: {  	_ =	shalt  }
0x7c: {  	_ =	shalt  }
0x7d: {  	_ =	shalt  }
0x7e: {  	_ =	shalt  }
0x7f: {  	_ =	shalt  }
0x80: {  	_ =	shalt  }
0x81: {  	_ =	shalt  }
0x82: {  	_ =	shalt  }
0x83: {  	_ =	shalt  }
0x84: {  	_ =	shalt  }
0x85: {  	_ =	shalt  }
0x86: {  	_ =	shalt  }
0x87: {  	_ =	shalt  }
.Lfunc_end0:
.L_simem_size_0:
called_computation.1_lowered:
.L_overlay_start_0:
0x88: {  	s2 =	sld [smem:$0x3FD9]  }
0x89: {  	s3 =	sld [smem:$0x3FFE];
	_ =	sdelay $0x1  }
0x8a: {  	s1 =	srdreg.scid  }
0x8b: {  	s0 =	sand.u32 $0x1, s1  }
0x8c: {  	s16 =	sshll.u32 s0, $0xA;
	s2 =	sadd.s32 s3, s2  }
0x8d: {  	s2 =	sadd.s32 s2, s16  }
0x8e: {  	[smem:$0x3FC0] =	sst s2  }
0x8f: {  	_ = 	snop  }
0x90: {  	(tm) =	ssettm $0x1  }
0x91: {  	s17 =	sld [smem:$0x3FFB];
	_ =	sdelay $0x3  }
0x92: {  	_ =	strace s17  }
0x93: {  	s2 =	sld [smem:$0x3FFC];
	_ =	sdelay $0x3  }
0x94: {  	_ =	strace s2  }
0x95: {  	s2 =	sld [smem:$0x3FFD];
	_ =	sdelay $0x3  }
0x96: {  	_ =	strace s2  }
0x97: {  	_ =	strace $0x8FFFFFFF  }
0x98: {  	s18 =	sld [smem:$0x3FDB];
	_ =	sdelay $0x1  }
0x99: {  	s19 =	simm.s32 $_scs_section_size  }
0x9a: {  	s4 =	simm.s32 $_size__tile_overlayer_lowered;
	s5 =	simm.s32 $_tile_overlayer_lowered  }
0x9b: {  	s22 =	simm.s32 $0x1BFF;
	s21 =	sshll.u32 s5, $0x1;
	s2 =	sadd.s32 s19, s18  }
0x9c: {  	s6 =	simm.s32 $0x0;
	s20 =	sshll.u32 s4, $0x1;
	s4 =	sadd.s32 s21, s2  }
0x9d: {  	[timem:s6], [sflag:s22] =	dma.local [hbm:s4], s20  }
0x9e: {  	_ =	swait.ge [sflag:s22], s20  }
0x9f: {  	s3 =	ssub.s32 $0x0, s20;
	[sflag:s22] =	ssyncset.done $0x0  }
0xa0: {  	[sflag:s22] =	ssyncadd.s32 s3;
	_ =	sdelay $0x1  }
0xa1: {  	s23 =	simm.s32 $0x1B8B  }
0xa2: {  	_ =	swait.ge [sflag:s23], $0x1  }
0xa3: {  	[sflag:s23] =	ssyncset.done $0x0  }
0xa4: {  	s25 =	simm.s32 $0x1B8E;
	s24 =	sld [smem:$0x3FFE];
	[sflag:s23] =	ssyncadd.s32 $0xFFFFFFFF  }
0xa5: {  	s26 =	simm.s32 $execute0_lowered;
	[smem:$0x3FD2] =	sst s25  }
0xa6: {  	s4 =	sshll.u32 s26, $0x1;
	_ =	strace $0x80000049;
	[dreg:$0x1] =	wrdreg $0xFFFFFFFF  }
0xa7: {  	s28 =	simm.s32 $_size_execute0_lowered;
	s2 =	sadd.s32 s2, s4;
	[dreg:$0x0] =	wrdreg $0x0  }
0xa8: {  	s4 =	sshll.u32 s28, $0x1;
	[dreg:$0x2] =	wrdreg s2  }
0xa9: {  	[dreg:$0x3] =	wrdreg s4  }
0xaa: {  	[dreg:$0x4] =	wrdreg $0xC0  }
0xab: {  	_ =	task [dreg:s6], $0x5FFFF  }
0xac: {  	[dreg:$0x1] =	wrdreg $0xFFFFFFFF  }
0xad: {  	[dreg:$0x0] =	wrdreg $0x60  }
0xae: {  	[dreg:$0x2] =	wrdreg s24  }
0xaf: {  	[dreg:$0x3] =	wrdreg $0xA8000  }
0xb0: {  	[dreg:$0x4] =	wrdreg $0x9  }
0xb1: {  	_ =	task.clear_ibuf [dreg:s6], $0x5FFFF;
	_ =	strace $0x90000049  }
0xb2: {  	s29 =	simm.s32 $0x9;
	_ =	strace $0x8000004B  }
0xb3: {  	_ =	swait.ge [sflag:s29], $0x1  }
0xb4: {  	[sflag:s29] =	ssyncadd.s32 $0xFFFFFFFF  }
0xb5: {  	_ =	strace $0x9000004B  }
0xb6: {  	_ =	sfence  }
0xb7: {  	s30 =	sld [smem:$0x0];
	_ =	sdelay $0x2  }
0xb8: {  	s31 =	sshll.u32 s1, $0xD;
	s1 =	sshrl.u32 s1, $0x2  }
0xb9: {  	s3 =	sand.u32 $0x4000, s31;
	s1 =	sadd.s32 s1, s30  }
0xba: {  	s0 =	sor.u32 s3, s0;
	s1 =	sshll.u32 s1, $0x11  }
0xbb: {  	s0 =	sor.u32 s1, s0  }
0xbc: {  	s0 =	sadd.s32 $0x8F2B, s0  }
0xbd: {  	[sflag:s0] =	ssyncadd.remote.s32 $0x1  }
0xbe: {  	_ =	sfence.sel $0xFFFF  }
0xbf: {  	[dreg:$0x0] =	wrdreg $0xFFFFFFFF;
	(pc) =	sbr.abs _section_cstart, $3  }
0xc0: {  	[dreg:$0x1] =	wrdreg $0xFFFFFFFF  }
0xc1: {  	_ =	task.clear_ibuf [dreg:s6], $0x2FFFF;
	_ =	strace $0x9FFFFFFF  }
0xc2: {  	(tm) =	ssettm $0x7FFFFFFF  }
0xc3: {  	_ =	shalt  }
tec
execute0_lowered:
.L_overlay_start_1:
0x0: {  	(tag) =	ssettag $0x1  }
0x1: {  	s7 =	rddreg [dreg:$0x0]  }
0x2: {  	s1 =	rddreg [dreg:$0x1];
	s2 =	simm.s32 $0x0  }
0x3: {  	s6 =	srdreg.scid;
	s0 =	stileid.u32;
	s19 =	simm.s32 $0x3  }
0x4: {  	s20 =	simm.s32 $0x1400;
	s21 =	simm.s32 $0x80;
	s22 =	simm.s32 $0x2800  }
0x5: {  	s23 =	simm.s32 $0x1;
	s24 =	simm.s32 $0x6800;
	s25 =	simm.s32 $0x2  }
0x6: {  	s26 =	simm.s32 $0x1380;
	s28 =	simm.s32 $0x2700;
	s29 =	simm.s32 $0x2780  }
0x7: {  	[smem:$0x7FF] =	sst s2;
	s4 =	sadd.s32 $0x64000, s7;
	s5 =	sadd.s32 $0x8C000, s7  }
0x8: {  	s14 =	sadd.s32 $0x5F000, s7;
	s9 =	sand.u32 $0x1, s6;
	s15 =	sadd.s32 $0x9800, s7  }
0x9: {  	s10 =	smul.u32 $0x50000, s0;
	s6 =	sadd.s32 $0xB4000, s7;
	s7 =	sadd.s32 $0xDC000, s7  }
0xa: {  	s16 =	smul.u32 $0x500, s0;
	_ =	strace $0x8000004A;
	s8 =	ssub.s32 $0x2, s9  }
0xb: {  	p0 =	seq.s32 s9, $0x1;
	s11 =	sshrl.u32 s8, $0x1;
	s10 =	sshrl.u32 s10, $0x2  }
.Ltmp0:
0xc: {  	s12 =	sadd.s32 s14, s16;
	s13 =	sadd.s32 s15, s16;
	(pc) =	sbr.rel .LBB2_1-.Ltmp0, $4  }
0xd: {  	s16 =	sadd.s32 $0x280, s16;
	s11 =	ssub.s32 s8, s11;
	s8 =	smul.u32 $0x2800, s0  }
0xe: {  	s14 =	sadd.s32 s14, s16;
	s15 =	sadd.s32 s15, s16;
	s16 =	sshll.u32 s0, $0x6  }
0xf: {  	s18 =	sadd.s32 s10, s1;
	s11 =	smax.u32 s11, $0x1;
	s17 =	sor.u32 $0x1C03, s16  }
0x10: {  	s18 =	sshrl.u32 s18, $0x3;
	s9 =	sadd.s32 s4, s8;
	s10 =	sadd.s32 s5, s8  }
.LBB2_11:
0x11: {  	[sflag:s19] =	ssyncadd.s32 $0xFFFFC000  }
0x12: {  	_ =	swait.ge [sflag:s23], $0x4000  }
0x13: {  	[sflag:s23] =	ssyncset.done $0x0  }
0x14: {  	[sflag:s23] =	ssyncadd.s32 $0xFFFFC000  }
0x15: {  	[tilespmem:s24], [sflag:$0x2] =	stream.indirect.gather [hbm4b:s5+s21], $0x80, s26, s21, $0xb8;
	[tilespmem:$0x1E800] =	vst v63  }
0x16: {  	_ = 	snop  }
0x17: {  	[spmem:s1] =	stream.indirect.scatter.add.f32 [tilespmem:s22], [sflag:$0x3], $0x80, s28, s21, $0xb8;
	[tilespmem:$0x1E800] =	vst v63  }
0x18: {  	_ =	swait.ge [sflag:s19], $0x4000  }
0x19: {  	[sflag:s19] =	ssyncset.done $0x0  }
0x1a: {  	[sflag:s19] =	ssyncadd.s32 $0xFFFFC000  }
0x1b: {  	_ =	swait.ge [sflag:s25], $0x4000  }
0x1c: {  	[sflag:s25] =	ssyncset.done $0x0  }
0x1d: {  	[sflag:s25] =	ssyncadd.s32 $0xFFFFC000  }
0x1e: {  	[spmem:s1] =	stream.indirect.scatter.add.f32 [tilespmem:s24], [sflag:$0x3], $0x80, s29, s21, $0xb8;
	[tilespmem:$0x1E800] =	vst v63  }
0x1f: {  	_ =	swait.ge [sflag:s19], $0x4000  }
0x20: {  	[sflag:s19] =	ssyncset.done $0x0  }
0x21: {  	s31 =	smov.u32 s7;
	s30 =	smov.u32 s17;
	[sflag:s19] =	ssyncadd.s32 $0xFFFFC000  }
.LBB2_12:
0x22: {  	s2 =	sadd.s32 $0x1, s2  }
0x23: {  	p1 =	sne.s32 s2, s11  }
.Ltmp1:
0x24: {  	s0 =	sadd.s32 s31, s8;
	[bflag:$0x0] =	sbarrier.arrive $0xFFFF;
	(pc) =	sbr.rel @!p1 .LBB2_13-.Ltmp1, $4  }
0x25: {  	[hbm:s0], [sflag:s30] =	dma.local [spmem:s18], $0x2800  }
0x26: {  	_ =	swait.ge [sflag:s19], $0x2800  }
0x27: {  	[sflag:s19] =	ssyncset.done $0x0  }
0x28: {  	[sflag:s19] =	ssyncadd.s32 $0xFFFFD800  }
.LBB2_1:
.Ltmp2:
0x29: {  	(pc) =	sbr.rel @!p0 .LBB2_2-.Ltmp2, $1  }
0x2a: {  	_ =	sdelay $0x3  }
0x2b: {  	[spmem:s18], [sflag:s17] =	dma.local [hbm:s10], $0x2800  }
0x2c: {  	_ =	swait.ge [sflag:s19], $0x2800  }
0x2d: {  	[sflag:s19] =	ssyncset.done $0x0  }
0x2e: {  	[sflag:s19] =	ssyncadd.s32 $0xFFFFD800  }
0x2f: {  	s0 =	simm.s32 $0x0;
	[bflag:$0x0] =	sbarrier.arrive $0xFFFF  }
0x30: {  	[tilespmem:s0], [sflag:$0x3] =	stream.linear.gather [hbm4b:s12+s0], $0x1400, $0x38;
	[tilespmem:$0x1E800] =	vst v63  }
0x31: {  	_ =	swait.ge [sflag:s19], $0x1400  }
0x32: {  	[sflag:s19] =	ssyncset.done $0x0  }
0x33: {  	[sflag:s19] =	ssyncadd.s32 $0xFFFFEC00  }
0x34: {  	[tilespmem:s20], [sflag:$0x3] =	stream.linear.gather [hbm4b:s13+s0], $0x1400, $0x38;
	[tilespmem:$0x1E800] =	vst v63  }
0x35: {  	_ =	swait.ge [sflag:s19], $0x1400  }
0x36: {  	[sflag:s19] =	ssyncset.done $0x0  }
0x37: {  	[sflag:s19] =	ssyncadd.s32 $0xFFFFEC00  }
0x38: {  	[tilespmem:s22], [sflag:$0x1] =	stream.indirect.gather [hbm4b:s5+s21], $0x80, s0, s21, $0xb8;
	[tilespmem:$0x1E800] =	vst v63  }
0x39: {  	_ =	swait.ge [sflag:s23], $0x4000  }
0x3a: {  	[sflag:s23] =	ssyncset.done $0x0  }
0x3b: {  	s3 =	simm.s32 $0x80;
	[sflag:s23] =	ssyncadd.s32 $0xFFFFC000  }
0x3c: {  	[tilespmem:s24], [sflag:$0x2] =	stream.indirect.gather [hbm4b:s5+s21], $0x80, s3, s21, $0xb8;
	[tilespmem:$0x1E800] =	vst v63  }
0x3d: {  	s31 =	simm.s32 $0x1400  }
0x3e: {  	[spmem:s1] =	stream.indirect.scatter.add.f32 [tilespmem:s22], [sflag:$0x3], $0x80, s31, s21, $0xb8;
	[tilespmem:$0x1E800] =	vst v63  }
0x3f: {  	_ =	swait.ge [sflag:s19], $0x4000  }
0x40: {  	[sflag:s19] =	ssyncset.done $0x0  }
0x41: {  	[sflag:s19] =	ssyncadd.s32 $0xFFFFC000  }
0x42: {  	_ =	swait.ge [sflag:s25], $0x4000  }
0x43: {  	[sflag:s25] =	ssyncset.done $0x0  }
0x44: {  	s3 =	simm.s32 $0x100;
	[sflag:s25] =	ssyncadd.s32 $0xFFFFC000  }
0x45: {  	[tilespmem:s22], [sflag:$0x1] =	stream.indirect.gather [hbm4b:s5+s21], $0x80, s3, s21, $0xb8;
	[tilespmem:$0x1E800] =	vst v63  }
0x46: {  	s31 =	simm.s32 $0x1480  }
0x47: {  	[spmem:s1] =	stream.indirect.scatter.add.f32 [tilespmem:s24], [sflag:$0x3], $0x80, s31, s21, $0xb8;
	[tilespmem:$0x1E800] =	vst v63  }
0x48: {  	_ =	swait.ge [sflag:s19], $0x4000  }
0x49: {  	s30 =	simm.s32 $0x400;
	[sflag:s19] =	ssyncset.done $0x0  }
.LBB2_8:
0x4a: {  	p1 =	sne.s32 s30, $0x4800  }
0x4b: {  	[sflag:s19] =	ssyncadd.s32 $0xFFFFC000;
	s0 =	smov.u32 s30;
	s30 =	sadd.s32 $0x400, s30  }
0x4c: {  	_ = 	snop  }
0x4d: {  	_ =	swait.ge [sflag:s23], $0x4000  }
0x4e: {  	s0 =	sshra.s32 s0, $0x2;
	[sflag:s23] =	ssyncset.done $0x0  }
0x4f: {  	s3 =	sadd.s32 $0x80, s0;
	[sflag:s23] =	ssyncadd.s32 $0xFFFFC000  }
0x50: {  	[tilespmem:s24], [sflag:$0x2] =	stream.indirect.gather [hbm4b:s5+s21], $0x80, s3, s21, $0xb8;
	[tilespmem:$0x1E800] =	vst v63  }
0x51: {  	s3 =	sadd.s32 $0x1400, s0  }
0x52: {  	[spmem:s1] =	stream.indirect.scatter.add.f32 [tilespmem:s22], [sflag:$0x3], $0x80, s3, s21, $0xb8;
	[tilespmem:$0x1E800] =	vst v63  }
0x53: {  	_ =	swait.ge [sflag:s19], $0x4000  }
0x54: {  	[sflag:s19] =	ssyncset.done $0x0  }
0x55: {  	[sflag:s19] =	ssyncadd.s32 $0xFFFFC000  }
0x56: {  	_ =	swait.ge [sflag:s25], $0x4000  }
0x57: {  	[sflag:s25] =	ssyncset.done $0x0  }
0x58: {  	s3 =	sadd.s32 $0x100, s0;
	[sflag:s25] =	ssyncadd.s32 $0xFFFFC000  }
0x59: {  	[tilespmem:s22], [sflag:$0x1] =	stream.indirect.gather [hbm4b:s5+s21], $0x80, s3, s21, $0xb8;
	[tilespmem:$0x1E800] =	vst v63  }
.Ltmp3:
0x5a: {  	_ = 	snop;
	(pc) =	sbr.rel @p1 .LBB2_8-.Ltmp3, $4  }
0x5b: {  	s0 =	sadd.s32 $0x1480, s0  }
0x5c: {  	[spmem:s1] =	stream.indirect.scatter.add.f32 [tilespmem:s24], [sflag:$0x3], $0x80, s0, s21, $0xb8;
	[tilespmem:$0x1E800] =	vst v63  }
0x5d: {  	_ =	swait.ge [sflag:s19], $0x4000  }
0x5e: {  	[sflag:s19] =	ssyncset.done $0x0  }
0x5f: {  	[sflag:s19] =	ssyncadd.s32 $0xFFFFC000  }
0x60: {  	_ =	swait.ge [sflag:s23], $0x4000  }
0x61: {  	[sflag:s23] =	ssyncset.done $0x0  }
0x62: {  	[sflag:s23] =	ssyncadd.s32 $0xFFFFC000  }
0x63: {  	[tilespmem:s24], [sflag:$0x2] =	stream.indirect.gather [hbm4b:s5+s21], $0x80, s26, s21, $0xb8;
	[tilespmem:$0x1E800] =	vst v63  }
0x64: {  	_ = 	snop  }
0x65: {  	[spmem:s1] =	stream.indirect.scatter.add.f32 [tilespmem:s22], [sflag:$0x3], $0x80, s28, s21, $0xb8;
	[tilespmem:$0x1E800] =	vst v63  }
0x66: {  	_ =	swait.ge [sflag:s19], $0x4000  }
0x67: {  	[sflag:s19] =	ssyncset.done $0x0  }
0x68: {  	[sflag:s19] =	ssyncadd.s32 $0xFFFFC000  }
0x69: {  	_ =	swait.ge [sflag:s25], $0x4000  }
0x6a: {  	[sflag:s25] =	ssyncset.done $0x0  }
0x6b: {  	[sflag:s25] =	ssyncadd.s32 $0xFFFFC000  }
0x6c: {  	[spmem:s1] =	stream.indirect.scatter.add.f32 [tilespmem:s24], [sflag:$0x3], $0x80, s29, s21, $0xb8;
	[tilespmem:$0x1E800] =	vst v63  }
0x6d: {  	_ =	swait.ge [sflag:s19], $0x4000  }
0x6e: {  	[sflag:s19] =	ssyncset.done $0x0  }
0x6f: {  	s0 =	simm.s32 $0x0;
	[sflag:s19] =	ssyncadd.s32 $0xFFFFC000  }
0x70: {  	[tilespmem:s0], [sflag:$0x3] =	stream.linear.gather [hbm4b:s14+s0], $0x1400, $0x38;
	[tilespmem:$0x1E800] =	vst v63  }
0x71: {  	_ =	swait.ge [sflag:s19], $0x1400  }
0x72: {  	[sflag:s19] =	ssyncset.done $0x0  }
0x73: {  	[sflag:s19] =	ssyncadd.s32 $0xFFFFEC00  }
0x74: {  	[tilespmem:s20], [sflag:$0x3] =	stream.linear.gather [hbm4b:s15+s0], $0x1400, $0x38;
	[tilespmem:$0x1E800] =	vst v63  }
0x75: {  	_ =	swait.ge [sflag:s19], $0x1400  }
0x76: {  	[sflag:s19] =	ssyncset.done $0x0  }
0x77: {  	[sflag:s19] =	ssyncadd.s32 $0xFFFFEC00  }
0x78: {  	[tilespmem:s22], [sflag:$0x1] =	stream.indirect.gather [hbm4b:s5+s21], $0x80, s0, s21, $0xb8;
	[tilespmem:$0x1E800] =	vst v63  }
0x79: {  	_ =	swait.ge [sflag:s23], $0x4000  }
0x7a: {  	[sflag:s23] =	ssyncset.done $0x0  }
0x7b: {  	s3 =	simm.s32 $0x80;
	[sflag:s23] =	ssyncadd.s32 $0xFFFFC000  }
0x7c: {  	[tilespmem:s24], [sflag:$0x2] =	stream.indirect.gather [hbm4b:s5+s21], $0x80, s3, s21, $0xb8;
	[tilespmem:$0x1E800] =	vst v63  }
0x7d: {  	s31 =	simm.s32 $0x1400  }
0x7e: {  	[spmem:s1] =	stream.indirect.scatter.add.f32 [tilespmem:s22], [sflag:$0x3], $0x80, s31, s21, $0xb8;
	[tilespmem:$0x1E800] =	vst v63  }
0x7f: {  	_ =	swait.ge [sflag:s19], $0x4000  }
0x80: {  	[sflag:s19] =	ssyncset.done $0x0  }
0x81: {  	[sflag:s19] =	ssyncadd.s32 $0xFFFFC000  }
0x82: {  	_ =	swait.ge [sflag:s25], $0x4000  }
0x83: {  	[sflag:s25] =	ssyncset.done $0x0  }
0x84: {  	s3 =	simm.s32 $0x100;
	[sflag:s25] =	ssyncadd.s32 $0xFFFFC000  }
0x85: {  	[tilespmem:s22], [sflag:$0x1] =	stream.indirect.gather [hbm4b:s5+s21], $0x80, s3, s21, $0xb8;
	[tilespmem:$0x1E800] =	vst v63  }
0x86: {  	s31 =	simm.s32 $0x1480  }
0x87: {  	[spmem:s1] =	stream.indirect.scatter.add.f32 [tilespmem:s24], [sflag:$0x3], $0x80, s31, s21, $0xb8;
	[tilespmem:$0x1E800] =	vst v63  }
0x88: {  	_ =	swait.ge [sflag:s19], $0x4000  }
0x89: {  	s30 =	simm.s32 $0x400;
	[sflag:s19] =	ssyncset.done $0x0  }
.LBB2_10:
0x8a: {  	p1 =	sne.s32 s30, $0x4800  }
0x8b: {  	[sflag:s19] =	ssyncadd.s32 $0xFFFFC000;
	s0 =	smov.u32 s30;
	s30 =	sadd.s32 $0x400, s30  }
0x8c: {  	_ = 	snop  }
0x8d: {  	_ =	swait.ge [sflag:s23], $0x4000  }
0x8e: {  	s0 =	sshra.s32 s0, $0x2;
	[sflag:s23] =	ssyncset.done $0x0  }
0x8f: {  	s3 =	sadd.s32 $0x80, s0;
	[sflag:s23] =	ssyncadd.s32 $0xFFFFC000  }
0x90: {  	[tilespmem:s24], [sflag:$0x2] =	stream.indirect.gather [hbm4b:s5+s21], $0x80, s3, s21, $0xb8;
	[tilespmem:$0x1E800] =	vst v63  }
0x91: {  	s3 =	sadd.s32 $0x1400, s0  }
0x92: {  	[spmem:s1] =	stream.indirect.scatter.add.f32 [tilespmem:s22], [sflag:$0x3], $0x80, s3, s21, $0xb8;
	[tilespmem:$0x1E800] =	vst v63  }
0x93: {  	_ =	swait.ge [sflag:s19], $0x4000  }
0x94: {  	[sflag:s19] =	ssyncset.done $0x0  }
0x95: {  	[sflag:s19] =	ssyncadd.s32 $0xFFFFC000  }
0x96: {  	_ =	swait.ge [sflag:s25], $0x4000  }
0x97: {  	[sflag:s25] =	ssyncset.done $0x0  }
0x98: {  	s3 =	sadd.s32 $0x100, s0;
	[sflag:s25] =	ssyncadd.s32 $0xFFFFC000  }
0x99: {  	[tilespmem:s22], [sflag:$0x1] =	stream.indirect.gather [hbm4b:s5+s21], $0x80, s3, s21, $0xb8;
	[tilespmem:$0x1E800] =	vst v63  }
.Ltmp4:
0x9a: {  	_ = 	snop;
	(pc) =	sbr.rel @p1 .LBB2_10-.Ltmp4, $4  }
0x9b: {  	s0 =	sadd.s32 $0x1480, s0  }
0x9c: {  	[spmem:s1] =	stream.indirect.scatter.add.f32 [tilespmem:s24], [sflag:$0x3], $0x80, s0, s21, $0xb8;
	[tilespmem:$0x1E800] =	vst v63  }
0x9d: {  	_ =	swait.ge [sflag:s19], $0x4000  }
0x9e: {  	[sflag:s19] =	ssyncset.done $0x0  }
.Ltmp5:
0x9f: {  	_ = 	snop;
	(pc) =	sbr.rel .LBB2_11-.Ltmp5, $1  }
0xa0: {  	_ =	sdelay $0x3  }
.LBB2_2:
0xa1: {  	s30 =	sor.u32 $0x1C03, s16  }
0xa2: {  	[spmem:s18], [sflag:s30] =	dma.local [hbm:s9], $0x2800  }
0xa3: {  	_ =	swait.ge [sflag:s19], $0x2800  }
0xa4: {  	[sflag:s19] =	ssyncset.done $0x0  }
0xa5: {  	[sflag:s19] =	ssyncadd.s32 $0xFFFFD800  }
0xa6: {  	s31 =	simm.s32 $0x0;
	[bflag:$0x0] =	sbarrier.arrive $0xFFFF  }
0xa7: {  	[tilespmem:s31], [sflag:$0x3] =	stream.linear.gather [hbm4b:s12+s31], $0x1400, $0x38;
	[tilespmem:$0x1E800] =	vst v63  }
0xa8: {  	_ =	swait.ge [sflag:s19], $0x1400  }
0xa9: {  	[sflag:s19] =	ssyncset.done $0x0  }
0xaa: {  	[sflag:s19] =	ssyncadd.s32 $0xFFFFEC00  }
0xab: {  	[tilespmem:s20], [sflag:$0x3] =	stream.linear.gather [hbm4b:s13+s31], $0x1400, $0x38;
	[tilespmem:$0x1E800] =	vst v63  }
0xac: {  	_ =	swait.ge [sflag:s19], $0x1400  }
0xad: {  	[sflag:s19] =	ssyncset.done $0x0  }
0xae: {  	[sflag:s19] =	ssyncadd.s32 $0xFFFFEC00  }
0xaf: {  	[tilespmem:s22], [sflag:$0x1] =	stream.indirect.gather [hbm4b:s4+s21], $0x80, s31, s21, $0xb8;
	[tilespmem:$0x1E800] =	vst v63  }
0xb0: {  	_ =	swait.ge [sflag:s23], $0x4000  }
0xb1: {  	[sflag:s23] =	ssyncset.done $0x0  }
0xb2: {  	s31 =	simm.s32 $0x80;
	[sflag:s23] =	ssyncadd.s32 $0xFFFFC000  }
0xb3: {  	[tilespmem:s24], [sflag:$0x2] =	stream.indirect.gather [hbm4b:s4+s21], $0x80, s31, s21, $0xb8;
	[tilespmem:$0x1E800] =	vst v63  }
0xb4: {  	s31 =	simm.s32 $0x1400  }
0xb5: {  	[spmem:s1] =	stream.indirect.scatter.add.f32 [tilespmem:s22], [sflag:$0x3], $0x80, s31, s21, $0xb8;
	[tilespmem:$0x1E800] =	vst v63  }
0xb6: {  	_ =	swait.ge [sflag:s19], $0x4000  }
0xb7: {  	[sflag:s19] =	ssyncset.done $0x0  }
0xb8: {  	[sflag:s19] =	ssyncadd.s32 $0xFFFFC000  }
0xb9: {  	_ =	swait.ge [sflag:s25], $0x4000  }
0xba: {  	[sflag:s25] =	ssyncset.done $0x0  }
0xbb: {  	s31 =	simm.s32 $0x100;
	[sflag:s25] =	ssyncadd.s32 $0xFFFFC000  }
0xbc: {  	[tilespmem:s22], [sflag:$0x1] =	stream.indirect.gather [hbm4b:s4+s21], $0x80, s31, s21, $0xb8;
	[tilespmem:$0x1E800] =	vst v63  }
0xbd: {  	s31 =	simm.s32 $0x1480  }
0xbe: {  	[spmem:s1] =	stream.indirect.scatter.add.f32 [tilespmem:s24], [sflag:$0x3], $0x80, s31, s21, $0xb8;
	[tilespmem:$0x1E800] =	vst v63  }
0xbf: {  	_ =	swait.ge [sflag:s19], $0x4000  }
0xc0: {  	s31 =	simm.s32 $0x400;
	[sflag:s19] =	ssyncset.done $0x0  }
.LBB2_3:
0xc1: {  	p1 =	sne.s32 s31, $0x4800  }
0xc2: {  	[sflag:s19] =	ssyncadd.s32 $0xFFFFC000;
	s0 =	smov.u32 s31;
	s31 =	sadd.s32 $0x400, s31  }
0xc3: {  	_ = 	snop  }
0xc4: {  	_ =	swait.ge [sflag:s23], $0x4000  }
0xc5: {  	s0 =	sshra.s32 s0, $0x2;
	[sflag:s23] =	ssyncset.done $0x0  }
0xc6: {  	s3 =	sadd.s32 $0x80, s0;
	[sflag:s23] =	ssyncadd.s32 $0xFFFFC000  }
0xc7: {  	[tilespmem:s24], [sflag:$0x2] =	stream.indirect.gather [hbm4b:s4+s21], $0x80, s3, s21, $0xb8;
	[tilespmem:$0x1E800] =	vst v63  }
0xc8: {  	s3 =	sadd.s32 $0x1400, s0  }
0xc9: {  	[spmem:s1] =	stream.indirect.scatter.add.f32 [tilespmem:s22], [sflag:$0x3], $0x80, s3, s21, $0xb8;
	[tilespmem:$0x1E800] =	vst v63  }
0xca: {  	_ =	swait.ge [sflag:s19], $0x4000  }
0xcb: {  	[sflag:s19] =	ssyncset.done $0x0  }
0xcc: {  	[sflag:s19] =	ssyncadd.s32 $0xFFFFC000  }
0xcd: {  	_ =	swait.ge [sflag:s25], $0x4000  }
0xce: {  	[sflag:s25] =	ssyncset.done $0x0  }
0xcf: {  	s3 =	sadd.s32 $0x100, s0;
	[sflag:s25] =	ssyncadd.s32 $0xFFFFC000  }
0xd0: {  	[tilespmem:s22], [sflag:$0x1] =	stream.indirect.gather [hbm4b:s4+s21], $0x80, s3, s21, $0xb8;
	[tilespmem:$0x1E800] =	vst v63  }
.Ltmp6:
0xd1: {  	_ = 	snop;
	(pc) =	sbr.rel @p1 .LBB2_3-.Ltmp6, $4  }
0xd2: {  	s0 =	sadd.s32 $0x1480, s0  }
0xd3: {  	[spmem:s1] =	stream.indirect.scatter.add.f32 [tilespmem:s24], [sflag:$0x3], $0x80, s0, s21, $0xb8;
	[tilespmem:$0x1E800] =	vst v63  }
0xd4: {  	_ =	swait.ge [sflag:s19], $0x4000  }
0xd5: {  	[sflag:s19] =	ssyncset.done $0x0  }
0xd6: {  	[sflag:s19] =	ssyncadd.s32 $0xFFFFC000  }
0xd7: {  	_ =	swait.ge [sflag:s23], $0x4000  }
0xd8: {  	[sflag:s23] =	ssyncset.done $0x0  }
0xd9: {  	[sflag:s23] =	ssyncadd.s32 $0xFFFFC000  }
0xda: {  	[tilespmem:s24], [sflag:$0x2] =	stream.indirect.gather [hbm4b:s4+s21], $0x80, s26, s21, $0xb8;
	[tilespmem:$0x1E800] =	vst v63  }
0xdb: {  	_ = 	snop  }
0xdc: {  	[spmem:s1] =	stream.indirect.scatter.add.f32 [tilespmem:s22], [sflag:$0x3], $0x80, s28, s21, $0xb8;
	[tilespmem:$0x1E800] =	vst v63  }
0xdd: {  	_ =	swait.ge [sflag:s19], $0x4000  }
0xde: {  	[sflag:s19] =	ssyncset.done $0x0  }
0xdf: {  	[sflag:s19] =	ssyncadd.s32 $0xFFFFC000  }
0xe0: {  	_ =	swait.ge [sflag:s25], $0x4000  }
0xe1: {  	[sflag:s25] =	ssyncset.done $0x0  }
0xe2: {  	[sflag:s25] =	ssyncadd.s32 $0xFFFFC000  }
0xe3: {  	[spmem:s1] =	stream.indirect.scatter.add.f32 [tilespmem:s24], [sflag:$0x3], $0x80, s29, s21, $0xb8;
	[tilespmem:$0x1E800] =	vst v63  }
0xe4: {  	_ =	swait.ge [sflag:s19], $0x4000  }
0xe5: {  	[sflag:s19] =	ssyncset.done $0x0  }
0xe6: {  	s0 =	simm.s32 $0x0;
	[sflag:s19] =	ssyncadd.s32 $0xFFFFC000  }
0xe7: {  	[tilespmem:s0], [sflag:$0x3] =	stream.linear.gather [hbm4b:s14+s0], $0x1400, $0x38;
	[tilespmem:$0x1E800] =	vst v63  }
0xe8: {  	_ =	swait.ge [sflag:s19], $0x1400  }
0xe9: {  	[sflag:s19] =	ssyncset.done $0x0  }
0xea: {  	[sflag:s19] =	ssyncadd.s32 $0xFFFFEC00  }
0xeb: {  	[tilespmem:s20], [sflag:$0x3] =	stream.linear.gather [hbm4b:s15+s0], $0x1400, $0x38;
	[tilespmem:$0x1E800] =	vst v63  }
0xec: {  	_ =	swait.ge [sflag:s19], $0x1400  }
0xed: {  	[sflag:s19] =	ssyncset.done $0x0  }
0xee: {  	[sflag:s19] =	ssyncadd.s32 $0xFFFFEC00  }
0xef: {  	[tilespmem:s22], [sflag:$0x1] =	stream.indirect.gather [hbm4b:s4+s21], $0x80, s0, s21, $0xb8;
	[tilespmem:$0x1E800] =	vst v63  }
0xf0: {  	_ =	swait.ge [sflag:s23], $0x4000  }
0xf1: {  	[sflag:s23] =	ssyncset.done $0x0  }
0xf2: {  	s3 =	simm.s32 $0x80;
	[sflag:s23] =	ssyncadd.s32 $0xFFFFC000  }
0xf3: {  	[tilespmem:s24], [sflag:$0x2] =	stream.indirect.gather [hbm4b:s4+s21], $0x80, s3, s21, $0xb8;
	[tilespmem:$0x1E800] =	vst v63  }
0xf4: {  	s3 =	simm.s32 $0x1400  }
0xf5: {  	[spmem:s1] =	stream.indirect.scatter.add.f32 [tilespmem:s22], [sflag:$0x3], $0x80, s3, s21, $0xb8;
	[tilespmem:$0x1E800] =	vst v63  }
0xf6: {  	_ =	swait.ge [sflag:s19], $0x4000  }
0xf7: {  	[sflag:s19] =	ssyncset.done $0x0  }
0xf8: {  	[sflag:s19] =	ssyncadd.s32 $0xFFFFC000  }
0xf9: {  	_ =	swait.ge [sflag:s25], $0x4000  }
0xfa: {  	[sflag:s25] =	ssyncset.done $0x0  }
0xfb: {  	s3 =	simm.s32 $0x100;
	[sflag:s25] =	ssyncadd.s32 $0xFFFFC000  }
0xfc: {  	[tilespmem:s22], [sflag:$0x1] =	stream.indirect.gather [hbm4b:s4+s21], $0x80, s3, s21, $0xb8;
	[tilespmem:$0x1E800] =	vst v63  }
0xfd: {  	s3 =	simm.s32 $0x1480  }
0xfe: {  	[spmem:s1] =	stream.indirect.scatter.add.f32 [tilespmem:s24], [sflag:$0x3], $0x80, s3, s21, $0xb8;
	[tilespmem:$0x1E800] =	vst v63  }
0xff: {  	_ =	swait.ge [sflag:s19], $0x4000  }
0x100: {  	s31 =	simm.s32 $0x400;
	[sflag:s19] =	ssyncset.done $0x0  }
.LBB2_5:
0x101: {  	p1 =	sne.s32 s31, $0x4800  }
0x102: {  	[sflag:s19] =	ssyncadd.s32 $0xFFFFC000;
	s0 =	smov.u32 s31;
	s31 =	sadd.s32 $0x400, s31  }
0x103: {  	_ = 	snop  }
0x104: {  	_ =	swait.ge [sflag:s23], $0x4000  }
0x105: {  	s0 =	sshra.s32 s0, $0x2;
	[sflag:s23] =	ssyncset.done $0x0  }
0x106: {  	s3 =	sadd.s32 $0x80, s0;
	[sflag:s23] =	ssyncadd.s32 $0xFFFFC000  }
0x107: {  	[tilespmem:s24], [sflag:$0x2] =	stream.indirect.gather [hbm4b:s4+s21], $0x80, s3, s21, $0xb8;
	[tilespmem:$0x1E800] =	vst v63  }
0x108: {  	s3 =	sadd.s32 $0x1400, s0  }
0x109: {  	[spmem:s1] =	stream.indirect.scatter.add.f32 [tilespmem:s22], [sflag:$0x3], $0x80, s3, s21, $0xb8;
	[tilespmem:$0x1E800] =	vst v63  }
0x10a: {  	_ =	swait.ge [sflag:s19], $0x4000  }
0x10b: {  	[sflag:s19] =	ssyncset.done $0x0  }
0x10c: {  	[sflag:s19] =	ssyncadd.s32 $0xFFFFC000  }
0x10d: {  	_ =	swait.ge [sflag:s25], $0x4000  }
0x10e: {  	[sflag:s25] =	ssyncset.done $0x0  }
0x10f: {  	s3 =	sadd.s32 $0x100, s0;
	[sflag:s25] =	ssyncadd.s32 $0xFFFFC000  }
0x110: {  	[tilespmem:s22], [sflag:$0x1] =	stream.indirect.gather [hbm4b:s4+s21], $0x80, s3, s21, $0xb8;
	[tilespmem:$0x1E800] =	vst v63  }
.Ltmp7:
0x111: {  	_ = 	snop;
	(pc) =	sbr.rel @p1 .LBB2_5-.Ltmp7, $4  }
0x112: {  	s0 =	sadd.s32 $0x1480, s0  }
0x113: {  	[spmem:s1] =	stream.indirect.scatter.add.f32 [tilespmem:s24], [sflag:$0x3], $0x80, s0, s21, $0xb8;
	[tilespmem:$0x1E800] =	vst v63  }
0x114: {  	_ =	swait.ge [sflag:s19], $0x4000  }
0x115: {  	[sflag:s19] =	ssyncset.done $0x0  }
0x116: {  	[sflag:s19] =	ssyncadd.s32 $0xFFFFC000  }
0x117: {  	_ =	swait.ge [sflag:s23], $0x4000  }
0x118: {  	[sflag:s23] =	ssyncset.done $0x0  }
0x119: {  	[sflag:s23] =	ssyncadd.s32 $0xFFFFC000  }
0x11a: {  	[tilespmem:s24], [sflag:$0x2] =	stream.indirect.gather [hbm4b:s4+s21], $0x80, s26, s21, $0xb8;
	[tilespmem:$0x1E800] =	vst v63  }
0x11b: {  	_ = 	snop  }
0x11c: {  	[spmem:s1] =	stream.indirect.scatter.add.f32 [tilespmem:s22], [sflag:$0x3], $0x80, s28, s21, $0xb8;
	[tilespmem:$0x1E800] =	vst v63  }
0x11d: {  	_ =	swait.ge [sflag:s19], $0x4000  }
0x11e: {  	[sflag:s19] =	ssyncset.done $0x0  }
0x11f: {  	[sflag:s19] =	ssyncadd.s32 $0xFFFFC000  }
0x120: {  	_ =	swait.ge [sflag:s25], $0x4000  }
0x121: {  	[sflag:s25] =	ssyncset.done $0x0  }
.Ltmp8:
0x122: {  	[sflag:s25] =	ssyncadd.s32 $0xFFFFC000;
	(pc) =	sbr.rel .LBB2_12-.Ltmp8, $4  }
0x123: {  	[spmem:s1] =	stream.indirect.scatter.add.f32 [tilespmem:s24], [sflag:$0x3], $0x80, s29, s21, $0xb8;
	[tilespmem:$0x1E800] =	vst v63  }
0x124: {  	_ =	swait.ge [sflag:s19], $0x4000  }
0x125: {  	[sflag:s19] =	ssyncset.done $0x0  }
0x126: {  	s31 =	smov.u32 s6;
	[sflag:s19] =	ssyncadd.s32 $0xFFFFC000  }
.LBB2_13:
0x127: {  	_ =	sfence.sel $0x180000  }
0x128: {  	[bflag:$0x0] =	sbarrier.arrive $0xFFFF  }
0x129: {  	_ =	strace $0x9000004A  }
0x12a: {  	s0 =	stileid.u32;
	[bflag:$0x2] =	sbarrier.arrive $0xFFFF  }
0x12b: {  	p0 =	sne.s32 s0, $0x0;
	s0 =	rddreg [dreg:$0x2]  }
0x12c: {  	s0 =	sadd.s32 @!p0 $0x100000, s0  }
0x12d: {  	[sflag:s0] =	ssyncadd.tile.s32 @!p0 $0x1;
	_ =	shalt  }
.Lfunc_end2:
_tile_overlayer_lowered:
.L_overlay_start_2:
0x12e: {  	(tag) =	ssettag $0x2  }
0x12f: {  	s0 =	rddreg [dreg:$0x0];
	s2 =	stileid.u32  }
0x130: {  	s1 =	rddreg [dreg:$0x1];
	p0 =	sne.s32 s2, $0x0  }
0x131: {  	s3 =	rddreg [dreg:$0x2];
	[bflag:$0x3] =	sbarrier.arrive $0xFFFF;
	s2 =	simm.s32 @!p0 $0x1C03  }
0x132: {  	[timem:s3], [sflag:s2] =	dma.local @!p0 [hbm:s0], s1  }
0x133: {  	s0 =	simm.s32 @!p0 $0x3  }
0x134: {  	_ =	swait.ge @!p0 [sflag:s0], s1  }
0x135: {  	s1 =	ssub.s32 @!p0 $0x0, s1;
	[sflag:s0] =	ssyncset.done @!p0 $0x0  }
0x136: {  	[sflag:s0] =	ssyncadd.s32 @!p0 s1  }
0x137: {  	[bflag:$0x3] =	sbarrier.arrive $0xFFFF  }
0x138: {  	_ =	shalt  }

// kernel: kernel.17.cloned.1.call-start
scs
__scs_entry_jumppad:
0x0: {  	(pc) =	sbr.rel $0x88, $3  }
0x1: {  	(tag) =	ssettag $0x0;
	lr =	simm.s32 $0x1  }
0x2: {  	[smem:$0x3F99] =	sst lr;
	_ =	strace $0xD0000000  }
0x3: {  	_ = 	snop  }
0x4: {  	_ = 	snop  }
0x5: {  	_ = 	snop  }
0x6: {  	_ = 	snop  }
0x7: {  	_ = 	snop  }
__scs_overlays_trampoline_lowered:
0x8: {  	[smem:$0x3FA8] =	sst s0  }
0x9: {  	[smem:$0x3FA9] =	sst s1  }
0xa: {  	[smem:$0x3FAA] =	sst s2  }
0xb: {  	[smem:$0x3FAB] =	sst s3  }
0xc: {  	[smem:$0x3FAC] =	sst s4  }
0xd: {  	[smem:$0x3FAD] =	sst s5  }
0xe: {  	[smem:$0x3FAE] =	sst s6  }
0xf: {  	[smem:$0x3FAF] =	sst s7  }
0x10: {  	[smem:$0x3FB0] =	sst s8  }
0x11: {  	[smem:$0x3FB1] =	sst s9;
	s0 =	simm.s32 @!p0 $0x0  }
0x12: {  	s1 =	sld [smem:$0x3F97];
	s0 =	simm.s32 @p0 $0x1  }
0x13: {  	[smem:$0x3FB2] =	sst s0;
	s0 =	simm.s32 @!p1 $0x0  }
0x14: {  	s2 =	sld [smem:$0x3F96];
	s0 =	simm.s32 @p1 $0x1  }
0x15: {  	[smem:$0x3FB3] =	sst s0;
	s0 =	simm.s32 @!p2 $0x0  }
0x16: {  	s3 =	sld [smem:$0x3FDB];
	s0 =	simm.s32 @p2 $0x1  }
0x17: {  	s4 =	simm.s32 $0x1BF5;
	[smem:$0x3FB5] =	sst s0  }
0x18: {  	s0 =	sld [smem:$0x3F98];
	_ =	swait.ge [sflag:s4], $0x0  }
0x19: {  	s7 =	sld [smem:$0x3F99]  }
0x1a: {  	s8 =	sadd.s32 $0xFFFFE003, lr  }
0x1b: {  	s9 =	sadd.s32 $0xFFFFFEF7, lr;
	s5 =	simm.s32 $0xFFFFFFFF;
	p2 =	slt.u32 s8, $0xFFFFF086  }
0x1c: {  	p1 =	slt.u32 s9, $0xF7A;
	s5 =	simm.s32 @!p2 $0x0  }
0x1d: {  	s5 =	simm.s32 @p1 $0x1;
	p0 =	seq.s32 s7, s2  }
0x1e: {  	s7 =	smul.u32 @!p0 $0xF7A, s2;
	p2 =	seq.s32 @!p0 s5, $0x0  }
0x1f: {  	s9 =	smul.u32 $0xF7A, s1;
	s8 =	simm.s32 @!p0 $0x1BF5;
	p2 =	por !p2, p0  }
0x20: {  	[sflag:s8] =	ssyncset.s32 @!p0 $0xFFFFF086;
	s6 =	sadd.s32 @!p0 s3, s7;
	s7 =	simm.s32 @!p0 $0x108  }
0x21: {  	s3 =	sadd.s32 s3, s9;
	s6 =	sadd.s32 @!p0 $0x88, s6;
	s7 =	simm.s32 @p2 $0x1082  }
0x22: {  	[simem:s7], [sflag:s8] =	dma.local @!p0 [hbm:s6], $0xF7A  }
0x23: {  	s9 =	sor.u32 $0xD0000000, s2;
	s6 =	simm.s32 $0x108;
	_ =	swait.ge @!p0 [sflag:s8], $0x0  }
0x24: {  	s3 =	sadd.s32 $0x88, s3;
	s6 =	simm.s32 @!p1 $0x1082;
	[sflag:s4] =	ssyncset.s32 $0xFFFFF086  }
0x25: {  	[simem:s6], [sflag:s4] =	dma.local [hbm:s3], $0xF7A  }
0x26: {  	[smem:$0x3F99] =	sst s1;
	(tag) =	ssettag s2;
	_ =	strace s9  }
0x27: {  	s1 =	sld [smem:$0x3FA9]  }
0x28: {  	s2 =	sld [smem:$0x3FAA]  }
0x29: {  	s4 =	sld [smem:$0x3FAC]  }
0x2a: {  	p0 =	seq.s32 s5, $0x0;
	s5 =	sld [smem:$0x3FAD]  }
0x2b: {  	s6 =	sld [smem:$0x3FAE]  }
0x2c: {  	s7 =	sld [smem:$0x3FAF]  }
0x2d: {  	s3 =	simm.s32 $0x108;
	s8 =	sld [smem:$0x3FB0]  }
0x2e: {  	s3 =	simm.s32 @!p0 $0x1082;
	s9 =	sld [smem:$0x3FB1]  }
0x2f: {  	lr =	sadd.s32 s0, s3;
	s0 =	sld [smem:$0x3FA8]  }
0x30: {  	s3 =	sld [smem:$0x3FAB]  }
0x31: {  	[smem:$0x3FB4] =	sst s10  }
0x32: {  	s10 =	sld [smem:$0x3FB2];
	_ =	sdelay $0x3  }
0x33: {  	p0 =	seq.s32 s10, $0x1;
	s10 =	sld [smem:$0x3FB4];
	_ =	sdelay $0x3  }
0x34: {  	[smem:$0x3FB4] =	sst s10  }
0x35: {  	s10 =	sld [smem:$0x3FB3];
	_ =	sdelay $0x3  }
0x36: {  	p1 =	seq.s32 s10, $0x1;
	s10 =	sld [smem:$0x3FB4];
	_ =	sdelay $0x3  }
0x37: {  	[smem:$0x3FB4] =	sst s10  }
0x38: {  	s10 =	sld [smem:$0x3FB5]  }
0x39: {  	_ = 	snop;
	(pc) =	sbr.ind lr, $3  }
0x3a: {  	_ = 	snop  }
0x3b: {  	_ = 	snop  }
0x3c: {  	p2 =	seq.s32 s10, $0x1;
	s10 =	sld [smem:$0x3FB4]  }
0x3d: {  	_ =	shalt  }
0x3e: {  	_ =	shalt  }
0x3f: {  	_ =	shalt  }
0x40: {  	_ =	shalt  }
0x41: {  	_ =	shalt  }
0x42: {  	_ =	shalt  }
0x43: {  	_ =	shalt  }
0x44: {  	_ =	shalt  }
0x45: {  	_ =	shalt  }
0x46: {  	_ =	shalt  }
0x47: {  	_ =	shalt  }
0x48: {  	_ =	shalt  }
0x49: {  	_ =	shalt  }
0x4a: {  	_ =	shalt  }
0x4b: {  	_ =	shalt  }
0x4c: {  	_ =	shalt  }
0x4d: {  	_ =	shalt  }
0x4e: {  	_ =	shalt  }
0x4f: {  	_ =	shalt  }
0x50: {  	_ =	shalt  }
0x51: {  	_ =	shalt  }
0x52: {  	_ =	shalt  }
0x53: {  	_ =	shalt  }
0x54: {  	_ =	shalt  }
0x55: {  	_ =	shalt  }
0x56: {  	_ =	shalt  }
0x57: {  	_ =	shalt  }
0x58: {  	_ =	shalt  }
0x59: {  	_ =	shalt  }
0x5a: {  	_ =	shalt  }
0x5b: {  	_ =	shalt  }
0x5c: {  	_ =	shalt  }
0x5d: {  	_ =	shalt  }
0x5e: {  	_ =	shalt  }
0x5f: {  	_ =	shalt  }
0x60: {  	_ =	shalt  }
0x61: {  	_ =	shalt  }
0x62: {  	_ =	shalt  }
0x63: {  	_ =	shalt  }
0x64: {  	_ =	shalt  }
0x65: {  	_ =	shalt  }
0x66: {  	_ =	shalt  }
0x67: {  	_ =	shalt  }
0x68: {  	_ =	shalt  }
0x69: {  	_ =	shalt  }
0x6a: {  	_ =	shalt  }
0x6b: {  	_ =	shalt  }
0x6c: {  	_ =	shalt  }
0x6d: {  	_ =	shalt  }
0x6e: {  	_ =	shalt  }
0x6f: {  	_ =	shalt  }
0x70: {  	_ =	shalt  }
0x71: {  	_ =	shalt  }
0x72: {  	_ =	shalt  }
0x73: {  	_ =	shalt  }
0x74: {  	_ =	shalt  }
0x75: {  	_ =	shalt  }
0x76: {  	_ =	shalt  }
0x77: {  	_ =	shalt  }
0x78: {  	_ =	shalt  }
0x79: {  	_ =	shalt  }
0x7a: {  	_ =	shalt  }
0x7b: {  	_ =	shalt  }
0x7c: {  	_ =	shalt  }
0x7d: {  	_ =	shalt  }
0x7e: {  	_ =	shalt  }
0x7f: {  	_ =	shalt  }
0x80: {  	_ =	shalt  }
0x81: {  	_ =	shalt  }
0x82: {  	_ =	shalt  }
0x83: {  	_ =	shalt  }
0x84: {  	_ =	shalt  }
0x85: {  	_ =	shalt  }
0x86: {  	_ =	shalt  }
0x87: {  	_ =	shalt  }
.Lfunc_end0:
.L_simem_size_0:
called_computation.2_lowered:
.L_overlay_start_0:
0x88: {  	s2 =	sld [smem:$0x3FD9]  }
0x89: {  	s3 =	sld [smem:$0x3FFE];
	_ =	sdelay $0x1  }
0x8a: {  	s1 =	srdreg.scid  }
0x8b: {  	s0 =	sand.u32 $0x1, s1  }
0x8c: {  	s16 =	sshll.u32 s0, $0xA;
	s2 =	sadd.s32 s3, s2  }
0x8d: {  	s2 =	sadd.s32 s2, s16  }
0x8e: {  	[smem:$0x3FC0] =	sst s2  }
0x8f: {  	_ = 	snop  }
0x90: {  	(tm) =	ssettm $0x1  }
0x91: {  	s17 =	sld [smem:$0x3FFB];
	_ =	sdelay $0x3  }
0x92: {  	_ =	strace s17  }
0x93: {  	s2 =	sld [smem:$0x3FFC];
	_ =	sdelay $0x3  }
0x94: {  	_ =	strace s2  }
0x95: {  	s2 =	sld [smem:$0x3FFD];
	_ =	sdelay $0x3  }
0x96: {  	_ =	strace s2  }
0x97: {  	_ =	strace $0x8FFFFFFF  }
0x98: {  	s18 =	sld [smem:$0x3FDB];
	_ =	sdelay $0x1  }
0x99: {  	s19 =	simm.s32 $_scs_section_size  }
0x9a: {  	s4 =	simm.s32 $_size__tile_overlayer_lowered;
	s5 =	simm.s32 $_tile_overlayer_lowered  }
0x9b: {  	s22 =	simm.s32 $0x1BFF;
	s21 =	sshll.u32 s5, $0x1;
	s2 =	sadd.s32 s19, s18  }
0x9c: {  	s6 =	simm.s32 $0x0;
	s20 =	sshll.u32 s4, $0x1;
	s4 =	sadd.s32 s21, s2  }
0x9d: {  	[timem:s6], [sflag:s22] =	dma.local [hbm:s4], s20  }
0x9e: {  	_ =	swait.ge [sflag:s22], s20  }
0x9f: {  	s3 =	ssub.s32 $0x0, s20;
	[sflag:s22] =	ssyncset.done $0x0  }
0xa0: {  	[sflag:s22] =	ssyncadd.s32 s3;
	_ =	sdelay $0x1  }
0xa1: {  	s23 =	simm.s32 $0x1B8B  }
0xa2: {  	_ =	swait.ge [sflag:s23], $0x1  }
0xa3: {  	[sflag:s23] =	ssyncset.done $0x0  }
0xa4: {  	s25 =	simm.s32 $0x1B8E;
	s24 =	sld [smem:$0x3FFE];
	[sflag:s23] =	ssyncadd.s32 $0xFFFFFFFF  }
0xa5: {  	s26 =	simm.s32 $execute0_lowered;
	[smem:$0x3FD2] =	sst s25  }
0xa6: {  	s4 =	sshll.u32 s26, $0x1;
	_ =	strace $0x8000004C;
	[dreg:$0x1] =	wrdreg $0xFFFFFFFF  }
0xa7: {  	s28 =	simm.s32 $_size_execute0_lowered;
	s2 =	sadd.s32 s2, s4;
	[dreg:$0x0] =	wrdreg $0x0  }
0xa8: {  	s4 =	sshll.u32 s28, $0x1;
	[dreg:$0x2] =	wrdreg s2  }
0xa9: {  	[dreg:$0x3] =	wrdreg s4  }
0xaa: {  	[dreg:$0x4] =	wrdreg $0xC0  }
0xab: {  	_ =	task [dreg:s6], $0x5FFFF  }
0xac: {  	[dreg:$0x1] =	wrdreg $0xFFFFFFFF  }
0xad: {  	[dreg:$0x0] =	wrdreg $0x60  }
0xae: {  	[dreg:$0x2] =	wrdreg s24  }
0xaf: {  	[dreg:$0x3] =	wrdreg $0xA8000  }
0xb0: {  	[dreg:$0x4] =	wrdreg $0x9  }
0xb1: {  	_ =	task.clear_ibuf [dreg:s6], $0x5FFFF;
	_ =	strace $0x9000004C  }
0xb2: {  	s29 =	simm.s32 $0x9;
	_ =	strace $0x8000004E  }
0xb3: {  	_ =	swait.ge [sflag:s29], $0x1  }
0xb4: {  	[sflag:s29] =	ssyncadd.s32 $0xFFFFFFFF  }
0xb5: {  	_ =	strace $0x9000004E  }
0xb6: {  	_ =	sfence  }
0xb7: {  	s30 =	sld [smem:$0x0];
	_ =	sdelay $0x2  }
0xb8: {  	s31 =	sshll.u32 s1, $0xD;
	s1 =	sshrl.u32 s1, $0x2  }
0xb9: {  	s3 =	sand.u32 $0x4000, s31;
	s1 =	sadd.s32 s1, s30  }
0xba: {  	s0 =	sor.u32 s3, s0;
	s1 =	sshll.u32 s1, $0x11  }
0xbb: {  	s0 =	sor.u32 s1, s0  }
0xbc: {  	s0 =	sadd.s32 $0x8F2B, s0  }
0xbd: {  	[sflag:s0] =	ssyncadd.remote.s32 $0x1  }
0xbe: {  	_ =	sfence.sel $0xFFFF  }
0xbf: {  	[dreg:$0x0] =	wrdreg $0xFFFFFFFF;
	(pc) =	sbr.abs _section_cstart, $3  }
0xc0: {  	[dreg:$0x1] =	wrdreg $0xFFFFFFFF  }
0xc1: {  	_ =	task.clear_ibuf [dreg:s6], $0x2FFFF;
	_ =	strace $0x9FFFFFFF  }
0xc2: {  	(tm) =	ssettm $0x7FFFFFFF  }
0xc3: {  	_ =	shalt  }
tec
execute0_lowered:
.L_overlay_start_1:
0x0: {  	(tag) =	ssettag $0x1  }
0x1: {  	s7 =	rddreg [dreg:$0x0]  }
0x2: {  	s1 =	rddreg [dreg:$0x1];
	s2 =	simm.s32 $0x0  }
0x3: {  	s6 =	srdreg.scid;
	s0 =	stileid.u32;
	s19 =	simm.s32 $0x3  }
0x4: {  	s20 =	simm.s32 $0x1400;
	s21 =	simm.s32 $0x80;
	s22 =	simm.s32 $0x2800  }
0x5: {  	s23 =	simm.s32 $0x1;
	s24 =	simm.s32 $0x6800;
	s25 =	simm.s32 $0x2  }
0x6: {  	s26 =	simm.s32 $0x1380;
	s28 =	simm.s32 $0x2700;
	s29 =	simm.s32 $0x2780  }
0x7: {  	[smem:$0x7FF] =	sst s2;
	s4 =	sadd.s32 $0x64000, s7;
	s5 =	sadd.s32 $0x8C000, s7  }
0x8: {  	s14 =	sadd.s32 $0x5F000, s7;
	s9 =	sand.u32 $0x1, s6;
	s15 =	sadd.s32 $0x9800, s7  }
0x9: {  	s10 =	smul.u32 $0x50000, s0;
	s6 =	sadd.s32 $0xB4000, s7;
	s7 =	sadd.s32 $0xDC000, s7  }
0xa: {  	s16 =	smul.u32 $0x500, s0;
	_ =	strace $0x8000004D;
	s8 =	ssub.s32 $0x2, s9  }
0xb: {  	p0 =	seq.s32 s9, $0x1;
	s11 =	sshrl.u32 s8, $0x1;
	s10 =	sshrl.u32 s10, $0x2  }
.Ltmp0:
0xc: {  	s12 =	sadd.s32 s14, s16;
	s13 =	sadd.s32 s15, s16;
	(pc) =	sbr.rel .LBB2_1-.Ltmp0, $4  }
0xd: {  	s16 =	sadd.s32 $0x280, s16;
	s11 =	ssub.s32 s8, s11;
	s8 =	smul.u32 $0x2800, s0  }
0xe: {  	s14 =	sadd.s32 s14, s16;
	s15 =	sadd.s32 s15, s16;
	s16 =	sshll.u32 s0, $0x6  }
0xf: {  	s18 =	sadd.s32 s10, s1;
	s11 =	smax.u32 s11, $0x1;
	s17 =	sor.u32 $0x1C03, s16  }
0x10: {  	s18 =	sshrl.u32 s18, $0x3;
	s9 =	sadd.s32 s4, s8;
	s10 =	sadd.s32 s5, s8  }
.LBB2_11:
0x11: {  	[sflag:s19] =	ssyncadd.s32 $0xFFFFC000  }
0x12: {  	_ =	swait.ge [sflag:s23], $0x4000  }
0x13: {  	[sflag:s23] =	ssyncset.done $0x0  }
0x14: {  	[sflag:s23] =	ssyncadd.s32 $0xFFFFC000  }
0x15: {  	[tilespmem:s24], [sflag:$0x2] =	stream.indirect.gather [hbm4b:s5+s21], $0x80, s26, s21, $0xb8;
	[tilespmem:$0x1E800] =	vst v63  }
0x16: {  	_ = 	snop  }
0x17: {  	[spmem:s1] =	stream.indirect.scatter.add.f32 [tilespmem:s22], [sflag:$0x3], $0x80, s28, s21, $0xb8;
	[tilespmem:$0x1E800] =	vst v63  }
0x18: {  	_ =	swait.ge [sflag:s19], $0x4000  }
0x19: {  	[sflag:s19] =	ssyncset.done $0x0  }
0x1a: {  	[sflag:s19] =	ssyncadd.s32 $0xFFFFC000  }
0x1b: {  	_ =	swait.ge [sflag:s25], $0x4000  }
0x1c: {  	[sflag:s25] =	ssyncset.done $0x0  }
0x1d: {  	[sflag:s25] =	ssyncadd.s32 $0xFFFFC000  }
0x1e: {  	[spmem:s1] =	stream.indirect.scatter.add.f32 [tilespmem:s24], [sflag:$0x3], $0x80, s29, s21, $0xb8;
	[tilespmem:$0x1E800] =	vst v63  }
0x1f: {  	_ =	swait.ge [sflag:s19], $0x4000  }
0x20: {  	[sflag:s19] =	ssyncset.done $0x0  }
0x21: {  	s31 =	smov.u32 s7;
	s30 =	smov.u32 s17;
	[sflag:s19] =	ssyncadd.s32 $0xFFFFC000  }
.LBB2_12:
0x22: {  	s2 =	sadd.s32 $0x1, s2  }
0x23: {  	p1 =	sne.s32 s2, s11  }
.Ltmp1:
0x24: {  	s0 =	sadd.s32 s31, s8;
	[bflag:$0x0] =	sbarrier.arrive $0xFFFF;
	(pc) =	sbr.rel @!p1 .LBB2_13-.Ltmp1, $4  }
0x25: {  	[hbm:s0], [sflag:s30] =	dma.local [spmem:s18], $0x2800  }
0x26: {  	_ =	swait.ge [sflag:s19], $0x2800  }
0x27: {  	[sflag:s19] =	ssyncset.done $0x0  }
0x28: {  	[sflag:s19] =	ssyncadd.s32 $0xFFFFD800  }
.LBB2_1:
.Ltmp2:
0x29: {  	(pc) =	sbr.rel @!p0 .LBB2_2-.Ltmp2, $1  }
0x2a: {  	_ =	sdelay $0x3  }
0x2b: {  	[spmem:s18], [sflag:s17] =	dma.local [hbm:s10], $0x2800  }
0x2c: {  	_ =	swait.ge [sflag:s19], $0x2800  }
0x2d: {  	[sflag:s19] =	ssyncset.done $0x0  }
0x2e: {  	[sflag:s19] =	ssyncadd.s32 $0xFFFFD800  }
0x2f: {  	s0 =	simm.s32 $0x0;
	[bflag:$0x0] =	sbarrier.arrive $0xFFFF  }
0x30: {  	[tilespmem:s0], [sflag:$0x3] =	stream.linear.gather [hbm4b:s12+s0], $0x1400, $0x38;
	[tilespmem:$0x1E800] =	vst v63  }
0x31: {  	_ =	swait.ge [sflag:s19], $0x1400  }
0x32: {  	[sflag:s19] =	ssyncset.done $0x0  }
0x33: {  	[sflag:s19] =	ssyncadd.s32 $0xFFFFEC00  }
0x34: {  	[tilespmem:s20], [sflag:$0x3] =	stream.linear.gather [hbm4b:s13+s0], $0x1400, $0x38;
	[tilespmem:$0x1E800] =	vst v63  }
0x35: {  	_ =	swait.ge [sflag:s19], $0x1400  }
0x36: {  	[sflag:s19] =	ssyncset.done $0x0  }
0x37: {  	[sflag:s19] =	ssyncadd.s32 $0xFFFFEC00  }
0x38: {  	[tilespmem:s22], [sflag:$0x1] =	stream.indirect.gather [hbm4b:s5+s21], $0x80, s0, s21, $0xb8;
	[tilespmem:$0x1E800] =	vst v63  }
0x39: {  	_ =	swait.ge [sflag:s23], $0x4000  }
0x3a: {  	[sflag:s23] =	ssyncset.done $0x0  }
0x3b: {  	s3 =	simm.s32 $0x80;
	[sflag:s23] =	ssyncadd.s32 $0xFFFFC000  }
0x3c: {  	[tilespmem:s24], [sflag:$0x2] =	stream.indirect.gather [hbm4b:s5+s21], $0x80, s3, s21, $0xb8;
	[tilespmem:$0x1E800] =	vst v63  }
0x3d: {  	s31 =	simm.s32 $0x1400  }
0x3e: {  	[spmem:s1] =	stream.indirect.scatter.add.f32 [tilespmem:s22], [sflag:$0x3], $0x80, s31, s21, $0xb8;
	[tilespmem:$0x1E800] =	vst v63  }
0x3f: {  	_ =	swait.ge [sflag:s19], $0x4000  }
0x40: {  	[sflag:s19] =	ssyncset.done $0x0  }
0x41: {  	[sflag:s19] =	ssyncadd.s32 $0xFFFFC000  }
0x42: {  	_ =	swait.ge [sflag:s25], $0x4000  }
0x43: {  	[sflag:s25] =	ssyncset.done $0x0  }
0x44: {  	s3 =	simm.s32 $0x100;
	[sflag:s25] =	ssyncadd.s32 $0xFFFFC000  }
0x45: {  	[tilespmem:s22], [sflag:$0x1] =	stream.indirect.gather [hbm4b:s5+s21], $0x80, s3, s21, $0xb8;
	[tilespmem:$0x1E800] =	vst v63  }
0x46: {  	s31 =	simm.s32 $0x1480  }
0x47: {  	[spmem:s1] =	stream.indirect.scatter.add.f32 [tilespmem:s24], [sflag:$0x3], $0x80, s31, s21, $0xb8;
	[tilespmem:$0x1E800] =	vst v63  }
0x48: {  	_ =	swait.ge [sflag:s19], $0x4000  }
0x49: {  	s30 =	simm.s32 $0x400;
	[sflag:s19] =	ssyncset.done $0x0  }
.LBB2_8:
0x4a: {  	p1 =	sne.s32 s30, $0x4800  }
0x4b: {  	[sflag:s19] =	ssyncadd.s32 $0xFFFFC000;
	s0 =	smov.u32 s30;
	s30 =	sadd.s32 $0x400, s30  }
0x4c: {  	_ = 	snop  }
0x4d: {  	_ =	swait.ge [sflag:s23], $0x4000  }
0x4e: {  	s0 =	sshra.s32 s0, $0x2;
	[sflag:s23] =	ssyncset.done $0x0  }
0x4f: {  	s3 =	sadd.s32 $0x80, s0;
	[sflag:s23] =	ssyncadd.s32 $0xFFFFC000  }
0x50: {  	[tilespmem:s24], [sflag:$0x2] =	stream.indirect.gather [hbm4b:s5+s21], $0x80, s3, s21, $0xb8;
	[tilespmem:$0x1E800] =	vst v63  }
0x51: {  	s3 =	sadd.s32 $0x1400, s0  }
0x52: {  	[spmem:s1] =	stream.indirect.scatter.add.f32 [tilespmem:s22], [sflag:$0x3], $0x80, s3, s21, $0xb8;
	[tilespmem:$0x1E800] =	vst v63  }
0x53: {  	_ =	swait.ge [sflag:s19], $0x4000  }
0x54: {  	[sflag:s19] =	ssyncset.done $0x0  }
0x55: {  	[sflag:s19] =	ssyncadd.s32 $0xFFFFC000  }
0x56: {  	_ =	swait.ge [sflag:s25], $0x4000  }
0x57: {  	[sflag:s25] =	ssyncset.done $0x0  }
0x58: {  	s3 =	sadd.s32 $0x100, s0;
	[sflag:s25] =	ssyncadd.s32 $0xFFFFC000  }
0x59: {  	[tilespmem:s22], [sflag:$0x1] =	stream.indirect.gather [hbm4b:s5+s21], $0x80, s3, s21, $0xb8;
	[tilespmem:$0x1E800] =	vst v63  }
.Ltmp3:
0x5a: {  	_ = 	snop;
	(pc) =	sbr.rel @p1 .LBB2_8-.Ltmp3, $4  }
0x5b: {  	s0 =	sadd.s32 $0x1480, s0  }
0x5c: {  	[spmem:s1] =	stream.indirect.scatter.add.f32 [tilespmem:s24], [sflag:$0x3], $0x80, s0, s21, $0xb8;
	[tilespmem:$0x1E800] =	vst v63  }
0x5d: {  	_ =	swait.ge [sflag:s19], $0x4000  }
0x5e: {  	[sflag:s19] =	ssyncset.done $0x0  }
0x5f: {  	[sflag:s19] =	ssyncadd.s32 $0xFFFFC000  }
0x60: {  	_ =	swait.ge [sflag:s23], $0x4000  }
0x61: {  	[sflag:s23] =	ssyncset.done $0x0  }
0x62: {  	[sflag:s23] =	ssyncadd.s32 $0xFFFFC000  }
0x63: {  	[tilespmem:s24], [sflag:$0x2] =	stream.indirect.gather [hbm4b:s5+s21], $0x80, s26, s21, $0xb8;
	[tilespmem:$0x1E800] =	vst v63  }
0x64: {  	_ = 	snop  }
0x65: {  	[spmem:s1] =	stream.indirect.scatter.add.f32 [tilespmem:s22], [sflag:$0x3], $0x80, s28, s21, $0xb8;
	[tilespmem:$0x1E800] =	vst v63  }
0x66: {  	_ =	swait.ge [sflag:s19], $0x4000  }
0x67: {  	[sflag:s19] =	ssyncset.done $0x0  }
0x68: {  	[sflag:s19] =	ssyncadd.s32 $0xFFFFC000  }
0x69: {  	_ =	swait.ge [sflag:s25], $0x4000  }
0x6a: {  	[sflag:s25] =	ssyncset.done $0x0  }
0x6b: {  	[sflag:s25] =	ssyncadd.s32 $0xFFFFC000  }
0x6c: {  	[spmem:s1] =	stream.indirect.scatter.add.f32 [tilespmem:s24], [sflag:$0x3], $0x80, s29, s21, $0xb8;
	[tilespmem:$0x1E800] =	vst v63  }
0x6d: {  	_ =	swait.ge [sflag:s19], $0x4000  }
0x6e: {  	[sflag:s19] =	ssyncset.done $0x0  }
0x6f: {  	s0 =	simm.s32 $0x0;
	[sflag:s19] =	ssyncadd.s32 $0xFFFFC000  }
0x70: {  	[tilespmem:s0], [sflag:$0x3] =	stream.linear.gather [hbm4b:s14+s0], $0x1400, $0x38;
	[tilespmem:$0x1E800] =	vst v63  }
0x71: {  	_ =	swait.ge [sflag:s19], $0x1400  }
0x72: {  	[sflag:s19] =	ssyncset.done $0x0  }
0x73: {  	[sflag:s19] =	ssyncadd.s32 $0xFFFFEC00  }
0x74: {  	[tilespmem:s20], [sflag:$0x3] =	stream.linear.gather [hbm4b:s15+s0], $0x1400, $0x38;
	[tilespmem:$0x1E800] =	vst v63  }
0x75: {  	_ =	swait.ge [sflag:s19], $0x1400  }
0x76: {  	[sflag:s19] =	ssyncset.done $0x0  }
0x77: {  	[sflag:s19] =	ssyncadd.s32 $0xFFFFEC00  }
0x78: {  	[tilespmem:s22], [sflag:$0x1] =	stream.indirect.gather [hbm4b:s5+s21], $0x80, s0, s21, $0xb8;
	[tilespmem:$0x1E800] =	vst v63  }
0x79: {  	_ =	swait.ge [sflag:s23], $0x4000  }
0x7a: {  	[sflag:s23] =	ssyncset.done $0x0  }
0x7b: {  	s3 =	simm.s32 $0x80;
	[sflag:s23] =	ssyncadd.s32 $0xFFFFC000  }
0x7c: {  	[tilespmem:s24], [sflag:$0x2] =	stream.indirect.gather [hbm4b:s5+s21], $0x80, s3, s21, $0xb8;
	[tilespmem:$0x1E800] =	vst v63  }
0x7d: {  	s31 =	simm.s32 $0x1400  }
0x7e: {  	[spmem:s1] =	stream.indirect.scatter.add.f32 [tilespmem:s22], [sflag:$0x3], $0x80, s31, s21, $0xb8;
	[tilespmem:$0x1E800] =	vst v63  }
0x7f: {  	_ =	swait.ge [sflag:s19], $0x4000  }
0x80: {  	[sflag:s19] =	ssyncset.done $0x0  }
0x81: {  	[sflag:s19] =	ssyncadd.s32 $0xFFFFC000  }
0x82: {  	_ =	swait.ge [sflag:s25], $0x4000  }
0x83: {  	[sflag:s25] =	ssyncset.done $0x0  }
0x84: {  	s3 =	simm.s32 $0x100;
	[sflag:s25] =	ssyncadd.s32 $0xFFFFC000  }
0x85: {  	[tilespmem:s22], [sflag:$0x1] =	stream.indirect.gather [hbm4b:s5+s21], $0x80, s3, s21, $0xb8;
	[tilespmem:$0x1E800] =	vst v63  }
0x86: {  	s31 =	simm.s32 $0x1480  }
0x87: {  	[spmem:s1] =	stream.indirect.scatter.add.f32 [tilespmem:s24], [sflag:$0x3], $0x80, s31, s21, $0xb8;
	[tilespmem:$0x1E800] =	vst v63  }
0x88: {  	_ =	swait.ge [sflag:s19], $0x4000  }
0x89: {  	s30 =	simm.s32 $0x400;
	[sflag:s19] =	ssyncset.done $0x0  }
.LBB2_10:
0x8a: {  	p1 =	sne.s32 s30, $0x4800  }
0x8b: {  	[sflag:s19] =	ssyncadd.s32 $0xFFFFC000;
	s0 =	smov.u32 s30;
	s30 =	sadd.s32 $0x400, s30  }
0x8c: {  	_ = 	snop  }
0x8d: {  	_ =	swait.ge [sflag:s23], $0x4000  }
0x8e: {  	s0 =	sshra.s32 s0, $0x2;
	[sflag:s23] =	ssyncset.done $0x0  }
0x8f: {  	s3 =	sadd.s32 $0x80, s0;
	[sflag:s23] =	ssyncadd.s32 $0xFFFFC000  }
0x90: {  	[tilespmem:s24], [sflag:$0x2] =	stream.indirect.gather [hbm4b:s5+s21], $0x80, s3, s21, $0xb8;
	[tilespmem:$0x1E800] =	vst v63  }
0x91: {  	s3 =	sadd.s32 $0x1400, s0  }
0x92: {  	[spmem:s1] =	stream.indirect.scatter.add.f32 [tilespmem:s22], [sflag:$0x3], $0x80, s3, s21, $0xb8;
	[tilespmem:$0x1E800] =	vst v63  }
0x93: {  	_ =	swait.ge [sflag:s19], $0x4000  }
0x94: {  	[sflag:s19] =	ssyncset.done $0x0  }
0x95: {  	[sflag:s19] =	ssyncadd.s32 $0xFFFFC000  }
0x96: {  	_ =	swait.ge [sflag:s25], $0x4000  }
0x97: {  	[sflag:s25] =	ssyncset.done $0x0  }
0x98: {  	s3 =	sadd.s32 $0x100, s0;
	[sflag:s25] =	ssyncadd.s32 $0xFFFFC000  }
0x99: {  	[tilespmem:s22], [sflag:$0x1] =	stream.indirect.gather [hbm4b:s5+s21], $0x80, s3, s21, $0xb8;
	[tilespmem:$0x1E800] =	vst v63  }
.Ltmp4:
0x9a: {  	_ = 	snop;
	(pc) =	sbr.rel @p1 .LBB2_10-.Ltmp4, $4  }
0x9b: {  	s0 =	sadd.s32 $0x1480, s0  }
0x9c: {  	[spmem:s1] =	stream.indirect.scatter.add.f32 [tilespmem:s24], [sflag:$0x3], $0x80, s0, s21, $0xb8;
	[tilespmem:$0x1E800] =	vst v63  }
0x9d: {  	_ =	swait.ge [sflag:s19], $0x4000  }
0x9e: {  	[sflag:s19] =	ssyncset.done $0x0  }
.Ltmp5:
0x9f: {  	_ = 	snop;
	(pc) =	sbr.rel .LBB2_11-.Ltmp5, $1  }
0xa0: {  	_ =	sdelay $0x3  }
.LBB2_2:
0xa1: {  	s30 =	sor.u32 $0x1C03, s16  }
0xa2: {  	[spmem:s18], [sflag:s30] =	dma.local [hbm:s9], $0x2800  }
0xa3: {  	_ =	swait.ge [sflag:s19], $0x2800  }
0xa4: {  	[sflag:s19] =	ssyncset.done $0x0  }
0xa5: {  	[sflag:s19] =	ssyncadd.s32 $0xFFFFD800  }
0xa6: {  	s31 =	simm.s32 $0x0;
	[bflag:$0x0] =	sbarrier.arrive $0xFFFF  }
0xa7: {  	[tilespmem:s31], [sflag:$0x3] =	stream.linear.gather [hbm4b:s12+s31], $0x1400, $0x38;
	[tilespmem:$0x1E800] =	vst v63  }
0xa8: {  	_ =	swait.ge [sflag:s19], $0x1400  }
0xa9: {  	[sflag:s19] =	ssyncset.done $0x0  }
0xaa: {  	[sflag:s19] =	ssyncadd.s32 $0xFFFFEC00  }
0xab: {  	[tilespmem:s20], [sflag:$0x3] =	stream.linear.gather [hbm4b:s13+s31], $0x1400, $0x38;
	[tilespmem:$0x1E800] =	vst v63  }
0xac: {  	_ =	swait.ge [sflag:s19], $0x1400  }
0xad: {  	[sflag:s19] =	ssyncset.done $0x0  }
0xae: {  	[sflag:s19] =	ssyncadd.s32 $0xFFFFEC00  }
0xaf: {  	[tilespmem:s22], [sflag:$0x1] =	stream.indirect.gather [hbm4b:s4+s21], $0x80, s31, s21, $0xb8;
	[tilespmem:$0x1E800] =	vst v63  }
0xb0: {  	_ =	swait.ge [sflag:s23], $0x4000  }
0xb1: {  	[sflag:s23] =	ssyncset.done $0x0  }
0xb2: {  	s31 =	simm.s32 $0x80;
	[sflag:s23] =	ssyncadd.s32 $0xFFFFC000  }
0xb3: {  	[tilespmem:s24], [sflag:$0x2] =	stream.indirect.gather [hbm4b:s4+s21], $0x80, s31, s21, $0xb8;
	[tilespmem:$0x1E800] =	vst v63  }
0xb4: {  	s31 =	simm.s32 $0x1400  }
0xb5: {  	[spmem:s1] =	stream.indirect.scatter.add.f32 [tilespmem:s22], [sflag:$0x3], $0x80, s31, s21, $0xb8;
	[tilespmem:$0x1E800] =	vst v63  }
0xb6: {  	_ =	swait.ge [sflag:s19], $0x4000  }
0xb7: {  	[sflag:s19] =	ssyncset.done $0x0  }
0xb8: {  	[sflag:s19] =	ssyncadd.s32 $0xFFFFC000  }
0xb9: {  	_ =	swait.ge [sflag:s25], $0x4000  }
0xba: {  	[sflag:s25] =	ssyncset.done $0x0  }
0xbb: {  	s31 =	simm.s32 $0x100;
	[sflag:s25] =	ssyncadd.s32 $0xFFFFC000  }
0xbc: {  	[tilespmem:s22], [sflag:$0x1] =	stream.indirect.gather [hbm4b:s4+s21], $0x80, s31, s21, $0xb8;
	[tilespmem:$0x1E800] =	vst v63  }
0xbd: {  	s31 =	simm.s32 $0x1480  }
0xbe: {  	[spmem:s1] =	stream.indirect.scatter.add.f32 [tilespmem:s24], [sflag:$0x3], $0x80, s31, s21, $0xb8;
	[tilespmem:$0x1E800] =	vst v63  }
0xbf: {  	_ =	swait.ge [sflag:s19], $0x4000  }
0xc0: {  	s31 =	simm.s32 $0x400;
	[sflag:s19] =	ssyncset.done $0x0  }
.LBB2_3:
0xc1: {  	p1 =	sne.s32 s31, $0x4800  }
0xc2: {  	[sflag:s19] =	ssyncadd.s32 $0xFFFFC000;
	s0 =	smov.u32 s31;
	s31 =	sadd.s32 $0x400, s31  }
0xc3: {  	_ = 	snop  }
0xc4: {  	_ =	swait.ge [sflag:s23], $0x4000  }
0xc5: {  	s0 =	sshra.s32 s0, $0x2;
	[sflag:s23] =	ssyncset.done $0x0  }
0xc6: {  	s3 =	sadd.s32 $0x80, s0;
	[sflag:s23] =	ssyncadd.s32 $0xFFFFC000  }
0xc7: {  	[tilespmem:s24], [sflag:$0x2] =	stream.indirect.gather [hbm4b:s4+s21], $0x80, s3, s21, $0xb8;
	[tilespmem:$0x1E800] =	vst v63  }
0xc8: {  	s3 =	sadd.s32 $0x1400, s0  }
0xc9: {  	[spmem:s1] =	stream.indirect.scatter.add.f32 [tilespmem:s22], [sflag:$0x3], $0x80, s3, s21, $0xb8;
	[tilespmem:$0x1E800] =	vst v63  }
0xca: {  	_ =	swait.ge [sflag:s19], $0x4000  }
0xcb: {  	[sflag:s19] =	ssyncset.done $0x0  }
0xcc: {  	[sflag:s19] =	ssyncadd.s32 $0xFFFFC000  }
0xcd: {  	_ =	swait.ge [sflag:s25], $0x4000  }
0xce: {  	[sflag:s25] =	ssyncset.done $0x0  }
0xcf: {  	s3 =	sadd.s32 $0x100, s0;
	[sflag:s25] =	ssyncadd.s32 $0xFFFFC000  }
0xd0: {  	[tilespmem:s22], [sflag:$0x1] =	stream.indirect.gather [hbm4b:s4+s21], $0x80, s3, s21, $0xb8;
	[tilespmem:$0x1E800] =	vst v63  }
.Ltmp6:
0xd1: {  	_ = 	snop;
	(pc) =	sbr.rel @p1 .LBB2_3-.Ltmp6, $4  }
0xd2: {  	s0 =	sadd.s32 $0x1480, s0  }
0xd3: {  	[spmem:s1] =	stream.indirect.scatter.add.f32 [tilespmem:s24], [sflag:$0x3], $0x80, s0, s21, $0xb8;
	[tilespmem:$0x1E800] =	vst v63  }
0xd4: {  	_ =	swait.ge [sflag:s19], $0x4000  }
0xd5: {  	[sflag:s19] =	ssyncset.done $0x0  }
0xd6: {  	[sflag:s19] =	ssyncadd.s32 $0xFFFFC000  }
0xd7: {  	_ =	swait.ge [sflag:s23], $0x4000  }
0xd8: {  	[sflag:s23] =	ssyncset.done $0x0  }
0xd9: {  	[sflag:s23] =	ssyncadd.s32 $0xFFFFC000  }
0xda: {  	[tilespmem:s24], [sflag:$0x2] =	stream.indirect.gather [hbm4b:s4+s21], $0x80, s26, s21, $0xb8;
	[tilespmem:$0x1E800] =	vst v63  }
0xdb: {  	_ = 	snop  }
0xdc: {  	[spmem:s1] =	stream.indirect.scatter.add.f32 [tilespmem:s22], [sflag:$0x3], $0x80, s28, s21, $0xb8;
	[tilespmem:$0x1E800] =	vst v63  }
0xdd: {  	_ =	swait.ge [sflag:s19], $0x4000  }
0xde: {  	[sflag:s19] =	ssyncset.done $0x0  }
0xdf: {  	[sflag:s19] =	ssyncadd.s32 $0xFFFFC000  }
0xe0: {  	_ =	swait.ge [sflag:s25], $0x4000  }
0xe1: {  	[sflag:s25] =	ssyncset.done $0x0  }
0xe2: {  	[sflag:s25] =	ssyncadd.s32 $0xFFFFC000  }
0xe3: {  	[spmem:s1] =	stream.indirect.scatter.add.f32 [tilespmem:s24], [sflag:$0x3], $0x80, s29, s21, $0xb8;
	[tilespmem:$0x1E800] =	vst v63  }
0xe4: {  	_ =	swait.ge [sflag:s19], $0x4000  }
0xe5: {  	[sflag:s19] =	ssyncset.done $0x0  }
0xe6: {  	s0 =	simm.s32 $0x0;
	[sflag:s19] =	ssyncadd.s32 $0xFFFFC000  }
0xe7: {  	[tilespmem:s0], [sflag:$0x3] =	stream.linear.gather [hbm4b:s14+s0], $0x1400, $0x38;
	[tilespmem:$0x1E800] =	vst v63  }
0xe8: {  	_ =	swait.ge [sflag:s19], $0x1400  }
0xe9: {  	[sflag:s19] =	ssyncset.done $0x0  }
0xea: {  	[sflag:s19] =	ssyncadd.s32 $0xFFFFEC00  }
0xeb: {  	[tilespmem:s20], [sflag:$0x3] =	stream.linear.gather [hbm4b:s15+s0], $0x1400, $0x38;
	[tilespmem:$0x1E800] =	vst v63  }
0xec: {  	_ =	swait.ge [sflag:s19], $0x1400  }
0xed: {  	[sflag:s19] =	ssyncset.done $0x0  }
0xee: {  	[sflag:s19] =	ssyncadd.s32 $0xFFFFEC00  }
0xef: {  	[tilespmem:s22], [sflag:$0x1] =	stream.indirect.gather [hbm4b:s4+s21], $0x80, s0, s21, $0xb8;
	[tilespmem:$0x1E800] =	vst v63  }
0xf0: {  	_ =	swait.ge [sflag:s23], $0x4000  }
0xf1: {  	[sflag:s23] =	ssyncset.done $0x0  }
0xf2: {  	s3 =	simm.s32 $0x80;
	[sflag:s23] =	ssyncadd.s32 $0xFFFFC000  }
0xf3: {  	[tilespmem:s24], [sflag:$0x2] =	stream.indirect.gather [hbm4b:s4+s21], $0x80, s3, s21, $0xb8;
	[tilespmem:$0x1E800] =	vst v63  }
0xf4: {  	s3 =	simm.s32 $0x1400  }
0xf5: {  	[spmem:s1] =	stream.indirect.scatter.add.f32 [tilespmem:s22], [sflag:$0x3], $0x80, s3, s21, $0xb8;
	[tilespmem:$0x1E800] =	vst v63  }
0xf6: {  	_ =	swait.ge [sflag:s19], $0x4000  }
0xf7: {  	[sflag:s19] =	ssyncset.done $0x0  }
0xf8: {  	[sflag:s19] =	ssyncadd.s32 $0xFFFFC000  }
0xf9: {  	_ =	swait.ge [sflag:s25], $0x4000  }
0xfa: {  	[sflag:s25] =	ssyncset.done $0x0  }
0xfb: {  	s3 =	simm.s32 $0x100;
	[sflag:s25] =	ssyncadd.s32 $0xFFFFC000  }
0xfc: {  	[tilespmem:s22], [sflag:$0x1] =	stream.indirect.gather [hbm4b:s4+s21], $0x80, s3, s21, $0xb8;
	[tilespmem:$0x1E800] =	vst v63  }
0xfd: {  	s3 =	simm.s32 $0x1480  }
0xfe: {  	[spmem:s1] =	stream.indirect.scatter.add.f32 [tilespmem:s24], [sflag:$0x3], $0x80, s3, s21, $0xb8;
	[tilespmem:$0x1E800] =	vst v63  }
0xff: {  	_ =	swait.ge [sflag:s19], $0x4000  }
0x100: {  	s31 =	simm.s32 $0x400;
	[sflag:s19] =	ssyncset.done $0x0  }
.LBB2_5:
0x101: {  	p1 =	sne.s32 s31, $0x4800  }
0x102: {  	[sflag:s19] =	ssyncadd.s32 $0xFFFFC000;
	s0 =	smov.u32 s31;
	s31 =	sadd.s32 $0x400, s31  }
0x103: {  	_ = 	snop  }
0x104: {  	_ =	swait.ge [sflag:s23], $0x4000  }
0x105: {  	s0 =	sshra.s32 s0, $0x2;
	[sflag:s23] =	ssyncset.done $0x0  }
0x106: {  	s3 =	sadd.s32 $0x80, s0;
	[sflag:s23] =	ssyncadd.s32 $0xFFFFC000  }
0x107: {  	[tilespmem:s24], [sflag:$0x2] =	stream.indirect.gather [hbm4b:s4+s21], $0x80, s3, s21, $0xb8;
	[tilespmem:$0x1E800] =	vst v63  }
0x108: {  	s3 =	sadd.s32 $0x1400, s0  }
0x109: {  	[spmem:s1] =	stream.indirect.scatter.add.f32 [tilespmem:s22], [sflag:$0x3], $0x80, s3, s21, $0xb8;
	[tilespmem:$0x1E800] =	vst v63  }
0x10a: {  	_ =	swait.ge [sflag:s19], $0x4000  }
0x10b: {  	[sflag:s19] =	ssyncset.done $0x0  }
0x10c: {  	[sflag:s19] =	ssyncadd.s32 $0xFFFFC000  }
0x10d: {  	_ =	swait.ge [sflag:s25], $0x4000  }
0x10e: {  	[sflag:s25] =	ssyncset.done $0x0  }
0x10f: {  	s3 =	sadd.s32 $0x100, s0;
	[sflag:s25] =	ssyncadd.s32 $0xFFFFC000  }
0x110: {  	[tilespmem:s22], [sflag:$0x1] =	stream.indirect.gather [hbm4b:s4+s21], $0x80, s3, s21, $0xb8;
	[tilespmem:$0x1E800] =	vst v63  }
.Ltmp7:
0x111: {  	_ = 	snop;
	(pc) =	sbr.rel @p1 .LBB2_5-.Ltmp7, $4  }
0x112: {  	s0 =	sadd.s32 $0x1480, s0  }
0x113: {  	[spmem:s1] =	stream.indirect.scatter.add.f32 [tilespmem:s24], [sflag:$0x3], $0x80, s0, s21, $0xb8;
	[tilespmem:$0x1E800] =	vst v63  }
0x114: {  	_ =	swait.ge [sflag:s19], $0x4000  }
0x115: {  	[sflag:s19] =	ssyncset.done $0x0  }
0x116: {  	[sflag:s19] =	ssyncadd.s32 $0xFFFFC000  }
0x117: {  	_ =	swait.ge [sflag:s23], $0x4000  }
0x118: {  	[sflag:s23] =	ssyncset.done $0x0  }
0x119: {  	[sflag:s23] =	ssyncadd.s32 $0xFFFFC000  }
0x11a: {  	[tilespmem:s24], [sflag:$0x2] =	stream.indirect.gather [hbm4b:s4+s21], $0x80, s26, s21, $0xb8;
	[tilespmem:$0x1E800] =	vst v63  }
0x11b: {  	_ = 	snop  }
0x11c: {  	[spmem:s1] =	stream.indirect.scatter.add.f32 [tilespmem:s22], [sflag:$0x3], $0x80, s28, s21, $0xb8;
	[tilespmem:$0x1E800] =	vst v63  }
0x11d: {  	_ =	swait.ge [sflag:s19], $0x4000  }
0x11e: {  	[sflag:s19] =	ssyncset.done $0x0  }
0x11f: {  	[sflag:s19] =	ssyncadd.s32 $0xFFFFC000  }
0x120: {  	_ =	swait.ge [sflag:s25], $0x4000  }
0x121: {  	[sflag:s25] =	ssyncset.done $0x0  }
.Ltmp8:
0x122: {  	[sflag:s25] =	ssyncadd.s32 $0xFFFFC000;
	(pc) =	sbr.rel .LBB2_12-.Ltmp8, $4  }
0x123: {  	[spmem:s1] =	stream.indirect.scatter.add.f32 [tilespmem:s24], [sflag:$0x3], $0x80, s29, s21, $0xb8;
	[tilespmem:$0x1E800] =	vst v63  }
0x124: {  	_ =	swait.ge [sflag:s19], $0x4000  }
0x125: {  	[sflag:s19] =	ssyncset.done $0x0  }
0x126: {  	s31 =	smov.u32 s6;
	[sflag:s19] =	ssyncadd.s32 $0xFFFFC000  }
.LBB2_13:
0x127: {  	_ =	sfence.sel $0x180000  }
0x128: {  	[bflag:$0x0] =	sbarrier.arrive $0xFFFF  }
0x129: {  	_ =	strace $0x9000004D  }
0x12a: {  	s0 =	stileid.u32;
	[bflag:$0x2] =	sbarrier.arrive $0xFFFF  }
0x12b: {  	p0 =	sne.s32 s0, $0x0;
	s0 =	rddreg [dreg:$0x2]  }
0x12c: {  	s0 =	sadd.s32 @!p0 $0x100000, s0  }
0x12d: {  	[sflag:s0] =	ssyncadd.tile.s32 @!p0 $0x1;
	_ =	shalt  }
.Lfunc_end2:
_tile_overlayer_lowered:
.L_overlay_start_2:
0x12e: {  	(tag) =	ssettag $0x2  }
0x12f: {  	s0 =	rddreg [dreg:$0x0];
	s2 =	stileid.u32  }
0x130: {  	s1 =	rddreg [dreg:$0x1];
	p0 =	sne.s32 s2, $0x0  }
0x131: {  	s3 =	rddreg [dreg:$0x2];
	[bflag:$0x3] =	sbarrier.arrive $0xFFFF;
	s2 =	simm.s32 @!p0 $0x1C03  }
0x132: {  	[timem:s3], [sflag:s2] =	dma.local @!p0 [hbm:s0], s1  }
0x133: {  	s0 =	simm.s32 @!p0 $0x3  }
0x134: {  	_ =	swait.ge @!p0 [sflag:s0], s1  }
0x135: {  	s1 =	ssub.s32 @!p0 $0x0, s1;
	[sflag:s0] =	ssyncset.done @!p0 $0x0  }
0x136: {  	[sflag:s0] =	ssyncadd.s32 @!p0 s1  }
0x137: {  	[bflag:$0x3] =	sbarrier.arrive $0xFFFF  }
0x138: {  	_ =	shalt  }

// kernel: kernel.20.cloned.1.call-start
scs
__scs_entry_jumppad:
0x0: {  	(pc) =	sbr.rel $0x88, $3  }
0x1: {  	(tag) =	ssettag $0x0;
	lr =	simm.s32 $0x1  }
0x2: {  	[smem:$0x3F99] =	sst lr;
	_ =	strace $0xD0000000  }
0x3: {  	_ = 	snop  }
0x4: {  	_ = 	snop  }
0x5: {  	_ = 	snop  }
0x6: {  	_ = 	snop  }
0x7: {  	_ = 	snop  }
__scs_overlays_trampoline_lowered:
0x8: {  	[smem:$0x3FA8] =	sst s0  }
0x9: {  	[smem:$0x3FA9] =	sst s1  }
0xa: {  	[smem:$0x3FAA] =	sst s2  }
0xb: {  	[smem:$0x3FAB] =	sst s3  }
0xc: {  	[smem:$0x3FAC] =	sst s4  }
0xd: {  	[smem:$0x3FAD] =	sst s5  }
0xe: {  	[smem:$0x3FAE] =	sst s6  }
0xf: {  	[smem:$0x3FAF] =	sst s7  }
0x10: {  	[smem:$0x3FB0] =	sst s8  }
0x11: {  	[smem:$0x3FB1] =	sst s9;
	s0 =	simm.s32 @!p0 $0x0  }
0x12: {  	s1 =	sld [smem:$0x3F97];
	s0 =	simm.s32 @p0 $0x1  }
0x13: {  	[smem:$0x3FB2] =	sst s0;
	s0 =	simm.s32 @!p1 $0x0  }
0x14: {  	s2 =	sld [smem:$0x3F96];
	s0 =	simm.s32 @p1 $0x1  }
0x15: {  	[smem:$0x3FB3] =	sst s0;
	s0 =	simm.s32 @!p2 $0x0  }
0x16: {  	s3 =	sld [smem:$0x3FDB];
	s0 =	simm.s32 @p2 $0x1  }
0x17: {  	s4 =	simm.s32 $0x1BF5;
	[smem:$0x3FB5] =	sst s0  }
0x18: {  	s0 =	sld [smem:$0x3F98];
	_ =	swait.ge [sflag:s4], $0x0  }
0x19: {  	s7 =	sld [smem:$0x3F99]  }
0x1a: {  	s8 =	sadd.s32 $0xFFFFE003, lr  }
0x1b: {  	s9 =	sadd.s32 $0xFFFFFEF7, lr;
	s5 =	simm.s32 $0xFFFFFFFF;
	p2 =	slt.u32 s8, $0xFFFFF086  }
0x1c: {  	p1 =	slt.u32 s9, $0xF7A;
	s5 =	simm.s32 @!p2 $0x0  }
0x1d: {  	s5 =	simm.s32 @p1 $0x1;
	p0 =	seq.s32 s7, s2  }
0x1e: {  	s7 =	smul.u32 @!p0 $0xF7A, s2;
	p2 =	seq.s32 @!p0 s5, $0x0  }
0x1f: {  	s9 =	smul.u32 $0xF7A, s1;
	s8 =	simm.s32 @!p0 $0x1BF5;
	p2 =	por !p2, p0  }
0x20: {  	[sflag:s8] =	ssyncset.s32 @!p0 $0xFFFFF086;
	s6 =	sadd.s32 @!p0 s3, s7;
	s7 =	simm.s32 @!p0 $0x108  }
0x21: {  	s3 =	sadd.s32 s3, s9;
	s6 =	sadd.s32 @!p0 $0x88, s6;
	s7 =	simm.s32 @p2 $0x1082  }
0x22: {  	[simem:s7], [sflag:s8] =	dma.local @!p0 [hbm:s6], $0xF7A  }
0x23: {  	s9 =	sor.u32 $0xD0000000, s2;
	s6 =	simm.s32 $0x108;
	_ =	swait.ge @!p0 [sflag:s8], $0x0  }
0x24: {  	s3 =	sadd.s32 $0x88, s3;
	s6 =	simm.s32 @!p1 $0x1082;
	[sflag:s4] =	ssyncset.s32 $0xFFFFF086  }
0x25: {  	[simem:s6], [sflag:s4] =	dma.local [hbm:s3], $0xF7A  }
0x26: {  	[smem:$0x3F99] =	sst s1;
	(tag) =	ssettag s2;
	_ =	strace s9  }
0x27: {  	s1 =	sld [smem:$0x3FA9]  }
0x28: {  	s2 =	sld [smem:$0x3FAA]  }
0x29: {  	s4 =	sld [smem:$0x3FAC]  }
0x2a: {  	p0 =	seq.s32 s5, $0x0;
	s5 =	sld [smem:$0x3FAD]  }
0x2b: {  	s6 =	sld [smem:$0x3FAE]  }
0x2c: {  	s7 =	sld [smem:$0x3FAF]  }
0x2d: {  	s3 =	simm.s32 $0x108;
	s8 =	sld [smem:$0x3FB0]  }
0x2e: {  	s3 =	simm.s32 @!p0 $0x1082;
	s9 =	sld [smem:$0x3FB1]  }
0x2f: {  	lr =	sadd.s32 s0, s3;
	s0 =	sld [smem:$0x3FA8]  }
0x30: {  	s3 =	sld [smem:$0x3FAB]  }
0x31: {  	[smem:$0x3FB4] =	sst s10  }
0x32: {  	s10 =	sld [smem:$0x3FB2];
	_ =	sdelay $0x3  }
0x33: {  	p0 =	seq.s32 s10, $0x1;
	s10 =	sld [smem:$0x3FB4];
	_ =	sdelay $0x3  }
0x34: {  	[smem:$0x3FB4] =	sst s10  }
0x35: {  	s10 =	sld [smem:$0x3FB3];
	_ =	sdelay $0x3  }
0x36: {  	p1 =	seq.s32 s10, $0x1;
	s10 =	sld [smem:$0x3FB4];
	_ =	sdelay $0x3  }
0x37: {  	[smem:$0x3FB4] =	sst s10  }
0x38: {  	s10 =	sld [smem:$0x3FB5]  }
0x39: {  	_ = 	snop;
	(pc) =	sbr.ind lr, $3  }
0x3a: {  	_ = 	snop  }
0x3b: {  	_ = 	snop  }
0x3c: {  	p2 =	seq.s32 s10, $0x1;
	s10 =	sld [smem:$0x3FB4]  }
0x3d: {  	_ =	shalt  }
0x3e: {  	_ =	shalt  }
0x3f: {  	_ =	shalt  }
0x40: {  	_ =	shalt  }
0x41: {  	_ =	shalt  }
0x42: {  	_ =	shalt  }
0x43: {  	_ =	shalt  }
0x44: {  	_ =	shalt  }
0x45: {  	_ =	shalt  }
0x46: {  	_ =	shalt  }
0x47: {  	_ =	shalt  }
0x48: {  	_ =	shalt  }
0x49: {  	_ =	shalt  }
0x4a: {  	_ =	shalt  }
0x4b: {  	_ =	shalt  }
0x4c: {  	_ =	shalt  }
0x4d: {  	_ =	shalt  }
0x4e: {  	_ =	shalt  }
0x4f: {  	_ =	shalt  }
0x50: {  	_ =	shalt  }
0x51: {  	_ =	shalt  }
0x52: {  	_ =	shalt  }
0x53: {  	_ =	shalt  }
0x54: {  	_ =	shalt  }
0x55: {  	_ =	shalt  }
0x56: {  	_ =	shalt  }
0x57: {  	_ =	shalt  }
0x58: {  	_ =	shalt  }
0x59: {  	_ =	shalt  }
0x5a: {  	_ =	shalt  }
0x5b: {  	_ =	shalt  }
0x5c: {  	_ =	shalt  }
0x5d: {  	_ =	shalt  }
0x5e: {  	_ =	shalt  }
0x5f: {  	_ =	shalt  }
0x60: {  	_ =	shalt  }
0x61: {  	_ =	shalt  }
0x62: {  	_ =	shalt  }
0x63: {  	_ =	shalt  }
0x64: {  	_ =	shalt  }
0x65: {  	_ =	shalt  }
0x66: {  	_ =	shalt  }
0x67: {  	_ =	shalt  }
0x68: {  	_ =	shalt  }
0x69: {  	_ =	shalt  }
0x6a: {  	_ =	shalt  }
0x6b: {  	_ =	shalt  }
0x6c: {  	_ =	shalt  }
0x6d: {  	_ =	shalt  }
0x6e: {  	_ =	shalt  }
0x6f: {  	_ =	shalt  }
0x70: {  	_ =	shalt  }
0x71: {  	_ =	shalt  }
0x72: {  	_ =	shalt  }
0x73: {  	_ =	shalt  }
0x74: {  	_ =	shalt  }
0x75: {  	_ =	shalt  }
0x76: {  	_ =	shalt  }
0x77: {  	_ =	shalt  }
0x78: {  	_ =	shalt  }
0x79: {  	_ =	shalt  }
0x7a: {  	_ =	shalt  }
0x7b: {  	_ =	shalt  }
0x7c: {  	_ =	shalt  }
0x7d: {  	_ =	shalt  }
0x7e: {  	_ =	shalt  }
0x7f: {  	_ =	shalt  }
0x80: {  	_ =	shalt  }
0x81: {  	_ =	shalt  }
0x82: {  	_ =	shalt  }
0x83: {  	_ =	shalt  }
0x84: {  	_ =	shalt  }
0x85: {  	_ =	shalt  }
0x86: {  	_ =	shalt  }
0x87: {  	_ =	shalt  }
.Lfunc_end0:
.L_simem_size_0:
called_computation.3_lowered:
.L_overlay_start_0:
0x88: {  	s2 =	sld [smem:$0x3FD9]  }
0x89: {  	s3 =	sld [smem:$0x3FFE];
	_ =	sdelay $0x1  }
0x8a: {  	s1 =	srdreg.scid  }
0x8b: {  	s0 =	sand.u32 $0x1, s1  }
0x8c: {  	s16 =	sshll.u32 s0, $0xA;
	s2 =	sadd.s32 s3, s2  }
0x8d: {  	s2 =	sadd.s32 s2, s16  }
0x8e: {  	[smem:$0x3FC0] =	sst s2  }
0x8f: {  	_ = 	snop  }
0x90: {  	(tm) =	ssettm $0x1  }
0x91: {  	s17 =	sld [smem:$0x3FFB];
	_ =	sdelay $0x3  }
0x92: {  	_ =	strace s17  }
0x93: {  	s2 =	sld [smem:$0x3FFC];
	_ =	sdelay $0x3  }
0x94: {  	_ =	strace s2  }
0x95: {  	s2 =	sld [smem:$0x3FFD];
	_ =	sdelay $0x3  }
0x96: {  	_ =	strace s2  }
0x97: {  	_ =	strace $0x8FFFFFFF  }
0x98: {  	s18 =	sld [smem:$0x3FDB];
	_ =	sdelay $0x1  }
0x99: {  	s19 =	simm.s32 $_scs_section_size  }
0x9a: {  	s4 =	simm.s32 $_size__tile_overlayer_lowered;
	s5 =	simm.s32 $_tile_overlayer_lowered  }
0x9b: {  	s22 =	simm.s32 $0x1BFF;
	s21 =	sshll.u32 s5, $0x1;
	s2 =	sadd.s32 s19, s18  }
0x9c: {  	s6 =	simm.s32 $0x0;
	s20 =	sshll.u32 s4, $0x1;
	s4 =	sadd.s32 s21, s2  }
0x9d: {  	[timem:s6], [sflag:s22] =	dma.local [hbm:s4], s20  }
0x9e: {  	_ =	swait.ge [sflag:s22], s20  }
0x9f: {  	s3 =	ssub.s32 $0x0, s20;
	[sflag:s22] =	ssyncset.done $0x0  }
0xa0: {  	[sflag:s22] =	ssyncadd.s32 s3;
	_ =	sdelay $0x1  }
0xa1: {  	s23 =	simm.s32 $0x1B8B  }
0xa2: {  	_ =	swait.ge [sflag:s23], $0x1  }
0xa3: {  	[sflag:s23] =	ssyncset.done $0x0  }
0xa4: {  	s25 =	simm.s32 $0x1B8E;
	s24 =	sld [smem:$0x3FFE];
	[sflag:s23] =	ssyncadd.s32 $0xFFFFFFFF  }
0xa5: {  	s26 =	simm.s32 $execute0_lowered;
	[smem:$0x3FD2] =	sst s25  }
0xa6: {  	s4 =	sshll.u32 s26, $0x1;
	_ =	strace $0x8000004F;
	[dreg:$0x1] =	wrdreg $0xFFFFFFFF  }
0xa7: {  	s28 =	simm.s32 $_size_execute0_lowered;
	s2 =	sadd.s32 s2, s4;
	[dreg:$0x0] =	wrdreg $0x0  }
0xa8: {  	s4 =	sshll.u32 s28, $0x1;
	[dreg:$0x2] =	wrdreg s2  }
0xa9: {  	[dreg:$0x3] =	wrdreg s4  }
0xaa: {  	[dreg:$0x4] =	wrdreg $0xC0  }
0xab: {  	_ =	task [dreg:s6], $0x5FFFF  }
0xac: {  	[dreg:$0x1] =	wrdreg $0xFFFFFFFF  }
0xad: {  	[dreg:$0x0] =	wrdreg $0x60  }
0xae: {  	[dreg:$0x2] =	wrdreg s24  }
0xaf: {  	[dreg:$0x3] =	wrdreg $0xA8000  }
0xb0: {  	[dreg:$0x4] =	wrdreg $0x9  }
0xb1: {  	_ =	task.clear_ibuf [dreg:s6], $0x5FFFF;
	_ =	strace $0x9000004F  }
0xb2: {  	s29 =	simm.s32 $0x9;
	_ =	strace $0x80000051  }
0xb3: {  	_ =	swait.ge [sflag:s29], $0x1  }
0xb4: {  	[sflag:s29] =	ssyncadd.s32 $0xFFFFFFFF  }
0xb5: {  	_ =	strace $0x90000051  }
0xb6: {  	_ =	sfence  }
0xb7: {  	s30 =	sld [smem:$0x0];
	_ =	sdelay $0x2  }
0xb8: {  	s31 =	sshll.u32 s1, $0xD;
	s1 =	sshrl.u32 s1, $0x2  }
0xb9: {  	s3 =	sand.u32 $0x4000, s31;
	s1 =	sadd.s32 s1, s30  }
0xba: {  	s0 =	sor.u32 s3, s0;
	s1 =	sshll.u32 s1, $0x11  }
0xbb: {  	s0 =	sor.u32 s1, s0  }
0xbc: {  	s0 =	sadd.s32 $0x8F2B, s0  }
0xbd: {  	[sflag:s0] =	ssyncadd.remote.s32 $0x1  }
0xbe: {  	_ =	sfence.sel $0xFFFF  }
0xbf: {  	[dreg:$0x0] =	wrdreg $0xFFFFFFFF;
	(pc) =	sbr.abs _section_cstart, $3  }
0xc0: {  	[dreg:$0x1] =	wrdreg $0xFFFFFFFF  }
0xc1: {  	_ =	task.clear_ibuf [dreg:s6], $0x2FFFF;
	_ =	strace $0x9FFFFFFF  }
0xc2: {  	(tm) =	ssettm $0x7FFFFFFF  }
0xc3: {  	_ =	shalt  }
tec
execute0_lowered:
.L_overlay_start_1:
0x0: {  	(tag) =	ssettag $0x1  }
0x1: {  	s0 =	srdreg.scid;
	s7 =	rddreg [dreg:$0x0]  }
0x2: {  	s2 =	rddreg [dreg:$0x1];
	s1 =	stileid.u32;
	s3 =	simm.s32 $0x0  }
0x3: {  	s17 =	simm.s32 $0x3;
	s18 =	simm.s32 $0x1400;
	s19 =	simm.s32 $0x80  }
0x4: {  	s20 =	simm.s32 $0x2800;
	s21 =	simm.s32 $0x1;
	s22 =	simm.s32 $0x6800  }
0x5: {  	s23 =	simm.s32 $0x2;
	s24 =	simm.s32 $0x1380;
	s25 =	simm.s32 $0x2700  }
0x6: {  	s26 =	simm.s32 $0x2780;
	s9 =	sand.u32 $0x1, s0;
	s0 =	rddreg [dreg:$0x2]  }
0x7: {  	[smem:$0x7FF] =	sst s3;
	s5 =	sadd.s32 $0x8C000, s7;
	s8 =	smul.u32 $0x50000, s1  }
0x8: {  	s4 =	sshll.u32 s9, $0x4;
	_ =	strace $0x80000050;
	s10 =	ssub.s32 $0x2, s9  }
0x9: {  	s4 =	sor.u32 s1, s4;
	s13 =	sshrl.u32 s8, $0x2;
	s8 =	smul.u32 $0x2800, s1  }
0xa: {  	p0 =	seq.s32 s9, $0x1;
	s12 =	sshrl.u32 s10, $0x1;
	s6 =	smul.u32 $0x280, s4  }
.Ltmp0:
0xb: {  	s4 =	sadd.s32 $0x64000, s7;
	s14 =	ssub.s32 s10, s12;
	(pc) =	sbr.rel .LBB2_1-.Ltmp0, $4  }
0xc: {  	s16 =	sadd.s32 s13, s2;
	s9 =	sadd.s32 s4, s8;
	s12 =	sadd.s32 s5, s8  }
0xd: {  	s13 =	smax.u32 s14, $0x1;
	s14 =	sshll.u32 s1, $0x6;
	s16 =	sshrl.u32 s16, $0x3  }
0xe: {  	s11 =	sadd.s32 s6, s7;
	s6 =	sadd.s32 $0xB4000, s7;
	s7 =	sadd.s32 $0xDC000, s7  }
0xf: {  	s15 =	sor.u32 $0x1C03, s14;
	s10 =	sadd.s32 $0x5F000, s11;
	s11 =	sadd.s32 $0x9800, s11  }
.LBB2_7:
0x10: {  	[sflag:s17] =	ssyncadd.s32 $0xFFFFC000  }
0x11: {  	_ =	swait.ge [sflag:s21], $0x4000  }
0x12: {  	[sflag:s21] =	ssyncset.done $0x0  }
0x13: {  	s29 =	smov.u32 s7;
	s28 =	smov.u32 s15;
	[sflag:s21] =	ssyncadd.s32 $0xFFFFC000  }
0x14: {  	[tilespmem:s22], [sflag:$0x2] =	stream.indirect.gather [hbm4b:s5+s19], $0x80, s24, s19, $0xb8;
	[tilespmem:$0x1E800] =	vst v63  }
.LBB2_8:
0x15: {  	[spmem:s2] =	stream.indirect.scatter.add.f32 [tilespmem:s20], [sflag:$0x3], $0x80, s25, s19, $0xb8;
	[tilespmem:$0x1E800] =	vst v63  }
0x16: {  	_ =	swait.ge [sflag:s17], $0x4000  }
0x17: {  	[sflag:s17] =	ssyncset.done $0x0  }
0x18: {  	[sflag:s17] =	ssyncadd.s32 $0xFFFFC000  }
0x19: {  	_ =	swait.ge [sflag:s23], $0x4000  }
0x1a: {  	[sflag:s23] =	ssyncset.done $0x0  }
0x1b: {  	[sflag:s23] =	ssyncadd.s32 $0xFFFFC000  }
0x1c: {  	[spmem:s2] =	stream.indirect.scatter.add.f32 [tilespmem:s22], [sflag:$0x3], $0x80, s26, s19, $0xb8;
	[tilespmem:$0x1E800] =	vst v63  }
0x1d: {  	_ =	swait.ge [sflag:s17], $0x4000  }
0x1e: {  	s3 =	sadd.s32 $0x1, s3;
	[sflag:s17] =	ssyncset.done $0x0  }
0x1f: {  	p1 =	sne.s32 s3, s13;
	[sflag:s17] =	ssyncadd.s32 $0xFFFFC000  }
.Ltmp1:
0x20: {  	s29 =	sadd.s32 s29, s8;
	[bflag:$0x0] =	sbarrier.arrive $0xFFFF;
	(pc) =	sbr.rel @!p1 .LBB2_9-.Ltmp1, $4  }
0x21: {  	[hbm:s29], [sflag:s28] =	dma.local [spmem:s16], $0x2800  }
0x22: {  	_ =	swait.ge [sflag:s17], $0x2800  }
0x23: {  	[sflag:s17] =	ssyncset.done $0x0  }
0x24: {  	[sflag:s17] =	ssyncadd.s32 $0xFFFFD800  }
.LBB2_1:
.Ltmp2:
0x25: {  	(pc) =	sbr.rel @!p0 .LBB2_2-.Ltmp2, $1  }
0x26: {  	_ =	sdelay $0x3  }
0x27: {  	[spmem:s16], [sflag:s15] =	dma.local [hbm:s12], $0x2800  }
0x28: {  	_ =	swait.ge [sflag:s17], $0x2800  }
0x29: {  	[sflag:s17] =	ssyncset.done $0x0  }
0x2a: {  	[sflag:s17] =	ssyncadd.s32 $0xFFFFD800  }
0x2b: {  	s28 =	simm.s32 $0x0;
	[bflag:$0x0] =	sbarrier.arrive $0xFFFF  }
0x2c: {  	[tilespmem:s28], [sflag:$0x3] =	stream.linear.gather [hbm4b:s10+s28], $0x1400, $0x38;
	[tilespmem:$0x1E800] =	vst v63  }
0x2d: {  	_ =	swait.ge [sflag:s17], $0x1400  }
0x2e: {  	[sflag:s17] =	ssyncset.done $0x0  }
0x2f: {  	[sflag:s17] =	ssyncadd.s32 $0xFFFFEC00  }
0x30: {  	[tilespmem:s18], [sflag:$0x3] =	stream.linear.gather [hbm4b:s11+s28], $0x1400, $0x38;
	[tilespmem:$0x1E800] =	vst v63  }
0x31: {  	_ =	swait.ge [sflag:s17], $0x1400  }
0x32: {  	[sflag:s17] =	ssyncset.done $0x0  }
0x33: {  	[sflag:s17] =	ssyncadd.s32 $0xFFFFEC00  }
0x34: {  	[tilespmem:s20], [sflag:$0x1] =	stream.indirect.gather [hbm4b:s5+s19], $0x80, s28, s19, $0xb8;
	[tilespmem:$0x1E800] =	vst v63  }
0x35: {  	_ =	swait.ge [sflag:s21], $0x4000  }
0x36: {  	[sflag:s21] =	ssyncset.done $0x0  }
0x37: {  	s28 =	simm.s32 $0x80;
	[sflag:s21] =	ssyncadd.s32 $0xFFFFC000  }
0x38: {  	[tilespmem:s22], [sflag:$0x2] =	stream.indirect.gather [hbm4b:s5+s19], $0x80, s28, s19, $0xb8;
	[tilespmem:$0x1E800] =	vst v63  }
0x39: {  	s28 =	simm.s32 $0x1400  }
0x3a: {  	[spmem:s2] =	stream.indirect.scatter.add.f32 [tilespmem:s20], [sflag:$0x3], $0x80, s28, s19, $0xb8;
	[tilespmem:$0x1E800] =	vst v63  }
0x3b: {  	_ =	swait.ge [sflag:s17], $0x4000  }
0x3c: {  	[sflag:s17] =	ssyncset.done $0x0  }
0x3d: {  	[sflag:s17] =	ssyncadd.s32 $0xFFFFC000  }
0x3e: {  	_ =	swait.ge [sflag:s23], $0x4000  }
0x3f: {  	[sflag:s23] =	ssyncset.done $0x0  }
0x40: {  	s28 =	simm.s32 $0x100;
	[sflag:s23] =	ssyncadd.s32 $0xFFFFC000  }
0x41: {  	[tilespmem:s20], [sflag:$0x1] =	stream.indirect.gather [hbm4b:s5+s19], $0x80, s28, s19, $0xb8;
	[tilespmem:$0x1E800] =	vst v63  }
0x42: {  	s28 =	simm.s32 $0x1480  }
0x43: {  	[spmem:s2] =	stream.indirect.scatter.add.f32 [tilespmem:s22], [sflag:$0x3], $0x80, s28, s19, $0xb8;
	[tilespmem:$0x1E800] =	vst v63  }
0x44: {  	_ =	swait.ge [sflag:s17], $0x4000  }
0x45: {  	s28 =	simm.s32 $0x400;
	[sflag:s17] =	ssyncset.done $0x0  }
.LBB2_6:
0x46: {  	p1 =	sne.s32 s28, $0x4800  }
0x47: {  	[sflag:s17] =	ssyncadd.s32 $0xFFFFC000;
	s29 =	smov.u32 s28;
	s28 =	sadd.s32 $0x400, s28  }
0x48: {  	_ = 	snop  }
0x49: {  	_ =	swait.ge [sflag:s21], $0x4000  }
0x4a: {  	s29 =	sshra.s32 s29, $0x2;
	[sflag:s21] =	ssyncset.done $0x0  }
0x4b: {  	s30 =	sadd.s32 $0x80, s29;
	[sflag:s21] =	ssyncadd.s32 $0xFFFFC000  }
0x4c: {  	[tilespmem:s22], [sflag:$0x2] =	stream.indirect.gather [hbm4b:s5+s19], $0x80, s30, s19, $0xb8;
	[tilespmem:$0x1E800] =	vst v63  }
0x4d: {  	s30 =	sadd.s32 $0x1400, s29  }
0x4e: {  	[spmem:s2] =	stream.indirect.scatter.add.f32 [tilespmem:s20], [sflag:$0x3], $0x80, s30, s19, $0xb8;
	[tilespmem:$0x1E800] =	vst v63  }
0x4f: {  	_ =	swait.ge [sflag:s17], $0x4000  }
0x50: {  	[sflag:s17] =	ssyncset.done $0x0  }
0x51: {  	[sflag:s17] =	ssyncadd.s32 $0xFFFFC000  }
0x52: {  	_ =	swait.ge [sflag:s23], $0x4000  }
0x53: {  	[sflag:s23] =	ssyncset.done $0x0  }
0x54: {  	s30 =	sadd.s32 $0x100, s29;
	[sflag:s23] =	ssyncadd.s32 $0xFFFFC000  }
0x55: {  	[tilespmem:s20], [sflag:$0x1] =	stream.indirect.gather [hbm4b:s5+s19], $0x80, s30, s19, $0xb8;
	[tilespmem:$0x1E800] =	vst v63  }
.Ltmp3:
0x56: {  	_ = 	snop;
	(pc) =	sbr.rel @p1 .LBB2_6-.Ltmp3, $4  }
0x57: {  	s29 =	sadd.s32 $0x1480, s29  }
0x58: {  	[spmem:s2] =	stream.indirect.scatter.add.f32 [tilespmem:s22], [sflag:$0x3], $0x80, s29, s19, $0xb8;
	[tilespmem:$0x1E800] =	vst v63  }
0x59: {  	_ =	swait.ge [sflag:s17], $0x4000  }
0x5a: {  	[sflag:s17] =	ssyncset.done $0x0  }
.Ltmp4:
0x5b: {  	_ = 	snop;
	(pc) =	sbr.rel .LBB2_7-.Ltmp4, $1  }
0x5c: {  	_ =	sdelay $0x3  }
.LBB2_2:
0x5d: {  	s28 =	sor.u32 $0x1C03, s14  }
0x5e: {  	[spmem:s16], [sflag:s28] =	dma.local [hbm:s9], $0x2800  }
0x5f: {  	_ =	swait.ge [sflag:s17], $0x2800  }
0x60: {  	[sflag:s17] =	ssyncset.done $0x0  }
0x61: {  	[sflag:s17] =	ssyncadd.s32 $0xFFFFD800  }
0x62: {  	s29 =	simm.s32 $0x0;
	[bflag:$0x0] =	sbarrier.arrive $0xFFFF  }
0x63: {  	[tilespmem:s29], [sflag:$0x3] =	stream.linear.gather [hbm4b:s10+s29], $0x1400, $0x38;
	[tilespmem:$0x1E800] =	vst v63  }
0x64: {  	_ =	swait.ge [sflag:s17], $0x1400  }
0x65: {  	[sflag:s17] =	ssyncset.done $0x0  }
0x66: {  	[sflag:s17] =	ssyncadd.s32 $0xFFFFEC00  }
0x67: {  	[tilespmem:s18], [sflag:$0x3] =	stream.linear.gather [hbm4b:s11+s29], $0x1400, $0x38;
	[tilespmem:$0x1E800] =	vst v63  }
0x68: {  	_ =	swait.ge [sflag:s17], $0x1400  }
0x69: {  	[sflag:s17] =	ssyncset.done $0x0  }
0x6a: {  	[sflag:s17] =	ssyncadd.s32 $0xFFFFEC00  }
0x6b: {  	[tilespmem:s20], [sflag:$0x1] =	stream.indirect.gather [hbm4b:s4+s19], $0x80, s29, s19, $0xb8;
	[tilespmem:$0x1E800] =	vst v63  }
0x6c: {  	_ =	swait.ge [sflag:s21], $0x4000  }
0x6d: {  	[sflag:s21] =	ssyncset.done $0x0  }
0x6e: {  	s29 =	simm.s32 $0x80;
	[sflag:s21] =	ssyncadd.s32 $0xFFFFC000  }
0x6f: {  	[tilespmem:s22], [sflag:$0x2] =	stream.indirect.gather [hbm4b:s4+s19], $0x80, s29, s19, $0xb8;
	[tilespmem:$0x1E800] =	vst v63  }
0x70: {  	s29 =	simm.s32 $0x1400  }
0x71: {  	[spmem:s2] =	stream.indirect.scatter.add.f32 [tilespmem:s20], [sflag:$0x3], $0x80, s29, s19, $0xb8;
	[tilespmem:$0x1E800] =	vst v63  }
0x72: {  	_ =	swait.ge [sflag:s17], $0x4000  }
0x73: {  	[sflag:s17] =	ssyncset.done $0x0  }
0x74: {  	[sflag:s17] =	ssyncadd.s32 $0xFFFFC000  }
0x75: {  	_ =	swait.ge [sflag:s23], $0x4000  }
0x76: {  	[sflag:s23] =	ssyncset.done $0x0  }
0x77: {  	s29 =	simm.s32 $0x100;
	[sflag:s23] =	ssyncadd.s32 $0xFFFFC000  }
0x78: {  	[tilespmem:s20], [sflag:$0x1] =	stream.indirect.gather [hbm4b:s4+s19], $0x80, s29, s19, $0xb8;
	[tilespmem:$0x1E800] =	vst v63  }
0x79: {  	s29 =	simm.s32 $0x1480  }
0x7a: {  	[spmem:s2] =	stream.indirect.scatter.add.f32 [tilespmem:s22], [sflag:$0x3], $0x80, s29, s19, $0xb8;
	[tilespmem:$0x1E800] =	vst v63  }
0x7b: {  	_ =	swait.ge [sflag:s17], $0x4000  }
0x7c: {  	s29 =	simm.s32 $0x400;
	[sflag:s17] =	ssyncset.done $0x0  }
.LBB2_3:
0x7d: {  	p1 =	sne.s32 s29, $0x4800  }
0x7e: {  	[sflag:s17] =	ssyncadd.s32 $0xFFFFC000;
	s30 =	smov.u32 s29;
	s29 =	sadd.s32 $0x400, s29  }
0x7f: {  	_ = 	snop  }
0x80: {  	_ =	swait.ge [sflag:s21], $0x4000  }
0x81: {  	s30 =	sshra.s32 s30, $0x2;
	[sflag:s21] =	ssyncset.done $0x0  }
0x82: {  	s31 =	sadd.s32 $0x80, s30;
	[sflag:s21] =	ssyncadd.s32 $0xFFFFC000  }
0x83: {  	[tilespmem:s22], [sflag:$0x2] =	stream.indirect.gather [hbm4b:s4+s19], $0x80, s31, s19, $0xb8;
	[tilespmem:$0x1E800] =	vst v63  }
0x84: {  	s31 =	sadd.s32 $0x1400, s30  }
0x85: {  	[spmem:s2] =	stream.indirect.scatter.add.f32 [tilespmem:s20], [sflag:$0x3], $0x80, s31, s19, $0xb8;
	[tilespmem:$0x1E800] =	vst v63  }
0x86: {  	_ =	swait.ge [sflag:s17], $0x4000  }
0x87: {  	[sflag:s17] =	ssyncset.done $0x0  }
0x88: {  	[sflag:s17] =	ssyncadd.s32 $0xFFFFC000  }
0x89: {  	_ =	swait.ge [sflag:s23], $0x4000  }
0x8a: {  	[sflag:s23] =	ssyncset.done $0x0  }
0x8b: {  	s31 =	sadd.s32 $0x100, s30;
	[sflag:s23] =	ssyncadd.s32 $0xFFFFC000  }
0x8c: {  	[tilespmem:s20], [sflag:$0x1] =	stream.indirect.gather [hbm4b:s4+s19], $0x80, s31, s19, $0xb8;
	[tilespmem:$0x1E800] =	vst v63  }
.Ltmp5:
0x8d: {  	_ = 	snop;
	(pc) =	sbr.rel @p1 .LBB2_3-.Ltmp5, $4  }
0x8e: {  	s30 =	sadd.s32 $0x1480, s30  }
0x8f: {  	[spmem:s2] =	stream.indirect.scatter.add.f32 [tilespmem:s22], [sflag:$0x3], $0x80, s30, s19, $0xb8;
	[tilespmem:$0x1E800] =	vst v63  }
0x90: {  	_ =	swait.ge [sflag:s17], $0x4000  }
0x91: {  	[sflag:s17] =	ssyncset.done $0x0  }
.Ltmp6:
0x92: {  	[sflag:s17] =	ssyncadd.s32 $0xFFFFC000;
	(pc) =	sbr.rel .LBB2_8-.Ltmp6, $4  }
0x93: {  	_ =	swait.ge [sflag:s21], $0x4000  }
0x94: {  	[sflag:s21] =	ssyncset.done $0x0  }
0x95: {  	s29 =	smov.u32 s6;
	[sflag:s21] =	ssyncadd.s32 $0xFFFFC000  }
0x96: {  	[tilespmem:s22], [sflag:$0x2] =	stream.indirect.gather [hbm4b:s4+s19], $0x80, s24, s19, $0xb8;
	[tilespmem:$0x1E800] =	vst v63  }
.LBB2_9:
0x97: {  	_ =	sfence.sel $0x180000  }
0x98: {  	[bflag:$0x0] =	sbarrier.arrive $0xFFFF  }
0x99: {  	p0 =	sne.s32 s1, $0x0;
	_ =	strace $0x90000050  }
0x9a: {  	s0 =	sadd.s32 @!p0 $0x100000, s0;
	[bflag:$0x2] =	sbarrier.arrive $0xFFFF  }
0x9b: {  	[sflag:s0] =	ssyncadd.tile.s32 @!p0 $0x1;
	_ =	shalt  }
.Lfunc_end2:
_tile_overlayer_lowered:
.L_overlay_start_2:
0x9c: {  	(tag) =	ssettag $0x2  }
0x9d: {  	s0 =	rddreg [dreg:$0x0];
	s2 =	stileid.u32  }
0x9e: {  	s1 =	rddreg [dreg:$0x1];
	p0 =	sne.s32 s2, $0x0  }
0x9f: {  	s3 =	rddreg [dreg:$0x2];
	[bflag:$0x3] =	sbarrier.arrive $0xFFFF;
	s2 =	simm.s32 @!p0 $0x1C03  }
0xa0: {  	[timem:s3], [sflag:s2] =	dma.local @!p0 [hbm:s0], s1  }
0xa1: {  	s0 =	simm.s32 @!p0 $0x3  }
0xa2: {  	_ =	swait.ge @!p0 [sflag:s0], s1  }
0xa3: {  	s1 =	ssub.s32 @!p0 $0x0, s1;
	[sflag:s0] =	ssyncset.done @!p0 $0x0  }
0xa4: {  	[sflag:s0] =	ssyncadd.s32 @!p0 s1  }
0xa5: {  	[bflag:$0x3] =	sbarrier.arrive $0xFFFF  }
0xa6: {  	_ =	shalt  }

</sc_bundles>
